<compile_context>
chip_gen: v7x
topology: tpu7x:2x2x1
jax: 0.10.2.dev20260603
libtpu: 0.0.44.dev20260713+nightly
codegen_flags: <defaults>
</compile_context>

<pallas_src>
import jax
import jax.numpy as jnp
from jax import lax
from jax.experimental import pallas as pl
from jax.experimental.pallas import tpu as pltpu
from jax.experimental.pallas import tpu_sc as plsc

N = 10000
E = 160000
D = 256
DH = 128

NC = 2
NS = 16
NW = NC * NS

K = 128
EPW = 5120
NCHUNK = EPW // K
E_PAD = NW * EPW
N_ACC = 10240
RPT = N_ACC // NS
TRASH = N_ACC - 8
DW = 16
NBUF = 2

_mesh = plsc.VectorSubcoreMesh(core_axis_name="c", subcore_axis_name="s")


def _deg_body(idx3_hbm, out_hbm, ones_v, ibuf_v, zbuf_v, acc, sem):
    c = lax.axis_index("c")
    s = lax.axis_index("s")
    wid = c * NS + s

    @pl.loop(0, K)
    def _(i):
        ones_v[i, :] = jnp.ones((DW,), jnp.float32)

    @pl.loop(0, K)
    def _(i):
        zbuf_v[i, :] = jnp.zeros((DW,), jnp.float32)

    pltpu.sync_copy(idx3_hbm.at[wid], ibuf_v)

    for j in range(RPT // K):
        pltpu.sync_copy(zbuf_v, acc.at[pl.ds(s * RPT + j * K, K)])
    plsc.subcore_barrier()

    descs = []
    for i in range(NCHUNK):
        descs.append(
            pltpu.async_copy(ones_v, acc.at[ibuf_v.at[2 * i + 1]], sem,
                             add=True))
    for d in descs:
        d.wait()

    plsc.subcore_barrier()
    pltpu.sync_copy(acc.at[pl.ds(s * RPT, RPT)],
                    out_hbm.at[c, pl.ds(s * RPT, RPT)])


def _deg_call(idx3):
    f = pl.kernel(
        _deg_body,
        out_type=jax.ShapeDtypeStruct((NC, N_ACC, DW), jnp.float32),
        mesh=_mesh,
        scratch_types=[
            pltpu.VMEM((K, DW), jnp.float32),
            pltpu.VMEM((2 * NCHUNK, K), jnp.int32),
            pltpu.VMEM((K, DW), jnp.float32),
            pltpu.VMEM_SHARED((N_ACC, DW), jnp.float32),
            pltpu.SemaphoreType.DMA,
        ],
    )
    return f(idx3)


def _mm_body(degp_ref, x_ref, w_ref, ylo_ref, yhi_ref, dinv_ref):
    dp = degp_ref[...]
    deg = dp[0, :, 0:1] + dp[1, :, 0:1] + 1.0
    dinv = lax.rsqrt(deg)
    xw = jnp.dot(x_ref[...], w_ref[...], preferred_element_type=jnp.float32)
    y = xw * dinv
    ylo_ref[...] = y[:, :DH]
    yhi_ref[...] = y[:, DH:]
    dinv_ref[...] = dinv


def _mm_call(degp, x, W):
    BN = 1000
    grid = (N // BN,)
    return pl.pallas_call(
        _mm_body,
        grid=grid,
        in_specs=[
            pl.BlockSpec((NC, BN, DW), lambda i: (0, i, 0)),
            pl.BlockSpec((BN, D), lambda i: (i, 0)),
            pl.BlockSpec((D, D), lambda i: (0, 0)),
        ],
        out_specs=[
            pl.BlockSpec((BN, DH), lambda i: (i, 0)),
            pl.BlockSpec((BN, DH), lambda i: (i, 0)),
            pl.BlockSpec((BN, 1), lambda i: (i, 0)),
        ],
        out_shape=[
            jax.ShapeDtypeStruct((N, DH), jnp.float32),
            jax.ShapeDtypeStruct((N, DH), jnp.float32),
            jax.ShapeDtypeStruct((N, 1), jnp.float32),
        ],
    )(degp, x, W)


def _agg_body(ylo_hbm, yhi_hbm, idx3_hbm, zeros_hbm, out_hbm,
              ibuf_v, r0, r1,
              acc, g0, g1, s0, s1):
    c = lax.axis_index("c")
    s = lax.axis_index("s")
    wid = c * NS + s
    rows = (r0, r1)
    gsem = (g0, g1)
    ssem = (s0, s1)

    pltpu.sync_copy(idx3_hbm.at[wid], ibuf_v)

    for h, y_hbm in enumerate((ylo_hbm, yhi_hbm)):
        pltpu.sync_copy(zeros_hbm, rows[0])
        for j in range(RPT // K):
            pltpu.sync_copy(rows[0], acc.at[pl.ds(s * RPT + j * K, K)])
        plsc.subcore_barrier()

        def wait_g(i, b):
            pltpu.make_async_copy(
                y_hbm.at[ibuf_v.at[2 * i]], rows[b], gsem[b]).wait()

        def fire_s(i, b):
            pltpu.async_copy(
                rows[b], acc.at[ibuf_v.at[2 * i + 1]], ssem[b], add=True)

        def wait_s(i, b):
            pltpu.make_async_copy(
                rows[b], acc.at[ibuf_v.at[2 * i + 1]], ssem[b]).wait()

        def fire_g(i, b):
            pltpu.async_copy(y_hbm.at[ibuf_v.at[2 * i]], rows[b], gsem[b])

        fire_g(0, 0)
        wait_g(0, 0)
        fire_s(0, 0)
        fire_g(1, 1)

        @pl.loop(0, NCHUNK // 2 - 1)
        def _(g):
            i0 = 2 * g + 1
            wait_g(i0, 1)
            fire_s(i0, 1)
            wait_s(i0 - 1, 0)
            fire_g(i0 + 1, 0)
            i1 = i0 + 1
            wait_g(i1, 0)
            fire_s(i1, 0)
            wait_s(i1 - 1, 1)
            fire_g(i1 + 1, 1)

        wait_g(NCHUNK - 1, 1)
        fire_s(NCHUNK - 1, 1)
        wait_s(NCHUNK - 2, 0)
        wait_s(NCHUNK - 1, 1)

        plsc.subcore_barrier()
        pltpu.sync_copy(acc.at[pl.ds(s * RPT, RPT)],
                        out_hbm.at[h, c, pl.ds(s * RPT, RPT)])
        if h == 0:
            plsc.subcore_barrier()


def _agg_call(ylo, yhi, idx3, zeros):
    f = pl.kernel(
        _agg_body,
        out_type=jax.ShapeDtypeStruct((2, NC, N_ACC, DH), jnp.float32),
        mesh=_mesh,
        scratch_types=(
            [pltpu.VMEM((2 * NCHUNK, K), jnp.int32)] +
            [pltpu.VMEM((K, DH), jnp.float32)] * NBUF +
            [pltpu.VMEM_SHARED((N_ACC, DH), jnp.float32)] +
            [pltpu.SemaphoreType.DMA] * (2 * NBUF)
        ),
    )
    return f(ylo, yhi, idx3, zeros)


def _fin_body(s_ref, ylo_ref, yhi_ref, dinv_ref, b_ref, out_ref):
    sr = s_ref[...]
    lo = sr[0, 0] + sr[0, 1] + ylo_ref[...]
    hi = sr[1, 0] + sr[1, 1] + yhi_ref[...]
    t = jnp.concatenate([lo, hi], axis=1)
    out = t * dinv_ref[...] + b_ref[...]
    out_ref[...] = jnp.maximum(out, 0.0)


def _fin_call(sagg, ylo, yhi, dinv, b2):
    BN = 1000
    grid = (N // BN,)
    return pl.pallas_call(
        _fin_body,
        grid=grid,
        in_specs=[
            pl.BlockSpec((2, NC, BN, DH), lambda i: (0, 0, i, 0)),
            pl.BlockSpec((BN, DH), lambda i: (i, 0)),
            pl.BlockSpec((BN, DH), lambda i: (i, 0)),
            pl.BlockSpec((BN, 1), lambda i: (i, 0)),
            pl.BlockSpec((1, D), lambda i: (0, 0)),
        ],
        out_specs=pl.BlockSpec((BN, D), lambda i: (i, 0)),
        out_shape=jax.ShapeDtypeStruct((N, D), jnp.float32),
    )(sagg, ylo, yhi, dinv, b2)


@jax.jit
def kernel(x, edge_index, W, b):
    src = edge_index[0]
    dst = edge_index[1]
    pad = E_PAD - E
    srcp = jnp.concatenate([src, jnp.zeros((pad,), jnp.int32)])
    dstp = jnp.concatenate([dst, jnp.full((pad,), TRASH, jnp.int32)])
    idx3 = jnp.stack(
        [srcp.reshape(NW, NCHUNK, K), dstp.reshape(NW, NCHUNK, K)], axis=2
    ).reshape(NW, 2 * NCHUNK, K)
    zeros = jnp.zeros((K, DH), jnp.float32)

    degp = _deg_call(idx3)
    ylo, yhi, dinv = _mm_call(degp, x, W)
    sagg = _agg_call(ylo, yhi, idx3, zeros)
    b2 = b.reshape(1, D)
    return _fin_call(sagg, ylo, yhi, dinv, b2)

# --- scband reference (transcript-rebuilt; emitter-appended) ---
"""Pipeline reference for scband-graph-layer-29506425323595 (READ-ONLY COPY).

The authoritative reference and input builder live on the scoring server;
editing this copy changes nothing except your own understanding.
"""

import jax, jax.numpy as jnp
import numpy as np

N_NODES = 10000
N_EDGES = 160000
D_FEAT = 256


def setup_inputs(seed: int = 0) -> dict:
    key = jax.random.key(seed)
    k1, k2, k3 = jax.random.split(key, 3)
    x = jax.random.normal(k1, (N_NODES, D_FEAT), dtype=jnp.float32)
    edge_index = jax.random.randint(k2, (2, N_EDGES), 0, N_NODES, dtype=jnp.int32)
    # learned params of the wrapped GCNConv(in_channels=256, out_channels=256)
    W = jax.random.normal(k3, (D_FEAT, D_FEAT), dtype=jnp.float32) * (1.0 / np.sqrt(D_FEAT))
    b = jnp.zeros((D_FEAT,), dtype=jnp.float32)
    return {"x": x, "edge_index": edge_index, "W": W, "b": b}


def reference(x, edge_index, W, b):
    # GraphLayer.forward with uses_edge_attr=False, batchnorm=None:
    #   data.x = self.graph_net(data.x, data.edge_index)  # GCNConv
    #   data.x = F.relu(data.x)
    n = x.shape[0]
    # GCNConv: linear transform first
    xw = x @ W
    # add self loops
    loop = jnp.arange(n, dtype=edge_index.dtype)
    src = jnp.concatenate([edge_index[0], loop])
    dst = jnp.concatenate([edge_index[1], loop])
    # symmetric normalization D^{-1/2} A D^{-1/2}
    ones = jnp.ones(src.shape[0], dtype=xw.dtype)
    deg = jax.ops.segment_sum(ones, dst, num_segments=n)
    dinv = jnp.where(deg > 0, jax.lax.rsqrt(jnp.maximum(deg, 1e-12)), 0.0)
    norm = dinv[src] * dinv[dst]
    # gather messages from source nodes, scale, scatter-add to destination
    msgs = xw[src] * norm[:, None]
    agg = jax.ops.segment_sum(msgs, dst, num_segments=n)
    out = agg + b
    return jax.nn.relu(out)

if __name__ == "__main__":
    import jax
    _d = setup_inputs()
    print(jax.jit(kernel)(*tuple(_d.values())))

</pallas_src>

<mosaic_0001>
#map = affine_map<(d0, d1) -> (0, 0, 0)>
module attributes {stable_mosaic.version = 14 : i64} {
  func.func @_deg_body(%arg0: i32, %arg1: i32, %arg2: memref<32x80x128xi32, #tpu.memory_space<hbm>>, %arg3: memref<2x10240x16xf32, #tpu.memory_space<hbm>>, %arg4: memref<128x16xf32, #tpu.memory_space<vmem>>, %arg5: memref<80x128xi32, #tpu.memory_space<vmem>>, %arg6: memref<128x16xf32, #tpu.memory_space<vmem>>, %arg7: memref<10240x16xf32, #tpu.memory_space<vmem_shared>>, %arg8: memref<!tpu.dma_semaphore, #tpu.memory_space<semaphore_mem>>) attributes {dimension_semantics = [#tpu.dimension_semantics<core_parallel>, #tpu.dimension_semantics<subcore_parallel>], iteration_bounds = array<i64: 2, 16>, scalar_prefetch = 0 : i64, scratch_operands = 5 : i64, tpu.core_type = #tpu.core_type<sc_vector_subcore>, window_params = [{transform_indices = #map}, {transform_indices = #map}]} {
    %mul3A = arith.constant 16 : i32
    %mul3A_0 = arith.muli %arg0, %mul3A : i32
    %add3A = arith.addi %mul3A_0, %arg1 : i32
    %scan3A = arith.constant 0 : i32
    %scan3A_1 = arith.constant 128 : i32
    %scan3A_2 = arith.addi %scan3A, %scan3A_1 : i32
    %scan3A_3 = arith.constant 1 : i32
    scf.for %scan3A_593 = %scan3A to %scan3A_2 step %scan3A_3  : i32 {
      %mul3A_594 = arith.constant 1 : i32
      %mul3A_595 = arith.muli %scan3A_593, %mul3A_594 : i32
      %add3A_596 = arith.constant 0 : i32
      %add3A_597 = arith.addi %add3A_596, %mul3A_595 : i32
      %broadcast_in_dim3A = arith.constant 1.000000e+00 : f32
      %broadcast_in_dim3A_598 = vector.broadcast %broadcast_in_dim3A : f32 to vector<16xf32>
      %swap3A = arith.index_cast %add3A_597 : i32 to index
      %swap3A_599 = arith.constant 0 : index
      %swap3A_600 = tpu.vector_load %arg4[%swap3A, %swap3A_599] {strides = array<i32>} : memref<128x16xf32, #tpu.memory_space<vmem>>, vector<1x16xf32>,
      %swap3A_601 = vector.shape_cast %swap3A_600 : vector<1x16xf32> to vector<16xf32>
      %swap3A_602 = vector.shape_cast %broadcast_in_dim3A_598 : vector<16xf32> to vector<1x16xf32>
      tpu.vector_store %arg4[%swap3A, %swap3A_599], %swap3A_602 {strides = array<i32>} : memref<128x16xf32, #tpu.memory_space<vmem>>, vector<1x16xf32>,
    }
    %scan3A_4 = arith.constant 128 : i32
    %scan3A_5 = arith.constant 0 : i32
    %scan3A_6 = arith.constant 128 : i32
    %scan3A_7 = arith.addi %scan3A_5, %scan3A_6 : i32
    %scan3A_8 = arith.constant 1 : i32
    scf.for %scan3A_593 = %scan3A_5 to %scan3A_7 step %scan3A_8  : i32 {
      %mul3A_594 = arith.constant 1 : i32
      %mul3A_595 = arith.muli %scan3A_593, %mul3A_594 : i32
      %add3A_596 = arith.constant 0 : i32
      %add3A_597 = arith.addi %add3A_596, %mul3A_595 : i32
      %broadcast_in_dim3A = arith.constant 0.000000e+00 : f32
      %broadcast_in_dim3A_598 = vector.broadcast %broadcast_in_dim3A : f32 to vector<16xf32>
      %swap3A = arith.index_cast %add3A_597 : i32 to index
      %swap3A_599 = arith.constant 0 : index
      %swap3A_600 = tpu.vector_load %arg6[%swap3A, %swap3A_599] {strides = array<i32>} : memref<128x16xf32, #tpu.memory_space<vmem>>, vector<1x16xf32>,
      %swap3A_601 = vector.shape_cast %swap3A_600 : vector<1x16xf32> to vector<16xf32>
      %swap3A_602 = vector.shape_cast %broadcast_in_dim3A_598 : vector<16xf32> to vector<1x16xf32>
      tpu.vector_store %arg6[%swap3A, %swap3A_599], %swap3A_602 {strides = array<i32>} : memref<128x16xf32, #tpu.memory_space<vmem>>, vector<1x16xf32>,
    }
    %scan3A_9 = arith.constant 128 : i32
    "tpu.region"() ({
      %run_scoped3A = tpu.sem_alloc : memref<!tpu.dma_semaphore, #tpu.memory_space<semaphore_mem>>
      %dma_start3A_593 = arith.constant 0 : i32
      %dma_start3A_594 = arith.constant 0 : i32
      %dma_start3A_595 = tpu.memref_slice %arg2[%add3A, %dma_start3A_593, %dma_start3A_594] : memref<32x80x128xi32, #tpu.memory_space<hbm>> -> memref<1x80x128xi32, #tpu.memory_space<hbm>>
      %dma_start3A_596 = tpu.memref_squeeze %dma_start3A_595 : memref<1x80x128xi32, #tpu.memory_space<hbm>> -> memref<80x128xi32, #tpu.memory_space<hbm>>
      %dma_start3A_597 = arith.constant 0 : i32
      %dma_start3A_598 = arith.constant 0 : i32
      %dma_start3A_599 = tpu.memref_slice %arg2[%add3A, %dma_start3A_597, %dma_start3A_598] : memref<32x80x128xi32, #tpu.memory_space<hbm>> -> memref<1x80x128xi32, #tpu.memory_space<hbm>>
      %dma_start3A_600 = tpu.memref_squeeze %dma_start3A_599 : memref<1x80x128xi32, #tpu.memory_space<hbm>> -> memref<80x128xi32, #tpu.memory_space<hbm>>
      tpu.enqueue_dma source(%dma_start3A_600 : memref<80x128xi32, #tpu.memory_space<hbm>>) target(%arg5 : memref<80x128xi32, #tpu.memory_space<vmem>>) target_semaphore(%run_scoped3A : memref<!tpu.dma_semaphore, #tpu.memory_space<semaphore_mem>>)
      %dma_wait3A_601 = arith.constant 0 : i32
      %dma_wait3A_602 = arith.constant 0 : i32
      %dma_wait3A_603 = tpu.memref_slice %arg2[%add3A, %dma_wait3A_601, %dma_wait3A_602] : memref<32x80x128xi32, #tpu.memory_space<hbm>> -> memref<1x80x128xi32, #tpu.memory_space<hbm>>
      %dma_wait3A_604 = tpu.memref_squeeze %dma_wait3A_603 : memref<1x80x128xi32, #tpu.memory_space<hbm>> -> memref<80x128xi32, #tpu.memory_space<hbm>>
      %dma_wait3A_605 = arith.constant 0 : i32
      %dma_wait3A_606 = arith.constant 0 : i32
      %dma_wait3A_607 = tpu.memref_slice %arg2[%add3A, %dma_wait3A_605, %dma_wait3A_606] : memref<32x80x128xi32, #tpu.memory_space<hbm>> -> memref<1x80x128xi32, #tpu.memory_space<hbm>>
      %dma_wait3A_608 = tpu.memref_squeeze %dma_wait3A_607 : memref<1x80x128xi32, #tpu.memory_space<hbm>> -> memref<80x128xi32, #tpu.memory_space<hbm>>
      tpu.wait_dma2 semaphore(%run_scoped3A : memref<!tpu.dma_semaphore, #tpu.memory_space<semaphore_mem>>) src(%dma_wait3A_608 : memref<80x128xi32, #tpu.memory_space<hbm>>) dst(%arg5 : memref<80x128xi32, #tpu.memory_space<vmem>>)
      tpu.yield
    }) : () -> ()
    %mul3A_10 = arith.constant 640 : i32
    %mul3A_11 = arith.muli %arg1, %mul3A_10 : i32
    %add3A_12 = arith.constant 0 : i32
    %add3A_13 = arith.addi %mul3A_11, %add3A_12 : i32
    "tpu.region"() ({
      %run_scoped3A = tpu.sem_alloc : memref<!tpu.dma_semaphore, #tpu.memory_space<semaphore_mem>>
      %dma_start3A_593 = arith.constant 0 : i32
      %dma_start3A_594 = tpu.memref_slice %arg7[%add3A_13, %dma_start3A_593] : memref<10240x16xf32, #tpu.memory_space<vmem_shared>> -> memref<128x16xf32, #tpu.memory_space<vmem_shared>>
      %dma_start3A_595 = arith.constant 0 : i32
      %dma_start3A_596 = tpu.memref_slice %arg7[%add3A_13, %dma_start3A_595] : memref<10240x16xf32, #tpu.memory_space<vmem_shared>> -> memref<128x16xf32, #tpu.memory_space<vmem_shared>>
      tpu.enqueue_dma source(%arg6 : memref<128x16xf32, #tpu.memory_space<vmem>>) target(%dma_start3A_596 : memref<128x16xf32, #tpu.memory_space<vmem_shared>>) target_semaphore(%run_scoped3A : memref<!tpu.dma_semaphore, #tpu.memory_space<semaphore_mem>>)
      %dma_wait3A_597 = arith.constant 0 : i32
      %dma_wait3A_598 = tpu.memref_slice %arg7[%add3A_13, %dma_wait3A_597] : memref<10240x16xf32, #tpu.memory_space<vmem_shared>> -> memref<128x16xf32, #tpu.memory_space<vmem_shared>>
      %dma_wait3A_599 = arith.constant 0 : i32
      %dma_wait3A_600 = tpu.memref_slice %arg7[%add3A_13, %dma_wait3A_599] : memref<10240x16xf32, #tpu.memory_space<vmem_shared>> -> memref<128x16xf32, #tpu.memory_space<vmem_shared>>
      tpu.wait_dma2 semaphore(%run_scoped3A : memref<!tpu.dma_semaphore, #tpu.memory_space<semaphore_mem>>) src(%arg6 : memref<128x16xf32, #tpu.memory_space<vmem>>) dst(%dma_wait3A_600 : memref<128x16xf32, #tpu.memory_space<vmem_shared>>)
      tpu.yield
    }) : () -> ()
    %mul3A_14 = arith.constant 640 : i32
    %mul3A_15 = arith.muli %arg1, %mul3A_14 : i32
    %add3A_16 = arith.constant 128 : i32
    %add3A_17 = arith.addi %mul3A_15, %add3A_16 : i32
    "tpu.region"() ({
      %run_scoped3A = tpu.sem_alloc : memref<!tpu.dma_semaphore, #tpu.memory_space<semaphore_mem>>
      %dma_start3A_593 = arith.constant 0 : i32
      %dma_start3A_594 = tpu.memref_slice %arg7[%add3A_17, %dma_start3A_593] : memref<10240x16xf32, #tpu.memory_space<vmem_shared>> -> memref<128x16xf32, #tpu.memory_space<vmem_shared>>
      %dma_start3A_595 = arith.constant 0 : i32
      %dma_start3A_596 = tpu.memref_slice %arg7[%add3A_17, %dma_start3A_595] : memref<10240x16xf32, #tpu.memory_space<vmem_shared>> -> memref<128x16xf32, #tpu.memory_space<vmem_shared>>
      tpu.enqueue_dma source(%arg6 : memref<128x16xf32, #tpu.memory_space<vmem>>) target(%dma_start3A_596 : memref<128x16xf32, #tpu.memory_space<vmem_shared>>) target_semaphore(%run_scoped3A : memref<!tpu.dma_semaphore, #tpu.memory_space<semaphore_mem>>)
      %dma_wait3A_597 = arith.constant 0 : i32
      %dma_wait3A_598 = tpu.memref_slice %arg7[%add3A_17, %dma_wait3A_597] : memref<10240x16xf32, #tpu.memory_space<vmem_shared>> -> memref<128x16xf32, #tpu.memory_space<vmem_shared>>
      %dma_wait3A_599 = arith.constant 0 : i32
      %dma_wait3A_600 = tpu.memref_slice %arg7[%add3A_17, %dma_wait3A_599] : memref<10240x16xf32, #tpu.memory_space<vmem_shared>> -> memref<128x16xf32, #tpu.memory_space<vmem_shared>>
      tpu.wait_dma2 semaphore(%run_scoped3A : memref<!tpu.dma_semaphore, #tpu.memory_space<semaphore_mem>>) src(%arg6 : memref<128x16xf32, #tpu.memory_space<vmem>>) dst(%dma_wait3A_600 : memref<128x16xf32, #tpu.memory_space<vmem_shared>>)
      tpu.yield
    }) : () -> ()
    %mul3A_18 = arith.constant 640 : i32
    %mul3A_19 = arith.muli %arg1, %mul3A_18 : i32
    %add3A_20 = arith.constant 256 : i32
    %add3A_21 = arith.addi %mul3A_19, %add3A_20 : i32
    "tpu.region"() ({
      %run_scoped3A = tpu.sem_alloc : memref<!tpu.dma_semaphore, #tpu.memory_space<semaphore_mem>>
      %dma_start3A_593 = arith.constant 0 : i32
      %dma_start3A_594 = tpu.memref_slice %arg7[%add3A_21, %dma_start3A_593] : memref<10240x16xf32, #tpu.memory_space<vmem_shared>> -> memref<128x16xf32, #tpu.memory_space<vmem_shared>>
      %dma_start3A_595 = arith.constant 0 : i32
      %dma_start3A_596 = tpu.memref_slice %arg7[%add3A_21, %dma_start3A_595] : memref<10240x16xf32, #tpu.memory_space<vmem_shared>> -> memref<128x16xf32, #tpu.memory_space<vmem_shared>>
      tpu.enqueue_dma source(%arg6 : memref<128x16xf32, #tpu.memory_space<vmem>>) target(%dma_start3A_596 : memref<128x16xf32, #tpu.memory_space<vmem_shared>>) target_semaphore(%run_scoped3A : memref<!tpu.dma_semaphore, #tpu.memory_space<semaphore_mem>>)
      %dma_wait3A_597 = arith.constant 0 : i32
      %dma_wait3A_598 = tpu.memref_slice %arg7[%add3A_21, %dma_wait3A_597] : memref<10240x16xf32, #tpu.memory_space<vmem_shared>> -> memref<128x16xf32, #tpu.memory_space<vmem_shared>>
      %dma_wait3A_599 = arith.constant 0 : i32
      %dma_wait3A_600 = tpu.memref_slice %arg7[%add3A_21, %dma_wait3A_599] : memref<10240x16xf32, #tpu.memory_space<vmem_shared>> -> memref<128x16xf32, #tpu.memory_space<vmem_shared>>
      tpu.wait_dma2 semaphore(%run_scoped3A : memref<!tpu.dma_semaphore, #tpu.memory_space<semaphore_mem>>) src(%arg6 : memref<128x16xf32, #tpu.memory_space<vmem>>) dst(%dma_wait3A_600 : memref<128x16xf32, #tpu.memory_space<vmem_shared>>)
      tpu.yield
    }) : () -> ()
    %mul3A_22 = arith.constant 640 : i32
    %mul3A_23 = arith.muli %arg1, %mul3A_22 : i32
    %add3A_24 = arith.constant 384 : i32
    %add3A_25 = arith.addi %mul3A_23, %add3A_24 : i32
    "tpu.region"() ({
      %run_scoped3A = tpu.sem_alloc : memref<!tpu.dma_semaphore, #tpu.memory_space<semaphore_mem>>
      %dma_start3A_593 = arith.constant 0 : i32
      %dma_start3A_594 = tpu.memref_slice %arg7[%add3A_25, %dma_start3A_593] : memref<10240x16xf32, #tpu.memory_space<vmem_shared>> -> memref<128x16xf32, #tpu.memory_space<vmem_shared>>
      %dma_start3A_595 = arith.constant 0 : i32
      %dma_start3A_596 = tpu.memref_slice %arg7[%add3A_25, %dma_start3A_595] : memref<10240x16xf32, #tpu.memory_space<vmem_shared>> -> memref<128x16xf32, #tpu.memory_space<vmem_shared>>
      tpu.enqueue_dma source(%arg6 : memref<128x16xf32, #tpu.memory_space<vmem>>) target(%dma_start3A_596 : memref<128x16xf32, #tpu.memory_space<vmem_shared>>) target_semaphore(%run_scoped3A : memref<!tpu.dma_semaphore, #tpu.memory_space<semaphore_mem>>)
      %dma_wait3A_597 = arith.constant 0 : i32
      %dma_wait3A_598 = tpu.memref_slice %arg7[%add3A_25, %dma_wait3A_597] : memref<10240x16xf32, #tpu.memory_space<vmem_shared>> -> memref<128x16xf32, #tpu.memory_space<vmem_shared>>
      %dma_wait3A_599 = arith.constant 0 : i32
      %dma_wait3A_600 = tpu.memref_slice %arg7[%add3A_25, %dma_wait3A_599] : memref<10240x16xf32, #tpu.memory_space<vmem_shared>> -> memref<128x16xf32, #tpu.memory_space<vmem_shared>>
      tpu.wait_dma2 semaphore(%run_scoped3A : memref<!tpu.dma_semaphore, #tpu.memory_space<semaphore_mem>>) src(%arg6 : memref<128x16xf32, #tpu.memory_space<vmem>>) dst(%dma_wait3A_600 : memref<128x16xf32, #tpu.memory_space<vmem_shared>>)
      tpu.yield
    }) : () -> ()
    %mul3A_26 = arith.constant 640 : i32
    %mul3A_27 = arith.muli %arg1, %mul3A_26 : i32
    %add3A_28 = arith.constant 512 : i32
    %add3A_29 = arith.addi %mul3A_27, %add3A_28 : i32
    "tpu.region"() ({
      %run_scoped3A = tpu.sem_alloc : memref<!tpu.dma_semaphore, #tpu.memory_space<semaphore_mem>>
      %dma_start3A_593 = arith.constant 0 : i32
      %dma_start3A_594 = tpu.memref_slice %arg7[%add3A_29, %dma_start3A_593] : memref<10240x16xf32, #tpu.memory_space<vmem_shared>> -> memref<128x16xf32, #tpu.memory_space<vmem_shared>>
      %dma_start3A_595 = arith.constant 0 : i32
      %dma_start3A_596 = tpu.memref_slice %arg7[%add3A_29, %dma_start3A_595] : memref<10240x16xf32, #tpu.memory_space<vmem_shared>> -> memref<128x16xf32, #tpu.memory_space<vmem_shared>>
      tpu.enqueue_dma source(%arg6 : memref<128x16xf32, #tpu.memory_space<vmem>>) target(%dma_start3A_596 : memref<128x16xf32, #tpu.memory_space<vmem_shared>>) target_semaphore(%run_scoped3A : memref<!tpu.dma_semaphore, #tpu.memory_space<semaphore_mem>>)
      %dma_wait3A_597 = arith.constant 0 : i32
      %dma_wait3A_598 = tpu.memref_slice %arg7[%add3A_29, %dma_wait3A_597] : memref<10240x16xf32, #tpu.memory_space<vmem_shared>> -> memref<128x16xf32, #tpu.memory_space<vmem_shared>>
      %dma_wait3A_599 = arith.constant 0 : i32
      %dma_wait3A_600 = tpu.memref_slice %arg7[%add3A_29, %dma_wait3A_599] : memref<10240x16xf32, #tpu.memory_space<vmem_shared>> -> memref<128x16xf32, #tpu.memory_space<vmem_shared>>
      tpu.wait_dma2 semaphore(%run_scoped3A : memref<!tpu.dma_semaphore, #tpu.memory_space<semaphore_mem>>) src(%arg6 : memref<128x16xf32, #tpu.memory_space<vmem>>) dst(%dma_wait3A_600 : memref<128x16xf32, #tpu.memory_space<vmem_shared>>)
      tpu.yield
    }) : () -> ()
    %barrier3A = arith.constant 0 : index
    tpu.barrier barrier_id(%barrier3A)
    %dma_start3A = arith.constant 1 : i32
    %dma_start3A_30 = arith.constant 0 : i32
    %dma_start3A_31 = tpu.memref_slice %arg5[%dma_start3A, %dma_start3A_30] : memref<80x128xi32, #tpu.memory_space<vmem>> -> memref<1x128xi32, #tpu.memory_space<vmem>>
    %dma_start3A_32 = tpu.memref_squeeze %dma_start3A_31 : memref<1x128xi32, #tpu.memory_space<vmem>> -> memref<128xi32, #tpu.memory_space<vmem>>
    %dma_start3A_33 = arith.constant 0 : i32
    %dma_start3A_34 = arith.constant 0 : i32
    %dma_start3A_35 = tpu.memref_slice %arg7[%dma_start3A_33, %dma_start3A_34] : memref<10240x16xf32, #tpu.memory_space<vmem_shared>> -> memref<10240x16xf32, #tpu.memory_space<vmem_shared>>
    tpu.enqueue_indirect_dma source(%arg4 : memref<128x16xf32, #tpu.memory_space<vmem>>) target(%dma_start3A_35 : memref<10240x16xf32, #tpu.memory_space<vmem_shared>>) offsets(%dma_start3A_32 : memref<128xi32, #tpu.memory_space<vmem>>) semaphore(%arg8 : memref<!tpu.dma_semaphore, #tpu.memory_space<semaphore_mem>>) {add = true}
    %dma_start3A_36 = arith.constant 3 : i32
    %dma_start3A_37 = arith.constant 0 : i32
    %dma_start3A_38 = tpu.memref_slice %arg5[%dma_start3A_36, %dma_start3A_37] : memref<80x128xi32, #tpu.memory_space<vmem>> -> memref<1x128xi32, #tpu.memory_space<vmem>>
    %dma_start3A_39 = tpu.memref_squeeze %dma_start3A_38 : memref<1x128xi32, #tpu.memory_space<vmem>> -> memref<128xi32, #tpu.memory_space<vmem>>
    %dma_start3A_40 = arith.constant 0 : i32
    %dma_start3A_41 = arith.constant 0 : i32
    %dma_start3A_42 = tpu.memref_slice %arg7[%dma_start3A_40, %dma_start3A_41] : memref<10240x16xf32, #tpu.memory_space<vmem_shared>> -> memref<10240x16xf32, #tpu.memory_space<vmem_shared>>
    tpu.enqueue_indirect_dma source(%arg4 : memref<128x16xf32, #tpu.memory_space<vmem>>) target(%dma_start3A_42 : memref<10240x16xf32, #tpu.memory_space<vmem_shared>>) offsets(%dma_start3A_39 : memref<128xi32, #tpu.memory_space<vmem>>) semaphore(%arg8 : memref<!tpu.dma_semaphore, #tpu.memory_space<semaphore_mem>>) {add = true}
    %dma_start3A_43 = arith.constant 5 : i32
    %dma_start3A_44 = arith.constant 0 : i32
    %dma_start3A_45 = tpu.memref_slice %arg5[%dma_start3A_43, %dma_start3A_44] : memref<80x128xi32, #tpu.memory_space<vmem>> -> memref<1x128xi32, #tpu.memory_space<vmem>>
    %dma_start3A_46 = tpu.memref_squeeze %dma_start3A_45 : memref<1x128xi32, #tpu.memory_space<vmem>> -> memref<128xi32, #tpu.memory_space<vmem>>
    %dma_start3A_47 = arith.constant 0 : i32
    %dma_start3A_48 = arith.constant 0 : i32
    %dma_start3A_49 = tpu.memref_slice %arg7[%dma_start3A_47, %dma_start3A_48] : memref<10240x16xf32, #tpu.memory_space<vmem_shared>> -> memref<10240x16xf32, #tpu.memory_space<vmem_shared>>
    tpu.enqueue_indirect_dma source(%arg4 : memref<128x16xf32, #tpu.memory_space<vmem>>) target(%dma_start3A_49 : memref<10240x16xf32, #tpu.memory_space<vmem_shared>>) offsets(%dma_start3A_46 : memref<128xi32, #tpu.memory_space<vmem>>) semaphore(%arg8 : memref<!tpu.dma_semaphore, #tpu.memory_space<semaphore_mem>>) {add = true}
    %dma_start3A_50 = arith.constant 7 : i32
    %dma_start3A_51 = arith.constant 0 : i32
    %dma_start3A_52 = tpu.memref_slice %arg5[%dma_start3A_50, %dma_start3A_51] : memref<80x128xi32, #tpu.memory_space<vmem>> -> memref<1x128xi32, #tpu.memory_space<vmem>>
    %dma_start3A_53 = tpu.memref_squeeze %dma_start3A_52 : memref<1x128xi32, #tpu.memory_space<vmem>> -> memref<128xi32, #tpu.memory_space<vmem>>
    %dma_start3A_54 = arith.constant 0 : i32
    %dma_start3A_55 = arith.constant 0 : i32
    %dma_start3A_56 = tpu.memref_slice %arg7[%dma_start3A_54, %dma_start3A_55] : memref<10240x16xf32, #tpu.memory_space<vmem_shared>> -> memref<10240x16xf32, #tpu.memory_space<vmem_shared>>
    tpu.enqueue_indirect_dma source(%arg4 : memref<128x16xf32, #tpu.memory_space<vmem>>) target(%dma_start3A_56 : memref<10240x16xf32, #tpu.memory_space<vmem_shared>>) offsets(%dma_start3A_53 : memref<128xi32, #tpu.memory_space<vmem>>) semaphore(%arg8 : memref<!tpu.dma_semaphore, #tpu.memory_space<semaphore_mem>>) {add = true}
    %dma_start3A_57 = arith.constant 9 : i32
    %dma_start3A_58 = arith.constant 0 : i32
    %dma_start3A_59 = tpu.memref_slice %arg5[%dma_start3A_57, %dma_start3A_58] : memref<80x128xi32, #tpu.memory_space<vmem>> -> memref<1x128xi32, #tpu.memory_space<vmem>>
    %dma_start3A_60 = tpu.memref_squeeze %dma_start3A_59 : memref<1x128xi32, #tpu.memory_space<vmem>> -> memref<128xi32, #tpu.memory_space<vmem>>
    %dma_start3A_61 = arith.constant 0 : i32
    %dma_start3A_62 = arith.constant 0 : i32
    %dma_start3A_63 = tpu.memref_slice %arg7[%dma_start3A_61, %dma_start3A_62] : memref<10240x16xf32, #tpu.memory_space<vmem_shared>> -> memref<10240x16xf32, #tpu.memory_space<vmem_shared>>
    tpu.enqueue_indirect_dma source(%arg4 : memref<128x16xf32, #tpu.memory_space<vmem>>) target(%dma_start3A_63 : memref<10240x16xf32, #tpu.memory_space<vmem_shared>>) offsets(%dma_start3A_60 : memref<128xi32, #tpu.memory_space<vmem>>) semaphore(%arg8 : memref<!tpu.dma_semaphore, #tpu.memory_space<semaphore_mem>>) {add = true}
    %dma_start3A_64 = arith.constant 11 : i32
    %dma_start3A_65 = arith.constant 0 : i32
    %dma_start3A_66 = tpu.memref_slice %arg5[%dma_start3A_64, %dma_start3A_65] : memref<80x128xi32, #tpu.memory_space<vmem>> -> memref<1x128xi32, #tpu.memory_space<vmem>>
    %dma_start3A_67 = tpu.memref_squeeze %dma_start3A_66 : memref<1x128xi32, #tpu.memory_space<vmem>> -> memref<128xi32, #tpu.memory_space<vmem>>
    %dma_start3A_68 = arith.constant 0 : i32
    %dma_start3A_69 = arith.constant 0 : i32
    %dma_start3A_70 = tpu.memref_slice %arg7[%dma_start3A_68, %dma_start3A_69] : memref<10240x16xf32, #tpu.memory_space<vmem_shared>> -> memref<10240x16xf32, #tpu.memory_space<vmem_shared>>
    tpu.enqueue_indirect_dma source(%arg4 : memref<128x16xf32, #tpu.memory_space<vmem>>) target(%dma_start3A_70 : memref<10240x16xf32, #tpu.memory_space<vmem_shared>>) offsets(%dma_start3A_67 : memref<128xi32, #tpu.memory_space<vmem>>) semaphore(%arg8 : memref<!tpu.dma_semaphore, #tpu.memory_space<semaphore_mem>>) {add = true}
    %dma_start3A_71 = arith.constant 13 : i32
    %dma_start3A_72 = arith.constant 0 : i32
    %dma_start3A_73 = tpu.memref_slice %arg5[%dma_start3A_71, %dma_start3A_72] : memref<80x128xi32, #tpu.memory_space<vmem>> -> memref<1x128xi32, #tpu.memory_space<vmem>>
    %dma_start3A_74 = tpu.memref_squeeze %dma_start3A_73 : memref<1x128xi32, #tpu.memory_space<vmem>> -> memref<128xi32, #tpu.memory_space<vmem>>
    %dma_start3A_75 = arith.constant 0 : i32
    %dma_start3A_76 = arith.constant 0 : i32
    %dma_start3A_77 = tpu.memref_slice %arg7[%dma_start3A_75, %dma_start3A_76] : memref<10240x16xf32, #tpu.memory_space<vmem_shared>> -> memref<10240x16xf32, #tpu.memory_space<vmem_shared>>
    tpu.enqueue_indirect_dma source(%arg4 : memref<128x16xf32, #tpu.memory_space<vmem>>) target(%dma_start3A_77 : memref<10240x16xf32, #tpu.memory_space<vmem_shared>>) offsets(%dma_start3A_74 : memref<128xi32, #tpu.memory_space<vmem>>) semaphore(%arg8 : memref<!tpu.dma_semaphore, #tpu.memory_space<semaphore_mem>>) {add = true}
    %dma_start3A_78 = arith.constant 15 : i32
    %dma_start3A_79 = arith.constant 0 : i32
    %dma_start3A_80 = tpu.memref_slice %arg5[%dma_start3A_78, %dma_start3A_79] : memref<80x128xi32, #tpu.memory_space<vmem>> -> memref<1x128xi32, #tpu.memory_space<vmem>>
    %dma_start3A_81 = tpu.memref_squeeze %dma_start3A_80 : memref<1x128xi32, #tpu.memory_space<vmem>> -> memref<128xi32, #tpu.memory_space<vmem>>
    %dma_start3A_82 = arith.constant 0 : i32
    %dma_start3A_83 = arith.constant 0 : i32
    %dma_start3A_84 = tpu.memref_slice %arg7[%dma_start3A_82, %dma_start3A_83] : memref<10240x16xf32, #tpu.memory_space<vmem_shared>> -> memref<10240x16xf32, #tpu.memory_space<vmem_shared>>
    tpu.enqueue_indirect_dma source(%arg4 : memref<128x16xf32, #tpu.memory_space<vmem>>) target(%dma_start3A_84 : memref<10240x16xf32, #tpu.memory_space<vmem_shared>>) offsets(%dma_start3A_81 : memref<128xi32, #tpu.memory_space<vmem>>) semaphore(%arg8 : memref<!tpu.dma_semaphore, #tpu.memory_space<semaphore_mem>>) {add = true}
    %dma_start3A_85 = arith.constant 17 : i32
    %dma_start3A_86 = arith.constant 0 : i32
    %dma_start3A_87 = tpu.memref_slice %arg5[%dma_start3A_85, %dma_start3A_86] : memref<80x128xi32, #tpu.memory_space<vmem>> -> memref<1x128xi32, #tpu.memory_space<vmem>>
    %dma_start3A_88 = tpu.memref_squeeze %dma_start3A_87 : memref<1x128xi32, #tpu.memory_space<vmem>> -> memref<128xi32, #tpu.memory_space<vmem>>
    %dma_start3A_89 = arith.constant 0 : i32
    %dma_start3A_90 = arith.constant 0 : i32
    %dma_start3A_91 = tpu.memref_slice %arg7[%dma_start3A_89, %dma_start3A_90] : memref<10240x16xf32, #tpu.memory_space<vmem_shared>> -> memref<10240x16xf32, #tpu.memory_space<vmem_shared>>
    tpu.enqueue_indirect_dma source(%arg4 : memref<128x16xf32, #tpu.memory_space<vmem>>) target(%dma_start3A_91 : memref<10240x16xf32, #tpu.memory_space<vmem_shared>>) offsets(%dma_start3A_88 : memref<128xi32, #tpu.memory_space<vmem>>) semaphore(%arg8 : memref<!tpu.dma_semaphore, #tpu.memory_space<semaphore_mem>>) {add = true}
    %dma_start3A_92 = arith.constant 19 : i32
    %dma_start3A_93 = arith.constant 0 : i32
    %dma_start3A_94 = tpu.memref_slice %arg5[%dma_start3A_92, %dma_start3A_93] : memref<80x128xi32, #tpu.memory_space<vmem>> -> memref<1x128xi32, #tpu.memory_space<vmem>>
    %dma_start3A_95 = tpu.memref_squeeze %dma_start3A_94 : memref<1x128xi32, #tpu.memory_space<vmem>> -> memref<128xi32, #tpu.memory_space<vmem>>
    %dma_start3A_96 = arith.constant 0 : i32
    %dma_start3A_97 = arith.constant 0 : i32
    %dma_start3A_98 = tpu.memref_slice %arg7[%dma_start3A_96, %dma_start3A_97] : memref<10240x16xf32, #tpu.memory_space<vmem_shared>> -> memref<10240x16xf32, #tpu.memory_space<vmem_shared>>
    tpu.enqueue_indirect_dma source(%arg4 : memref<128x16xf32, #tpu.memory_space<vmem>>) target(%dma_start3A_98 : memref<10240x16xf32, #tpu.memory_space<vmem_shared>>) offsets(%dma_start3A_95 : memref<128xi32, #tpu.memory_space<vmem>>) semaphore(%arg8 : memref<!tpu.dma_semaphore, #tpu.memory_space<semaphore_mem>>) {add = true}
    %dma_start3A_99 = arith.constant 21 : i32
    %dma_start3A_100 = arith.constant 0 : i32
    %dma_start3A_101 = tpu.memref_slice %arg5[%dma_start3A_99, %dma_start3A_100] : memref<80x128xi32, #tpu.memory_space<vmem>> -> memref<1x128xi32, #tpu.memory_space<vmem>>
    %dma_start3A_102 = tpu.memref_squeeze %dma_start3A_101 : memref<1x128xi32, #tpu.memory_space<vmem>> -> memref<128xi32, #tpu.memory_space<vmem>>
    %dma_start3A_103 = arith.constant 0 : i32
    %dma_start3A_104 = arith.constant 0 : i32
    %dma_start3A_105 = tpu.memref_slice %arg7[%dma_start3A_103, %dma_start3A_104] : memref<10240x16xf32, #tpu.memory_space<vmem_shared>> -> memref<10240x16xf32, #tpu.memory_space<vmem_shared>>
    tpu.enqueue_indirect_dma source(%arg4 : memref<128x16xf32, #tpu.memory_space<vmem>>) target(%dma_start3A_105 : memref<10240x16xf32, #tpu.memory_space<vmem_shared>>) offsets(%dma_start3A_102 : memref<128xi32, #tpu.memory_space<vmem>>) semaphore(%arg8 : memref<!tpu.dma_semaphore, #tpu.memory_space<semaphore_mem>>) {add = true}
    %dma_start3A_106 = arith.constant 23 : i32
    %dma_start3A_107 = arith.constant 0 : i32
    %dma_start3A_108 = tpu.memref_slice %arg5[%dma_start3A_106, %dma_start3A_107] : memref<80x128xi32, #tpu.memory_space<vmem>> -> memref<1x128xi32, #tpu.memory_space<vmem>>
    %dma_start3A_109 = tpu.memref_squeeze %dma_start3A_108 : memref<1x128xi32, #tpu.memory_space<vmem>> -> memref<128xi32, #tpu.memory_space<vmem>>
    %dma_start3A_110 = arith.constant 0 : i32
    %dma_start3A_111 = arith.constant 0 : i32
    %dma_start3A_112 = tpu.memref_slice %arg7[%dma_start3A_110, %dma_start3A_111] : memref<10240x16xf32, #tpu.memory_space<vmem_shared>> -> memref<10240x16xf32, #tpu.memory_space<vmem_shared>>
    tpu.enqueue_indirect_dma source(%arg4 : memref<128x16xf32, #tpu.memory_space<vmem>>) target(%dma_start3A_112 : memref<10240x16xf32, #tpu.memory_space<vmem_shared>>) offsets(%dma_start3A_109 : memref<128xi32, #tpu.memory_space<vmem>>) semaphore(%arg8 : memref<!tpu.dma_semaphore, #tpu.memory_space<semaphore_mem>>) {add = true}
    %dma_start3A_113 = arith.constant 25 : i32
    %dma_start3A_114 = arith.constant 0 : i32
    %dma_start3A_115 = tpu.memref_slice %arg5[%dma_start3A_113, %dma_start3A_114] : memref<80x128xi32, #tpu.memory_space<vmem>> -> memref<1x128xi32, #tpu.memory_space<vmem>>
    %dma_start3A_116 = tpu.memref_squeeze %dma_start3A_115 : memref<1x128xi32, #tpu.memory_space<vmem>> -> memref<128xi32, #tpu.memory_space<vmem>>
    %dma_start3A_117 = arith.constant 0 : i32
    %dma_start3A_118 = arith.constant 0 : i32
    %dma_start3A_119 = tpu.memref_slice %arg7[%dma_start3A_117, %dma_start3A_118] : memref<10240x16xf32, #tpu.memory_space<vmem_shared>> -> memref<10240x16xf32, #tpu.memory_space<vmem_shared>>
    tpu.enqueue_indirect_dma source(%arg4 : memref<128x16xf32, #tpu.memory_space<vmem>>) target(%dma_start3A_119 : memref<10240x16xf32, #tpu.memory_space<vmem_shared>>) offsets(%dma_start3A_116 : memref<128xi32, #tpu.memory_space<vmem>>) semaphore(%arg8 : memref<!tpu.dma_semaphore, #tpu.memory_space<semaphore_mem>>) {add = true}
    %dma_start3A_120 = arith.constant 27 : i32
    %dma_start3A_121 = arith.constant 0 : i32
    %dma_start3A_122 = tpu.memref_slice %arg5[%dma_start3A_120, %dma_start3A_121] : memref<80x128xi32, #tpu.memory_space<vmem>> -> memref<1x128xi32, #tpu.memory_space<vmem>>
    %dma_start3A_123 = tpu.memref_squeeze %dma_start3A_122 : memref<1x128xi32, #tpu.memory_space<vmem>> -> memref<128xi32, #tpu.memory_space<vmem>>
    %dma_start3A_124 = arith.constant 0 : i32
    %dma_start3A_125 = arith.constant 0 : i32
    %dma_start3A_126 = tpu.memref_slice %arg7[%dma_start3A_124, %dma_start3A_125] : memref<10240x16xf32, #tpu.memory_space<vmem_shared>> -> memref<10240x16xf32, #tpu.memory_space<vmem_shared>>
    tpu.enqueue_indirect_dma source(%arg4 : memref<128x16xf32, #tpu.memory_space<vmem>>) target(%dma_start3A_126 : memref<10240x16xf32, #tpu.memory_space<vmem_shared>>) offsets(%dma_start3A_123 : memref<128xi32, #tpu.memory_space<vmem>>) semaphore(%arg8 : memref<!tpu.dma_semaphore, #tpu.memory_space<semaphore_mem>>) {add = true}
    %dma_start3A_127 = arith.constant 29 : i32
    %dma_start3A_128 = arith.constant 0 : i32
    %dma_start3A_129 = tpu.memref_slice %arg5[%dma_start3A_127, %dma_start3A_128] : memref<80x128xi32, #tpu.memory_space<vmem>> -> memref<1x128xi32, #tpu.memory_space<vmem>>
    %dma_start3A_130 = tpu.memref_squeeze %dma_start3A_129 : memref<1x128xi32, #tpu.memory_space<vmem>> -> memref<128xi32, #tpu.memory_space<vmem>>
    %dma_start3A_131 = arith.constant 0 : i32
    %dma_start3A_132 = arith.constant 0 : i32
    %dma_start3A_133 = tpu.memref_slice %arg7[%dma_start3A_131, %dma_start3A_132] : memref<10240x16xf32, #tpu.memory_space<vmem_shared>> -> memref<10240x16xf32, #tpu.memory_space<vmem_shared>>
    tpu.enqueue_indirect_dma source(%arg4 : memref<128x16xf32, #tpu.memory_space<vmem>>) target(%dma_start3A_133 : memref<10240x16xf32, #tpu.memory_space<vmem_shared>>) offsets(%dma_start3A_130 : memref<128xi32, #tpu.memory_space<vmem>>) semaphore(%arg8 : memref<!tpu.dma_semaphore, #tpu.memory_space<semaphore_mem>>) {add = true}
    %dma_start3A_134 = arith.constant 31 : i32
    %dma_start3A_135 = arith.constant 0 : i32
    %dma_start3A_136 = tpu.memref_slice %arg5[%dma_start3A_134, %dma_start3A_135] : memref<80x128xi32, #tpu.memory_space<vmem>> -> memref<1x128xi32, #tpu.memory_space<vmem>>
    %dma_start3A_137 = tpu.memref_squeeze %dma_start3A_136 : memref<1x128xi32, #tpu.memory_space<vmem>> -> memref<128xi32, #tpu.memory_space<vmem>>
    %dma_start3A_138 = arith.constant 0 : i32
    %dma_start3A_139 = arith.constant 0 : i32
    %dma_start3A_140 = tpu.memref_slice %arg7[%dma_start3A_138, %dma_start3A_139] : memref<10240x16xf32, #tpu.memory_space<vmem_shared>> -> memref<10240x16xf32, #tpu.memory_space<vmem_shared>>
    tpu.enqueue_indirect_dma source(%arg4 : memref<128x16xf32, #tpu.memory_space<vmem>>) target(%dma_start3A_140 : memref<10240x16xf32, #tpu.memory_space<vmem_shared>>) offsets(%dma_start3A_137 : memref<128xi32, #tpu.memory_space<vmem>>) semaphore(%arg8 : memref<!tpu.dma_semaphore, #tpu.memory_space<semaphore_mem>>) {add = true}
    %dma_start3A_141 = arith.constant 33 : i32
    %dma_start3A_142 = arith.constant 0 : i32
    %dma_start3A_143 = tpu.memref_slice %arg5[%dma_start3A_141, %dma_start3A_142] : memref<80x128xi32, #tpu.memory_space<vmem>> -> memref<1x128xi32, #tpu.memory_space<vmem>>
    %dma_start3A_144 = tpu.memref_squeeze %dma_start3A_143 : memref<1x128xi32, #tpu.memory_space<vmem>> -> memref<128xi32, #tpu.memory_space<vmem>>
    %dma_start3A_145 = arith.constant 0 : i32
    %dma_start3A_146 = arith.constant 0 : i32
    %dma_start3A_147 = tpu.memref_slice %arg7[%dma_start3A_145, %dma_start3A_146] : memref<10240x16xf32, #tpu.memory_space<vmem_shared>> -> memref<10240x16xf32, #tpu.memory_space<vmem_shared>>
    tpu.enqueue_indirect_dma source(%arg4 : memref<128x16xf32, #tpu.memory_space<vmem>>) target(%dma_start3A_147 : memref<10240x16xf32, #tpu.memory_space<vmem_shared>>) offsets(%dma_start3A_144 : memref<128xi32, #tpu.memory_space<vmem>>) semaphore(%arg8 : memref<!tpu.dma_semaphore, #tpu.memory_space<semaphore_mem>>) {add = true}
    %dma_start3A_148 = arith.constant 35 : i32
    %dma_start3A_149 = arith.constant 0 : i32
    %dma_start3A_150 = tpu.memref_slice %arg5[%dma_start3A_148, %dma_start3A_149] : memref<80x128xi32, #tpu.memory_space<vmem>> -> memref<1x128xi32, #tpu.memory_space<vmem>>
    %dma_start3A_151 = tpu.memref_squeeze %dma_start3A_150 : memref<1x128xi32, #tpu.memory_space<vmem>> -> memref<128xi32, #tpu.memory_space<vmem>>
    %dma_start3A_152 = arith.constant 0 : i32
    %dma_start3A_153 = arith.constant 0 : i32
    %dma_start3A_154 = tpu.memref_slice %arg7[%dma_start3A_152, %dma_start3A_153] : memref<10240x16xf32, #tpu.memory_space<vmem_shared>> -> memref<10240x16xf32, #tpu.memory_space<vmem_shared>>
    tpu.enqueue_indirect_dma source(%arg4 : memref<128x16xf32, #tpu.memory_space<vmem>>) target(%dma_start3A_154 : memref<10240x16xf32, #tpu.memory_space<vmem_shared>>) offsets(%dma_start3A_151 : memref<128xi32, #tpu.memory_space<vmem>>) semaphore(%arg8 : memref<!tpu.dma_semaphore, #tpu.memory_space<semaphore_mem>>) {add = true}
    %dma_start3A_155 = arith.constant 37 : i32
    %dma_start3A_156 = arith.constant 0 : i32
    %dma_start3A_157 = tpu.memref_slice %arg5[%dma_start3A_155, %dma_start3A_156] : memref<80x128xi32, #tpu.memory_space<vmem>> -> memref<1x128xi32, #tpu.memory_space<vmem>>
    %dma_start3A_158 = tpu.memref_squeeze %dma_start3A_157 : memref<1x128xi32, #tpu.memory_space<vmem>> -> memref<128xi32, #tpu.memory_space<vmem>>
    %dma_start3A_159 = arith.constant 0 : i32
    %dma_start3A_160 = arith.constant 0 : i32
    %dma_start3A_161 = tpu.memref_slice %arg7[%dma_start3A_159, %dma_start3A_160] : memref<10240x16xf32, #tpu.memory_space<vmem_shared>> -> memref<10240x16xf32, #tpu.memory_space<vmem_shared>>
    tpu.enqueue_indirect_dma source(%arg4 : memref<128x16xf32, #tpu.memory_space<vmem>>) target(%dma_start3A_161 : memref<10240x16xf32, #tpu.memory_space<vmem_shared>>) offsets(%dma_start3A_158 : memref<128xi32, #tpu.memory_space<vmem>>) semaphore(%arg8 : memref<!tpu.dma_semaphore, #tpu.memory_space<semaphore_mem>>) {add = true}
    %dma_start3A_162 = arith.constant 39 : i32
    %dma_start3A_163 = arith.constant 0 : i32
    %dma_start3A_164 = tpu.memref_slice %arg5[%dma_start3A_162, %dma_start3A_163] : memref<80x128xi32, #tpu.memory_space<vmem>> -> memref<1x128xi32, #tpu.memory_space<vmem>>
    %dma_start3A_165 = tpu.memref_squeeze %dma_start3A_164 : memref<1x128xi32, #tpu.memory_space<vmem>> -> memref<128xi32, #tpu.memory_space<vmem>>
    %dma_start3A_166 = arith.constant 0 : i32
    %dma_start3A_167 = arith.constant 0 : i32
    %dma_start3A_168 = tpu.memref_slice %arg7[%dma_start3A_166, %dma_start3A_167] : memref<10240x16xf32, #tpu.memory_space<vmem_shared>> -> memref<10240x16xf32, #tpu.memory_space<vmem_shared>>
    tpu.enqueue_indirect_dma source(%arg4 : memref<128x16xf32, #tpu.memory_space<vmem>>) target(%dma_start3A_168 : memref<10240x16xf32, #tpu.memory_space<vmem_shared>>) offsets(%dma_start3A_165 : memref<128xi32, #tpu.memory_space<vmem>>) semaphore(%arg8 : memref<!tpu.dma_semaphore, #tpu.memory_space<semaphore_mem>>) {add = true}
    %dma_start3A_169 = arith.constant 41 : i32
    %dma_start3A_170 = arith.constant 0 : i32
    %dma_start3A_171 = tpu.memref_slice %arg5[%dma_start3A_169, %dma_start3A_170] : memref<80x128xi32, #tpu.memory_space<vmem>> -> memref<1x128xi32, #tpu.memory_space<vmem>>
    %dma_start3A_172 = tpu.memref_squeeze %dma_start3A_171 : memref<1x128xi32, #tpu.memory_space<vmem>> -> memref<128xi32, #tpu.memory_space<vmem>>
    %dma_start3A_173 = arith.constant 0 : i32
    %dma_start3A_174 = arith.constant 0 : i32
    %dma_start3A_175 = tpu.memref_slice %arg7[%dma_start3A_173, %dma_start3A_174] : memref<10240x16xf32, #tpu.memory_space<vmem_shared>> -> memref<10240x16xf32, #tpu.memory_space<vmem_shared>>
    tpu.enqueue_indirect_dma source(%arg4 : memref<128x16xf32, #tpu.memory_space<vmem>>) target(%dma_start3A_175 : memref<10240x16xf32, #tpu.memory_space<vmem_shared>>) offsets(%dma_start3A_172 : memref<128xi32, #tpu.memory_space<vmem>>) semaphore(%arg8 : memref<!tpu.dma_semaphore, #tpu.memory_space<semaphore_mem>>) {add = true}
    %dma_start3A_176 = arith.constant 43 : i32
    %dma_start3A_177 = arith.constant 0 : i32
    %dma_start3A_178 = tpu.memref_slice %arg5[%dma_start3A_176, %dma_start3A_177] : memref<80x128xi32, #tpu.memory_space<vmem>> -> memref<1x128xi32, #tpu.memory_space<vmem>>
    %dma_start3A_179 = tpu.memref_squeeze %dma_start3A_178 : memref<1x128xi32, #tpu.memory_space<vmem>> -> memref<128xi32, #tpu.memory_space<vmem>>
    %dma_start3A_180 = arith.constant 0 : i32
    %dma_start3A_181 = arith.constant 0 : i32
    %dma_start3A_182 = tpu.memref_slice %arg7[%dma_start3A_180, %dma_start3A_181] : memref<10240x16xf32, #tpu.memory_space<vmem_shared>> -> memref<10240x16xf32, #tpu.memory_space<vmem_shared>>
    tpu.enqueue_indirect_dma source(%arg4 : memref<128x16xf32, #tpu.memory_space<vmem>>) target(%dma_start3A_182 : memref<10240x16xf32, #tpu.memory_space<vmem_shared>>) offsets(%dma_start3A_179 : memref<128xi32, #tpu.memory_space<vmem>>) semaphore(%arg8 : memref<!tpu.dma_semaphore, #tpu.memory_space<semaphore_mem>>) {add = true}
    %dma_start3A_183 = arith.constant 45 : i32
    %dma_start3A_184 = arith.constant 0 : i32
    %dma_start3A_185 = tpu.memref_slice %arg5[%dma_start3A_183, %dma_start3A_184] : memref<80x128xi32, #tpu.memory_space<vmem>> -> memref<1x128xi32, #tpu.memory_space<vmem>>
    %dma_start3A_186 = tpu.memref_squeeze %dma_start3A_185 : memref<1x128xi32, #tpu.memory_space<vmem>> -> memref<128xi32, #tpu.memory_space<vmem>>
    %dma_start3A_187 = arith.constant 0 : i32
    %dma_start3A_188 = arith.constant 0 : i32
    %dma_start3A_189 = tpu.memref_slice %arg7[%dma_start3A_187, %dma_start3A_188] : memref<10240x16xf32, #tpu.memory_space<vmem_shared>> -> memref<10240x16xf32, #tpu.memory_space<vmem_shared>>
    tpu.enqueue_indirect_dma source(%arg4 : memref<128x16xf32, #tpu.memory_space<vmem>>) target(%dma_start3A_189 : memref<10240x16xf32, #tpu.memory_space<vmem_shared>>) offsets(%dma_start3A_186 : memref<128xi32, #tpu.memory_space<vmem>>) semaphore(%arg8 : memref<!tpu.dma_semaphore, #tpu.memory_space<semaphore_mem>>) {add = true}
    %dma_start3A_190 = arith.constant 47 : i32
    %dma_start3A_191 = arith.constant 0 : i32
    %dma_start3A_192 = tpu.memref_slice %arg5[%dma_start3A_190, %dma_start3A_191] : memref<80x128xi32, #tpu.memory_space<vmem>> -> memref<1x128xi32, #tpu.memory_space<vmem>>
    %dma_start3A_193 = tpu.memref_squeeze %dma_start3A_192 : memref<1x128xi32, #tpu.memory_space<vmem>> -> memref<128xi32, #tpu.memory_space<vmem>>
    %dma_start3A_194 = arith.constant 0 : i32
    %dma_start3A_195 = arith.constant 0 : i32
    %dma_start3A_196 = tpu.memref_slice %arg7[%dma_start3A_194, %dma_start3A_195] : memref<10240x16xf32, #tpu.memory_space<vmem_shared>> -> memref<10240x16xf32, #tpu.memory_space<vmem_shared>>
    tpu.enqueue_indirect_dma source(%arg4 : memref<128x16xf32, #tpu.memory_space<vmem>>) target(%dma_start3A_196 : memref<10240x16xf32, #tpu.memory_space<vmem_shared>>) offsets(%dma_start3A_193 : memref<128xi32, #tpu.memory_space<vmem>>) semaphore(%arg8 : memref<!tpu.dma_semaphore, #tpu.memory_space<semaphore_mem>>) {add = true}
    %dma_start3A_197 = arith.constant 49 : i32
    %dma_start3A_198 = arith.constant 0 : i32
    %dma_start3A_199 = tpu.memref_slice %arg5[%dma_start3A_197, %dma_start3A_198] : memref<80x128xi32, #tpu.memory_space<vmem>> -> memref<1x128xi32, #tpu.memory_space<vmem>>
    %dma_start3A_200 = tpu.memref_squeeze %dma_start3A_199 : memref<1x128xi32, #tpu.memory_space<vmem>> -> memref<128xi32, #tpu.memory_space<vmem>>
    %dma_start3A_201 = arith.constant 0 : i32
    %dma_start3A_202 = arith.constant 0 : i32
    %dma_start3A_203 = tpu.memref_slice %arg7[%dma_start3A_201, %dma_start3A_202] : memref<10240x16xf32, #tpu.memory_space<vmem_shared>> -> memref<10240x16xf32, #tpu.memory_space<vmem_shared>>
    tpu.enqueue_indirect_dma source(%arg4 : memref<128x16xf32, #tpu.memory_space<vmem>>) target(%dma_start3A_203 : memref<10240x16xf32, #tpu.memory_space<vmem_shared>>) offsets(%dma_start3A_200 : memref<128xi32, #tpu.memory_space<vmem>>) semaphore(%arg8 : memref<!tpu.dma_semaphore, #tpu.memory_space<semaphore_mem>>) {add = true}
    %dma_start3A_204 = arith.constant 51 : i32
    %dma_start3A_205 = arith.constant 0 : i32
    %dma_start3A_206 = tpu.memref_slice %arg5[%dma_start3A_204, %dma_start3A_205] : memref<80x128xi32, #tpu.memory_space<vmem>> -> memref<1x128xi32, #tpu.memory_space<vmem>>
    %dma_start3A_207 = tpu.memref_squeeze %dma_start3A_206 : memref<1x128xi32, #tpu.memory_space<vmem>> -> memref<128xi32, #tpu.memory_space<vmem>>
    %dma_start3A_208 = arith.constant 0 : i32
    %dma_start3A_209 = arith.constant 0 : i32
    %dma_start3A_210 = tpu.memref_slice %arg7[%dma_start3A_208, %dma_start3A_209] : memref<10240x16xf32, #tpu.memory_space<vmem_shared>> -> memref<10240x16xf32, #tpu.memory_space<vmem_shared>>
    tpu.enqueue_indirect_dma source(%arg4 : memref<128x16xf32, #tpu.memory_space<vmem>>) target(%dma_start3A_210 : memref<10240x16xf32, #tpu.memory_space<vmem_shared>>) offsets(%dma_start3A_207 : memref<128xi32, #tpu.memory_space<vmem>>) semaphore(%arg8 : memref<!tpu.dma_semaphore, #tpu.memory_space<semaphore_mem>>) {add = true}
    %dma_start3A_211 = arith.constant 53 : i32
    %dma_start3A_212 = arith.constant 0 : i32
    %dma_start3A_213 = tpu.memref_slice %arg5[%dma_start3A_211, %dma_start3A_212] : memref<80x128xi32, #tpu.memory_space<vmem>> -> memref<1x128xi32, #tpu.memory_space<vmem>>
    %dma_start3A_214 = tpu.memref_squeeze %dma_start3A_213 : memref<1x128xi32, #tpu.memory_space<vmem>> -> memref<128xi32, #tpu.memory_space<vmem>>
    %dma_start3A_215 = arith.constant 0 : i32
    %dma_start3A_216 = arith.constant 0 : i32
    %dma_start3A_217 = tpu.memref_slice %arg7[%dma_start3A_215, %dma_start3A_216] : memref<10240x16xf32, #tpu.memory_space<vmem_shared>> -> memref<10240x16xf32, #tpu.memory_space<vmem_shared>>
    tpu.enqueue_indirect_dma source(%arg4 : memref<128x16xf32, #tpu.memory_space<vmem>>) target(%dma_start3A_217 : memref<10240x16xf32, #tpu.memory_space<vmem_shared>>) offsets(%dma_start3A_214 : memref<128xi32, #tpu.memory_space<vmem>>) semaphore(%arg8 : memref<!tpu.dma_semaphore, #tpu.memory_space<semaphore_mem>>) {add = true}
    %dma_start3A_218 = arith.constant 55 : i32
    %dma_start3A_219 = arith.constant 0 : i32
    %dma_start3A_220 = tpu.memref_slice %arg5[%dma_start3A_218, %dma_start3A_219] : memref<80x128xi32, #tpu.memory_space<vmem>> -> memref<1x128xi32, #tpu.memory_space<vmem>>
    %dma_start3A_221 = tpu.memref_squeeze %dma_start3A_220 : memref<1x128xi32, #tpu.memory_space<vmem>> -> memref<128xi32, #tpu.memory_space<vmem>>
    %dma_start3A_222 = arith.constant 0 : i32
    %dma_start3A_223 = arith.constant 0 : i32
    %dma_start3A_224 = tpu.memref_slice %arg7[%dma_start3A_222, %dma_start3A_223] : memref<10240x16xf32, #tpu.memory_space<vmem_shared>> -> memref<10240x16xf32, #tpu.memory_space<vmem_shared>>
    tpu.enqueue_indirect_dma source(%arg4 : memref<128x16xf32, #tpu.memory_space<vmem>>) target(%dma_start3A_224 : memref<10240x16xf32, #tpu.memory_space<vmem_shared>>) offsets(%dma_start3A_221 : memref<128xi32, #tpu.memory_space<vmem>>) semaphore(%arg8 : memref<!tpu.dma_semaphore, #tpu.memory_space<semaphore_mem>>) {add = true}
    %dma_start3A_225 = arith.constant 57 : i32
    %dma_start3A_226 = arith.constant 0 : i32
    %dma_start3A_227 = tpu.memref_slice %arg5[%dma_start3A_225, %dma_start3A_226] : memref<80x128xi32, #tpu.memory_space<vmem>> -> memref<1x128xi32, #tpu.memory_space<vmem>>
    %dma_start3A_228 = tpu.memref_squeeze %dma_start3A_227 : memref<1x128xi32, #tpu.memory_space<vmem>> -> memref<128xi32, #tpu.memory_space<vmem>>
    %dma_start3A_229 = arith.constant 0 : i32
    %dma_start3A_230 = arith.constant 0 : i32
    %dma_start3A_231 = tpu.memref_slice %arg7[%dma_start3A_229, %dma_start3A_230] : memref<10240x16xf32, #tpu.memory_space<vmem_shared>> -> memref<10240x16xf32, #tpu.memory_space<vmem_shared>>
    tpu.enqueue_indirect_dma source(%arg4 : memref<128x16xf32, #tpu.memory_space<vmem>>) target(%dma_start3A_231 : memref<10240x16xf32, #tpu.memory_space<vmem_shared>>) offsets(%dma_start3A_228 : memref<128xi32, #tpu.memory_space<vmem>>) semaphore(%arg8 : memref<!tpu.dma_semaphore, #tpu.memory_space<semaphore_mem>>) {add = true}
    %dma_start3A_232 = arith.constant 59 : i32
    %dma_start3A_233 = arith.constant 0 : i32
    %dma_start3A_234 = tpu.memref_slice %arg5[%dma_start3A_232, %dma_start3A_233] : memref<80x128xi32, #tpu.memory_space<vmem>> -> memref<1x128xi32, #tpu.memory_space<vmem>>
    %dma_start3A_235 = tpu.memref_squeeze %dma_start3A_234 : memref<1x128xi32, #tpu.memory_space<vmem>> -> memref<128xi32, #tpu.memory_space<vmem>>
    %dma_start3A_236 = arith.constant 0 : i32
    %dma_start3A_237 = arith.constant 0 : i32
    %dma_start3A_238 = tpu.memref_slice %arg7[%dma_start3A_236, %dma_start3A_237] : memref<10240x16xf32, #tpu.memory_space<vmem_shared>> -> memref<10240x16xf32, #tpu.memory_space<vmem_shared>>
    tpu.enqueue_indirect_dma source(%arg4 : memref<128x16xf32, #tpu.memory_space<vmem>>) target(%dma_start3A_238 : memref<10240x16xf32, #tpu.memory_space<vmem_shared>>) offsets(%dma_start3A_235 : memref<128xi32, #tpu.memory_space<vmem>>) semaphore(%arg8 : memref<!tpu.dma_semaphore, #tpu.memory_space<semaphore_mem>>) {add = true}
    %dma_start3A_239 = arith.constant 61 : i32
    %dma_start3A_240 = arith.constant 0 : i32
    %dma_start3A_241 = tpu.memref_slice %arg5[%dma_start3A_239, %dma_start3A_240] : memref<80x128xi32, #tpu.memory_space<vmem>> -> memref<1x128xi32, #tpu.memory_space<vmem>>
    %dma_start3A_242 = tpu.memref_squeeze %dma_start3A_241 : memref<1x128xi32, #tpu.memory_space<vmem>> -> memref<128xi32, #tpu.memory_space<vmem>>
    %dma_start3A_243 = arith.constant 0 : i32
    %dma_start3A_244 = arith.constant 0 : i32
    %dma_start3A_245 = tpu.memref_slice %arg7[%dma_start3A_243, %dma_start3A_244] : memref<10240x16xf32, #tpu.memory_space<vmem_shared>> -> memref<10240x16xf32, #tpu.memory_space<vmem_shared>>
    tpu.enqueue_indirect_dma source(%arg4 : memref<128x16xf32, #tpu.memory_space<vmem>>) target(%dma_start3A_245 : memref<10240x16xf32, #tpu.memory_space<vmem_shared>>) offsets(%dma_start3A_242 : memref<128xi32, #tpu.memory_space<vmem>>) semaphore(%arg8 : memref<!tpu.dma_semaphore, #tpu.memory_space<semaphore_mem>>) {add = true}
    %dma_start3A_246 = arith.constant 63 : i32
    %dma_start3A_247 = arith.constant 0 : i32
    %dma_start3A_248 = tpu.memref_slice %arg5[%dma_start3A_246, %dma_start3A_247] : memref<80x128xi32, #tpu.memory_space<vmem>> -> memref<1x128xi32, #tpu.memory_space<vmem>>
    %dma_start3A_249 = tpu.memref_squeeze %dma_start3A_248 : memref<1x128xi32, #tpu.memory_space<vmem>> -> memref<128xi32, #tpu.memory_space<vmem>>
    %dma_start3A_250 = arith.constant 0 : i32
    %dma_start3A_251 = arith.constant 0 : i32
    %dma_start3A_252 = tpu.memref_slice %arg7[%dma_start3A_250, %dma_start3A_251] : memref<10240x16xf32, #tpu.memory_space<vmem_shared>> -> memref<10240x16xf32, #tpu.memory_space<vmem_shared>>
    tpu.enqueue_indirect_dma source(%arg4 : memref<128x16xf32, #tpu.memory_space<vmem>>) target(%dma_start3A_252 : memref<10240x16xf32, #tpu.memory_space<vmem_shared>>) offsets(%dma_start3A_249 : memref<128xi32, #tpu.memory_space<vmem>>) semaphore(%arg8 : memref<!tpu.dma_semaphore, #tpu.memory_space<semaphore_mem>>) {add = true}
    %dma_start3A_253 = arith.constant 65 : i32
    %dma_start3A_254 = arith.constant 0 : i32
    %dma_start3A_255 = tpu.memref_slice %arg5[%dma_start3A_253, %dma_start3A_254] : memref<80x128xi32, #tpu.memory_space<vmem>> -> memref<1x128xi32, #tpu.memory_space<vmem>>
    %dma_start3A_256 = tpu.memref_squeeze %dma_start3A_255 : memref<1x128xi32, #tpu.memory_space<vmem>> -> memref<128xi32, #tpu.memory_space<vmem>>
    %dma_start3A_257 = arith.constant 0 : i32
    %dma_start3A_258 = arith.constant 0 : i32
    %dma_start3A_259 = tpu.memref_slice %arg7[%dma_start3A_257, %dma_start3A_258] : memref<10240x16xf32, #tpu.memory_space<vmem_shared>> -> memref<10240x16xf32, #tpu.memory_space<vmem_shared>>
    tpu.enqueue_indirect_dma source(%arg4 : memref<128x16xf32, #tpu.memory_space<vmem>>) target(%dma_start3A_259 : memref<10240x16xf32, #tpu.memory_space<vmem_shared>>) offsets(%dma_start3A_256 : memref<128xi32, #tpu.memory_space<vmem>>) semaphore(%arg8 : memref<!tpu.dma_semaphore, #tpu.memory_space<semaphore_mem>>) {add = true}
    %dma_start3A_260 = arith.constant 67 : i32
    %dma_start3A_261 = arith.constant 0 : i32
    %dma_start3A_262 = tpu.memref_slice %arg5[%dma_start3A_260, %dma_start3A_261] : memref<80x128xi32, #tpu.memory_space<vmem>> -> memref<1x128xi32, #tpu.memory_space<vmem>>
    %dma_start3A_263 = tpu.memref_squeeze %dma_start3A_262 : memref<1x128xi32, #tpu.memory_space<vmem>> -> memref<128xi32, #tpu.memory_space<vmem>>
    %dma_start3A_264 = arith.constant 0 : i32
    %dma_start3A_265 = arith.constant 0 : i32
    %dma_start3A_266 = tpu.memref_slice %arg7[%dma_start3A_264, %dma_start3A_265] : memref<10240x16xf32, #tpu.memory_space<vmem_shared>> -> memref<10240x16xf32, #tpu.memory_space<vmem_shared>>
    tpu.enqueue_indirect_dma source(%arg4 : memref<128x16xf32, #tpu.memory_space<vmem>>) target(%dma_start3A_266 : memref<10240x16xf32, #tpu.memory_space<vmem_shared>>) offsets(%dma_start3A_263 : memref<128xi32, #tpu.memory_space<vmem>>) semaphore(%arg8 : memref<!tpu.dma_semaphore, #tpu.memory_space<semaphore_mem>>) {add = true}
    %dma_start3A_267 = arith.constant 69 : i32
    %dma_start3A_268 = arith.constant 0 : i32
    %dma_start3A_269 = tpu.memref_slice %arg5[%dma_start3A_267, %dma_start3A_268] : memref<80x128xi32, #tpu.memory_space<vmem>> -> memref<1x128xi32, #tpu.memory_space<vmem>>
    %dma_start3A_270 = tpu.memref_squeeze %dma_start3A_269 : memref<1x128xi32, #tpu.memory_space<vmem>> -> memref<128xi32, #tpu.memory_space<vmem>>
    %dma_start3A_271 = arith.constant 0 : i32
    %dma_start3A_272 = arith.constant 0 : i32
    %dma_start3A_273 = tpu.memref_slice %arg7[%dma_start3A_271, %dma_start3A_272] : memref<10240x16xf32, #tpu.memory_space<vmem_shared>> -> memref<10240x16xf32, #tpu.memory_space<vmem_shared>>
    tpu.enqueue_indirect_dma source(%arg4 : memref<128x16xf32, #tpu.memory_space<vmem>>) target(%dma_start3A_273 : memref<10240x16xf32, #tpu.memory_space<vmem_shared>>) offsets(%dma_start3A_270 : memref<128xi32, #tpu.memory_space<vmem>>) semaphore(%arg8 : memref<!tpu.dma_semaphore, #tpu.memory_space<semaphore_mem>>) {add = true}
    %dma_start3A_274 = arith.constant 71 : i32
    %dma_start3A_275 = arith.constant 0 : i32
    %dma_start3A_276 = tpu.memref_slice %arg5[%dma_start3A_274, %dma_start3A_275] : memref<80x128xi32, #tpu.memory_space<vmem>> -> memref<1x128xi32, #tpu.memory_space<vmem>>
    %dma_start3A_277 = tpu.memref_squeeze %dma_start3A_276 : memref<1x128xi32, #tpu.memory_space<vmem>> -> memref<128xi32, #tpu.memory_space<vmem>>
    %dma_start3A_278 = arith.constant 0 : i32
    %dma_start3A_279 = arith.constant 0 : i32
    %dma_start3A_280 = tpu.memref_slice %arg7[%dma_start3A_278, %dma_start3A_279] : memref<10240x16xf32, #tpu.memory_space<vmem_shared>> -> memref<10240x16xf32, #tpu.memory_space<vmem_shared>>
    tpu.enqueue_indirect_dma source(%arg4 : memref<128x16xf32, #tpu.memory_space<vmem>>) target(%dma_start3A_280 : memref<10240x16xf32, #tpu.memory_space<vmem_shared>>) offsets(%dma_start3A_277 : memref<128xi32, #tpu.memory_space<vmem>>) semaphore(%arg8 : memref<!tpu.dma_semaphore, #tpu.memory_space<semaphore_mem>>) {add = true}
    %dma_start3A_281 = arith.constant 73 : i32
    %dma_start3A_282 = arith.constant 0 : i32
    %dma_start3A_283 = tpu.memref_slice %arg5[%dma_start3A_281, %dma_start3A_282] : memref<80x128xi32, #tpu.memory_space<vmem>> -> memref<1x128xi32, #tpu.memory_space<vmem>>
    %dma_start3A_284 = tpu.memref_squeeze %dma_start3A_283 : memref<1x128xi32, #tpu.memory_space<vmem>> -> memref<128xi32, #tpu.memory_space<vmem>>
    %dma_start3A_285 = arith.constant 0 : i32
    %dma_start3A_286 = arith.constant 0 : i32
    %dma_start3A_287 = tpu.memref_slice %arg7[%dma_start3A_285, %dma_start3A_286] : memref<10240x16xf32, #tpu.memory_space<vmem_shared>> -> memref<10240x16xf32, #tpu.memory_space<vmem_shared>>
    tpu.enqueue_indirect_dma source(%arg4 : memref<128x16xf32, #tpu.memory_space<vmem>>) target(%dma_start3A_287 : memref<10240x16xf32, #tpu.memory_space<vmem_shared>>) offsets(%dma_start3A_284 : memref<128xi32, #tpu.memory_space<vmem>>) semaphore(%arg8 : memref<!tpu.dma_semaphore, #tpu.memory_space<semaphore_mem>>) {add = true}
    %dma_start3A_288 = arith.constant 75 : i32
    %dma_start3A_289 = arith.constant 0 : i32
    %dma_start3A_290 = tpu.memref_slice %arg5[%dma_start3A_288, %dma_start3A_289] : memref<80x128xi32, #tpu.memory_space<vmem>> -> memref<1x128xi32, #tpu.memory_space<vmem>>
    %dma_start3A_291 = tpu.memref_squeeze %dma_start3A_290 : memref<1x128xi32, #tpu.memory_space<vmem>> -> memref<128xi32, #tpu.memory_space<vmem>>
    %dma_start3A_292 = arith.constant 0 : i32
    %dma_start3A_293 = arith.constant 0 : i32
    %dma_start3A_294 = tpu.memref_slice %arg7[%dma_start3A_292, %dma_start3A_293] : memref<10240x16xf32, #tpu.memory_space<vmem_shared>> -> memref<10240x16xf32, #tpu.memory_space<vmem_shared>>
    tpu.enqueue_indirect_dma source(%arg4 : memref<128x16xf32, #tpu.memory_space<vmem>>) target(%dma_start3A_294 : memref<10240x16xf32, #tpu.memory_space<vmem_shared>>) offsets(%dma_start3A_291 : memref<128xi32, #tpu.memory_space<vmem>>) semaphore(%arg8 : memref<!tpu.dma_semaphore, #tpu.memory_space<semaphore_mem>>) {add = true}
    %dma_start3A_295 = arith.constant 77 : i32
    %dma_start3A_296 = arith.constant 0 : i32
    %dma_start3A_297 = tpu.memref_slice %arg5[%dma_start3A_295, %dma_start3A_296] : memref<80x128xi32, #tpu.memory_space<vmem>> -> memref<1x128xi32, #tpu.memory_space<vmem>>
    %dma_start3A_298 = tpu.memref_squeeze %dma_start3A_297 : memref<1x128xi32, #tpu.memory_space<vmem>> -> memref<128xi32, #tpu.memory_space<vmem>>
    %dma_start3A_299 = arith.constant 0 : i32
    %dma_start3A_300 = arith.constant 0 : i32
    %dma_start3A_301 = tpu.memref_slice %arg7[%dma_start3A_299, %dma_start3A_300] : memref<10240x16xf32, #tpu.memory_space<vmem_shared>> -> memref<10240x16xf32, #tpu.memory_space<vmem_shared>>
    tpu.enqueue_indirect_dma source(%arg4 : memref<128x16xf32, #tpu.memory_space<vmem>>) target(%dma_start3A_301 : memref<10240x16xf32, #tpu.memory_space<vmem_shared>>) offsets(%dma_start3A_298 : memref<128xi32, #tpu.memory_space<vmem>>) semaphore(%arg8 : memref<!tpu.dma_semaphore, #tpu.memory_space<semaphore_mem>>) {add = true}
    %dma_start3A_302 = arith.constant 79 : i32
    %dma_start3A_303 = arith.constant 0 : i32
    %dma_start3A_304 = tpu.memref_slice %arg5[%dma_start3A_302, %dma_start3A_303] : memref<80x128xi32, #tpu.memory_space<vmem>> -> memref<1x128xi32, #tpu.memory_space<vmem>>
    %dma_start3A_305 = tpu.memref_squeeze %dma_start3A_304 : memref<1x128xi32, #tpu.memory_space<vmem>> -> memref<128xi32, #tpu.memory_space<vmem>>
    %dma_start3A_306 = arith.constant 0 : i32
    %dma_start3A_307 = arith.constant 0 : i32
    %dma_start3A_308 = tpu.memref_slice %arg7[%dma_start3A_306, %dma_start3A_307] : memref<10240x16xf32, #tpu.memory_space<vmem_shared>> -> memref<10240x16xf32, #tpu.memory_space<vmem_shared>>
    tpu.enqueue_indirect_dma source(%arg4 : memref<128x16xf32, #tpu.memory_space<vmem>>) target(%dma_start3A_308 : memref<10240x16xf32, #tpu.memory_space<vmem_shared>>) offsets(%dma_start3A_305 : memref<128xi32, #tpu.memory_space<vmem>>) semaphore(%arg8 : memref<!tpu.dma_semaphore, #tpu.memory_space<semaphore_mem>>) {add = true}
    %dma_wait3A = arith.constant 1 : i32
    %dma_wait3A_309 = arith.constant 0 : i32
    %dma_wait3A_310 = tpu.memref_slice %arg5[%dma_wait3A, %dma_wait3A_309] : memref<80x128xi32, #tpu.memory_space<vmem>> -> memref<1x128xi32, #tpu.memory_space<vmem>>
    %dma_wait3A_311 = tpu.memref_squeeze %dma_wait3A_310 : memref<1x128xi32, #tpu.memory_space<vmem>> -> memref<128xi32, #tpu.memory_space<vmem>>
    %dma_wait3A_312 = arith.constant 0 : i32
    %dma_wait3A_313 = arith.constant 0 : i32
    %dma_wait3A_314 = tpu.memref_slice %arg7[%dma_wait3A_312, %dma_wait3A_313] : memref<10240x16xf32, #tpu.memory_space<vmem_shared>> -> memref<10240x16xf32, #tpu.memory_space<vmem_shared>>
    tpu.wait_indirect_dma semaphore(%arg8 : memref<!tpu.dma_semaphore, #tpu.memory_space<semaphore_mem>>) src(%arg4 : memref<128x16xf32, #tpu.memory_space<vmem>>) dst(%dma_wait3A_314 : memref<10240x16xf32, #tpu.memory_space<vmem_shared>>)
    %dma_wait3A_315 = arith.constant 3 : i32
    %dma_wait3A_316 = arith.constant 0 : i32
    %dma_wait3A_317 = tpu.memref_slice %arg5[%dma_wait3A_315, %dma_wait3A_316] : memref<80x128xi32, #tpu.memory_space<vmem>> -> memref<1x128xi32, #tpu.memory_space<vmem>>
    %dma_wait3A_318 = tpu.memref_squeeze %dma_wait3A_317 : memref<1x128xi32, #tpu.memory_space<vmem>> -> memref<128xi32, #tpu.memory_space<vmem>>
    %dma_wait3A_319 = arith.constant 0 : i32
    %dma_wait3A_320 = arith.constant 0 : i32
    %dma_wait3A_321 = tpu.memref_slice %arg7[%dma_wait3A_319, %dma_wait3A_320] : memref<10240x16xf32, #tpu.memory_space<vmem_shared>> -> memref<10240x16xf32, #tpu.memory_space<vmem_shared>>
    tpu.wait_indirect_dma semaphore(%arg8 : memref<!tpu.dma_semaphore, #tpu.memory_space<semaphore_mem>>) src(%arg4 : memref<128x16xf32, #tpu.memory_space<vmem>>) dst(%dma_wait3A_321 : memref<10240x16xf32, #tpu.memory_space<vmem_shared>>)
    %dma_wait3A_322 = arith.constant 5 : i32
    %dma_wait3A_323 = arith.constant 0 : i32
    %dma_wait3A_324 = tpu.memref_slice %arg5[%dma_wait3A_322, %dma_wait3A_323] : memref<80x128xi32, #tpu.memory_space<vmem>> -> memref<1x128xi32, #tpu.memory_space<vmem>>
    %dma_wait3A_325 = tpu.memref_squeeze %dma_wait3A_324 : memref<1x128xi32, #tpu.memory_space<vmem>> -> memref<128xi32, #tpu.memory_space<vmem>>
    %dma_wait3A_326 = arith.constant 0 : i32
    %dma_wait3A_327 = arith.constant 0 : i32
    %dma_wait3A_328 = tpu.memref_slice %arg7[%dma_wait3A_326, %dma_wait3A_327] : memref<10240x16xf32, #tpu.memory_space<vmem_shared>> -> memref<10240x16xf32, #tpu.memory_space<vmem_shared>>
    tpu.wait_indirect_dma semaphore(%arg8 : memref<!tpu.dma_semaphore, #tpu.memory_space<semaphore_mem>>) src(%arg4 : memref<128x16xf32, #tpu.memory_space<vmem>>) dst(%dma_wait3A_328 : memref<10240x16xf32, #tpu.memory_space<vmem_shared>>)
    %dma_wait3A_329 = arith.constant 7 : i32
    %dma_wait3A_330 = arith.constant 0 : i32
    %dma_wait3A_331 = tpu.memref_slice %arg5[%dma_wait3A_329, %dma_wait3A_330] : memref<80x128xi32, #tpu.memory_space<vmem>> -> memref<1x128xi32, #tpu.memory_space<vmem>>
    %dma_wait3A_332 = tpu.memref_squeeze %dma_wait3A_331 : memref<1x128xi32, #tpu.memory_space<vmem>> -> memref<128xi32, #tpu.memory_space<vmem>>
    %dma_wait3A_333 = arith.constant 0 : i32
    %dma_wait3A_334 = arith.constant 0 : i32
    %dma_wait3A_335 = tpu.memref_slice %arg7[%dma_wait3A_333, %dma_wait3A_334] : memref<10240x16xf32, #tpu.memory_space<vmem_shared>> -> memref<10240x16xf32, #tpu.memory_space<vmem_shared>>
    tpu.wait_indirect_dma semaphore(%arg8 : memref<!tpu.dma_semaphore, #tpu.memory_space<semaphore_mem>>) src(%arg4 : memref<128x16xf32, #tpu.memory_space<vmem>>) dst(%dma_wait3A_335 : memref<10240x16xf32, #tpu.memory_space<vmem_shared>>)
    %dma_wait3A_336 = arith.constant 9 : i32
    %dma_wait3A_337 = arith.constant 0 : i32
    %dma_wait3A_338 = tpu.memref_slice %arg5[%dma_wait3A_336, %dma_wait3A_337] : memref<80x128xi32, #tpu.memory_space<vmem>> -> memref<1x128xi32, #tpu.memory_space<vmem>>
    %dma_wait3A_339 = tpu.memref_squeeze %dma_wait3A_338 : memref<1x128xi32, #tpu.memory_space<vmem>> -> memref<128xi32, #tpu.memory_space<vmem>>
    %dma_wait3A_340 = arith.constant 0 : i32
    %dma_wait3A_341 = arith.constant 0 : i32
    %dma_wait3A_342 = tpu.memref_slice %arg7[%dma_wait3A_340, %dma_wait3A_341] : memref<10240x16xf32, #tpu.memory_space<vmem_shared>> -> memref<10240x16xf32, #tpu.memory_space<vmem_shared>>
    tpu.wait_indirect_dma semaphore(%arg8 : memref<!tpu.dma_semaphore, #tpu.memory_space<semaphore_mem>>) src(%arg4 : memref<128x16xf32, #tpu.memory_space<vmem>>) dst(%dma_wait3A_342 : memref<10240x16xf32, #tpu.memory_space<vmem_shared>>)
    %dma_wait3A_343 = arith.constant 11 : i32
    %dma_wait3A_344 = arith.constant 0 : i32
    %dma_wait3A_345 = tpu.memref_slice %arg5[%dma_wait3A_343, %dma_wait3A_344] : memref<80x128xi32, #tpu.memory_space<vmem>> -> memref<1x128xi32, #tpu.memory_space<vmem>>
    %dma_wait3A_346 = tpu.memref_squeeze %dma_wait3A_345 : memref<1x128xi32, #tpu.memory_space<vmem>> -> memref<128xi32, #tpu.memory_space<vmem>>
    %dma_wait3A_347 = arith.constant 0 : i32
    %dma_wait3A_348 = arith.constant 0 : i32
    %dma_wait3A_349 = tpu.memref_slice %arg7[%dma_wait3A_347, %dma_wait3A_348] : memref<10240x16xf32, #tpu.memory_space<vmem_shared>> -> memref<10240x16xf32, #tpu.memory_space<vmem_shared>>
    tpu.wait_indirect_dma semaphore(%arg8 : memref<!tpu.dma_semaphore, #tpu.memory_space<semaphore_mem>>) src(%arg4 : memref<128x16xf32, #tpu.memory_space<vmem>>) dst(%dma_wait3A_349 : memref<10240x16xf32, #tpu.memory_space<vmem_shared>>)
    %dma_wait3A_350 = arith.constant 13 : i32
    %dma_wait3A_351 = arith.constant 0 : i32
    %dma_wait3A_352 = tpu.memref_slice %arg5[%dma_wait3A_350, %dma_wait3A_351] : memref<80x128xi32, #tpu.memory_space<vmem>> -> memref<1x128xi32, #tpu.memory_space<vmem>>
    %dma_wait3A_353 = tpu.memref_squeeze %dma_wait3A_352 : memref<1x128xi32, #tpu.memory_space<vmem>> -> memref<128xi32, #tpu.memory_space<vmem>>
    %dma_wait3A_354 = arith.constant 0 : i32
    %dma_wait3A_355 = arith.constant 0 : i32
    %dma_wait3A_356 = tpu.memref_slice %arg7[%dma_wait3A_354, %dma_wait3A_355] : memref<10240x16xf32, #tpu.memory_space<vmem_shared>> -> memref<10240x16xf32, #tpu.memory_space<vmem_shared>>
    tpu.wait_indirect_dma semaphore(%arg8 : memref<!tpu.dma_semaphore, #tpu.memory_space<semaphore_mem>>) src(%arg4 : memref<128x16xf32, #tpu.memory_space<vmem>>) dst(%dma_wait3A_356 : memref<10240x16xf32, #tpu.memory_space<vmem_shared>>)
    %dma_wait3A_357 = arith.constant 15 : i32
    %dma_wait3A_358 = arith.constant 0 : i32
    %dma_wait3A_359 = tpu.memref_slice %arg5[%dma_wait3A_357, %dma_wait3A_358] : memref<80x128xi32, #tpu.memory_space<vmem>> -> memref<1x128xi32, #tpu.memory_space<vmem>>
    %dma_wait3A_360 = tpu.memref_squeeze %dma_wait3A_359 : memref<1x128xi32, #tpu.memory_space<vmem>> -> memref<128xi32, #tpu.memory_space<vmem>>
    %dma_wait3A_361 = arith.constant 0 : i32
    %dma_wait3A_362 = arith.constant 0 : i32
    %dma_wait3A_363 = tpu.memref_slice %arg7[%dma_wait3A_361, %dma_wait3A_362] : memref<10240x16xf32, #tpu.memory_space<vmem_shared>> -> memref<10240x16xf32, #tpu.memory_space<vmem_shared>>
    tpu.wait_indirect_dma semaphore(%arg8 : memref<!tpu.dma_semaphore, #tpu.memory_space<semaphore_mem>>) src(%arg4 : memref<128x16xf32, #tpu.memory_space<vmem>>) dst(%dma_wait3A_363 : memref<10240x16xf32, #tpu.memory_space<vmem_shared>>)
    %dma_wait3A_364 = arith.constant 17 : i32
    %dma_wait3A_365 = arith.constant 0 : i32
    %dma_wait3A_366 = tpu.memref_slice %arg5[%dma_wait3A_364, %dma_wait3A_365] : memref<80x128xi32, #tpu.memory_space<vmem>> -> memref<1x128xi32, #tpu.memory_space<vmem>>
    %dma_wait3A_367 = tpu.memref_squeeze %dma_wait3A_366 : memref<1x128xi32, #tpu.memory_space<vmem>> -> memref<128xi32, #tpu.memory_space<vmem>>
    %dma_wait3A_368 = arith.constant 0 : i32
    %dma_wait3A_369 = arith.constant 0 : i32
    %dma_wait3A_370 = tpu.memref_slice %arg7[%dma_wait3A_368, %dma_wait3A_369] : memref<10240x16xf32, #tpu.memory_space<vmem_shared>> -> memref<10240x16xf32, #tpu.memory_space<vmem_shared>>
    tpu.wait_indirect_dma semaphore(%arg8 : memref<!tpu.dma_semaphore, #tpu.memory_space<semaphore_mem>>) src(%arg4 : memref<128x16xf32, #tpu.memory_space<vmem>>) dst(%dma_wait3A_370 : memref<10240x16xf32, #tpu.memory_space<vmem_shared>>)
    %dma_wait3A_371 = arith.constant 19 : i32
    %dma_wait3A_372 = arith.constant 0 : i32
    %dma_wait3A_373 = tpu.memref_slice %arg5[%dma_wait3A_371, %dma_wait3A_372] : memref<80x128xi32, #tpu.memory_space<vmem>> -> memref<1x128xi32, #tpu.memory_space<vmem>>
    %dma_wait3A_374 = tpu.memref_squeeze %dma_wait3A_373 : memref<1x128xi32, #tpu.memory_space<vmem>> -> memref<128xi32, #tpu.memory_space<vmem>>
    %dma_wait3A_375 = arith.constant 0 : i32
    %dma_wait3A_376 = arith.constant 0 : i32
    %dma_wait3A_377 = tpu.memref_slice %arg7[%dma_wait3A_375, %dma_wait3A_376] : memref<10240x16xf32, #tpu.memory_space<vmem_shared>> -> memref<10240x16xf32, #tpu.memory_space<vmem_shared>>
    tpu.wait_indirect_dma semaphore(%arg8 : memref<!tpu.dma_semaphore, #tpu.memory_space<semaphore_mem>>) src(%arg4 : memref<128x16xf32, #tpu.memory_space<vmem>>) dst(%dma_wait3A_377 : memref<10240x16xf32, #tpu.memory_space<vmem_shared>>)
    %dma_wait3A_378 = arith.constant 21 : i32
    %dma_wait3A_379 = arith.constant 0 : i32
    %dma_wait3A_380 = tpu.memref_slice %arg5[%dma_wait3A_378, %dma_wait3A_379] : memref<80x128xi32, #tpu.memory_space<vmem>> -> memref<1x128xi32, #tpu.memory_space<vmem>>
    %dma_wait3A_381 = tpu.memref_squeeze %dma_wait3A_380 : memref<1x128xi32, #tpu.memory_space<vmem>> -> memref<128xi32, #tpu.memory_space<vmem>>
    %dma_wait3A_382 = arith.constant 0 : i32
    %dma_wait3A_383 = arith.constant 0 : i32
    %dma_wait3A_384 = tpu.memref_slice %arg7[%dma_wait3A_382, %dma_wait3A_383] : memref<10240x16xf32, #tpu.memory_space<vmem_shared>> -> memref<10240x16xf32, #tpu.memory_space<vmem_shared>>
    tpu.wait_indirect_dma semaphore(%arg8 : memref<!tpu.dma_semaphore, #tpu.memory_space<semaphore_mem>>) src(%arg4 : memref<128x16xf32, #tpu.memory_space<vmem>>) dst(%dma_wait3A_384 : memref<10240x16xf32, #tpu.memory_space<vmem_shared>>)
    %dma_wait3A_385 = arith.constant 23 : i32
    %dma_wait3A_386 = arith.constant 0 : i32
    %dma_wait3A_387 = tpu.memref_slice %arg5[%dma_wait3A_385, %dma_wait3A_386] : memref<80x128xi32, #tpu.memory_space<vmem>> -> memref<1x128xi32, #tpu.memory_space<vmem>>
    %dma_wait3A_388 = tpu.memref_squeeze %dma_wait3A_387 : memref<1x128xi32, #tpu.memory_space<vmem>> -> memref<128xi32, #tpu.memory_space<vmem>>
    %dma_wait3A_389 = arith.constant 0 : i32
    %dma_wait3A_390 = arith.constant 0 : i32
    %dma_wait3A_391 = tpu.memref_slice %arg7[%dma_wait3A_389, %dma_wait3A_390] : memref<10240x16xf32, #tpu.memory_space<vmem_shared>> -> memref<10240x16xf32, #tpu.memory_space<vmem_shared>>
    tpu.wait_indirect_dma semaphore(%arg8 : memref<!tpu.dma_semaphore, #tpu.memory_space<semaphore_mem>>) src(%arg4 : memref<128x16xf32, #tpu.memory_space<vmem>>) dst(%dma_wait3A_391 : memref<10240x16xf32, #tpu.memory_space<vmem_shared>>)
    %dma_wait3A_392 = arith.constant 25 : i32
    %dma_wait3A_393 = arith.constant 0 : i32
    %dma_wait3A_394 = tpu.memref_slice %arg5[%dma_wait3A_392, %dma_wait3A_393] : memref<80x128xi32, #tpu.memory_space<vmem>> -> memref<1x128xi32, #tpu.memory_space<vmem>>
    %dma_wait3A_395 = tpu.memref_squeeze %dma_wait3A_394 : memref<1x128xi32, #tpu.memory_space<vmem>> -> memref<128xi32, #tpu.memory_space<vmem>>
    %dma_wait3A_396 = arith.constant 0 : i32
    %dma_wait3A_397 = arith.constant 0 : i32
    %dma_wait3A_398 = tpu.memref_slice %arg7[%dma_wait3A_396, %dma_wait3A_397] : memref<10240x16xf32, #tpu.memory_space<vmem_shared>> -> memref<10240x16xf32, #tpu.memory_space<vmem_shared>>
    tpu.wait_indirect_dma semaphore(%arg8 : memref<!tpu.dma_semaphore, #tpu.memory_space<semaphore_mem>>) src(%arg4 : memref<128x16xf32, #tpu.memory_space<vmem>>) dst(%dma_wait3A_398 : memref<10240x16xf32, #tpu.memory_space<vmem_shared>>)
    %dma_wait3A_399 = arith.constant 27 : i32
    %dma_wait3A_400 = arith.constant 0 : i32
    %dma_wait3A_401 = tpu.memref_slice %arg5[%dma_wait3A_399, %dma_wait3A_400] : memref<80x128xi32, #tpu.memory_space<vmem>> -> memref<1x128xi32, #tpu.memory_space<vmem>>
    %dma_wait3A_402 = tpu.memref_squeeze %dma_wait3A_401 : memref<1x128xi32, #tpu.memory_space<vmem>> -> memref<128xi32, #tpu.memory_space<vmem>>
    %dma_wait3A_403 = arith.constant 0 : i32
    %dma_wait3A_404 = arith.constant 0 : i32
    %dma_wait3A_405 = tpu.memref_slice %arg7[%dma_wait3A_403, %dma_wait3A_404] : memref<10240x16xf32, #tpu.memory_space<vmem_shared>> -> memref<10240x16xf32, #tpu.memory_space<vmem_shared>>
    tpu.wait_indirect_dma semaphore(%arg8 : memref<!tpu.dma_semaphore, #tpu.memory_space<semaphore_mem>>) src(%arg4 : memref<128x16xf32, #tpu.memory_space<vmem>>) dst(%dma_wait3A_405 : memref<10240x16xf32, #tpu.memory_space<vmem_shared>>)
    %dma_wait3A_406 = arith.constant 29 : i32
    %dma_wait3A_407 = arith.constant 0 : i32
    %dma_wait3A_408 = tpu.memref_slice %arg5[%dma_wait3A_406, %dma_wait3A_407] : memref<80x128xi32, #tpu.memory_space<vmem>> -> memref<1x128xi32, #tpu.memory_space<vmem>>
    %dma_wait3A_409 = tpu.memref_squeeze %dma_wait3A_408 : memref<1x128xi32, #tpu.memory_space<vmem>> -> memref<128xi32, #tpu.memory_space<vmem>>
    %dma_wait3A_410 = arith.constant 0 : i32
    %dma_wait3A_411 = arith.constant 0 : i32
    %dma_wait3A_412 = tpu.memref_slice %arg7[%dma_wait3A_410, %dma_wait3A_411] : memref<10240x16xf32, #tpu.memory_space<vmem_shared>> -> memref<10240x16xf32, #tpu.memory_space<vmem_shared>>
    tpu.wait_indirect_dma semaphore(%arg8 : memref<!tpu.dma_semaphore, #tpu.memory_space<semaphore_mem>>) src(%arg4 : memref<128x16xf32, #tpu.memory_space<vmem>>) dst(%dma_wait3A_412 : memref<10240x16xf32, #tpu.memory_space<vmem_shared>>)
    %dma_wait3A_413 = arith.constant 31 : i32
    %dma_wait3A_414 = arith.constant 0 : i32
    %dma_wait3A_415 = tpu.memref_slice %arg5[%dma_wait3A_413, %dma_wait3A_414] : memref<80x128xi32, #tpu.memory_space<vmem>> -> memref<1x128xi32, #tpu.memory_space<vmem>>
    %dma_wait3A_416 = tpu.memref_squeeze %dma_wait3A_415 : memref<1x128xi32, #tpu.memory_space<vmem>> -> memref<128xi32, #tpu.memory_space<vmem>>
    %dma_wait3A_417 = arith.constant 0 : i32
    %dma_wait3A_418 = arith.constant 0 : i32
    %dma_wait3A_419 = tpu.memref_slice %arg7[%dma_wait3A_417, %dma_wait3A_418] : memref<10240x16xf32, #tpu.memory_space<vmem_shared>> -> memref<10240x16xf32, #tpu.memory_space<vmem_shared>>
    tpu.wait_indirect_dma semaphore(%arg8 : memref<!tpu.dma_semaphore, #tpu.memory_space<semaphore_mem>>) src(%arg4 : memref<128x16xf32, #tpu.memory_space<vmem>>) dst(%dma_wait3A_419 : memref<10240x16xf32, #tpu.memory_space<vmem_shared>>)
    %dma_wait3A_420 = arith.constant 33 : i32
    %dma_wait3A_421 = arith.constant 0 : i32
    %dma_wait3A_422 = tpu.memref_slice %arg5[%dma_wait3A_420, %dma_wait3A_421] : memref<80x128xi32, #tpu.memory_space<vmem>> -> memref<1x128xi32, #tpu.memory_space<vmem>>
    %dma_wait3A_423 = tpu.memref_squeeze %dma_wait3A_422 : memref<1x128xi32, #tpu.memory_space<vmem>> -> memref<128xi32, #tpu.memory_space<vmem>>
    %dma_wait3A_424 = arith.constant 0 : i32
    %dma_wait3A_425 = arith.constant 0 : i32
    %dma_wait3A_426 = tpu.memref_slice %arg7[%dma_wait3A_424, %dma_wait3A_425] : memref<10240x16xf32, #tpu.memory_space<vmem_shared>> -> memref<10240x16xf32, #tpu.memory_space<vmem_shared>>
    tpu.wait_indirect_dma semaphore(%arg8 : memref<!tpu.dma_semaphore, #tpu.memory_space<semaphore_mem>>) src(%arg4 : memref<128x16xf32, #tpu.memory_space<vmem>>) dst(%dma_wait3A_426 : memref<10240x16xf32, #tpu.memory_space<vmem_shared>>)
    %dma_wait3A_427 = arith.constant 35 : i32
    %dma_wait3A_428 = arith.constant 0 : i32
    %dma_wait3A_429 = tpu.memref_slice %arg5[%dma_wait3A_427, %dma_wait3A_428] : memref<80x128xi32, #tpu.memory_space<vmem>> -> memref<1x128xi32, #tpu.memory_space<vmem>>
    %dma_wait3A_430 = tpu.memref_squeeze %dma_wait3A_429 : memref<1x128xi32, #tpu.memory_space<vmem>> -> memref<128xi32, #tpu.memory_space<vmem>>
    %dma_wait3A_431 = arith.constant 0 : i32
    %dma_wait3A_432 = arith.constant 0 : i32
    %dma_wait3A_433 = tpu.memref_slice %arg7[%dma_wait3A_431, %dma_wait3A_432] : memref<10240x16xf32, #tpu.memory_space<vmem_shared>> -> memref<10240x16xf32, #tpu.memory_space<vmem_shared>>
    tpu.wait_indirect_dma semaphore(%arg8 : memref<!tpu.dma_semaphore, #tpu.memory_space<semaphore_mem>>) src(%arg4 : memref<128x16xf32, #tpu.memory_space<vmem>>) dst(%dma_wait3A_433 : memref<10240x16xf32, #tpu.memory_space<vmem_shared>>)
    %dma_wait3A_434 = arith.constant 37 : i32
    %dma_wait3A_435 = arith.constant 0 : i32
    %dma_wait3A_436 = tpu.memref_slice %arg5[%dma_wait3A_434, %dma_wait3A_435] : memref<80x128xi32, #tpu.memory_space<vmem>> -> memref<1x128xi32, #tpu.memory_space<vmem>>
    %dma_wait3A_437 = tpu.memref_squeeze %dma_wait3A_436 : memref<1x128xi32, #tpu.memory_space<vmem>> -> memref<128xi32, #tpu.memory_space<vmem>>
    %dma_wait3A_438 = arith.constant 0 : i32
    %dma_wait3A_439 = arith.constant 0 : i32
    %dma_wait3A_440 = tpu.memref_slice %arg7[%dma_wait3A_438, %dma_wait3A_439] : memref<10240x16xf32, #tpu.memory_space<vmem_shared>> -> memref<10240x16xf32, #tpu.memory_space<vmem_shared>>
    tpu.wait_indirect_dma semaphore(%arg8 : memref<!tpu.dma_semaphore, #tpu.memory_space<semaphore_mem>>) src(%arg4 : memref<128x16xf32, #tpu.memory_space<vmem>>) dst(%dma_wait3A_440 : memref<10240x16xf32, #tpu.memory_space<vmem_shared>>)
    %dma_wait3A_441 = arith.constant 39 : i32
    %dma_wait3A_442 = arith.constant 0 : i32
    %dma_wait3A_443 = tpu.memref_slice %arg5[%dma_wait3A_441, %dma_wait3A_442] : memref<80x128xi32, #tpu.memory_space<vmem>> -> memref<1x128xi32, #tpu.memory_space<vmem>>
    %dma_wait3A_444 = tpu.memref_squeeze %dma_wait3A_443 : memref<1x128xi32, #tpu.memory_space<vmem>> -> memref<128xi32, #tpu.memory_space<vmem>>
    %dma_wait3A_445 = arith.constant 0 : i32
    %dma_wait3A_446 = arith.constant 0 : i32
    %dma_wait3A_447 = tpu.memref_slice %arg7[%dma_wait3A_445, %dma_wait3A_446] : memref<10240x16xf32, #tpu.memory_space<vmem_shared>> -> memref<10240x16xf32, #tpu.memory_space<vmem_shared>>
    tpu.wait_indirect_dma semaphore(%arg8 : memref<!tpu.dma_semaphore, #tpu.memory_space<semaphore_mem>>) src(%arg4 : memref<128x16xf32, #tpu.memory_space<vmem>>) dst(%dma_wait3A_447 : memref<10240x16xf32, #tpu.memory_space<vmem_shared>>)
    %dma_wait3A_448 = arith.constant 41 : i32
    %dma_wait3A_449 = arith.constant 0 : i32
    %dma_wait3A_450 = tpu.memref_slice %arg5[%dma_wait3A_448, %dma_wait3A_449] : memref<80x128xi32, #tpu.memory_space<vmem>> -> memref<1x128xi32, #tpu.memory_space<vmem>>
    %dma_wait3A_451 = tpu.memref_squeeze %dma_wait3A_450 : memref<1x128xi32, #tpu.memory_space<vmem>> -> memref<128xi32, #tpu.memory_space<vmem>>
    %dma_wait3A_452 = arith.constant 0 : i32
    %dma_wait3A_453 = arith.constant 0 : i32
    %dma_wait3A_454 = tpu.memref_slice %arg7[%dma_wait3A_452, %dma_wait3A_453] : memref<10240x16xf32, #tpu.memory_space<vmem_shared>> -> memref<10240x16xf32, #tpu.memory_space<vmem_shared>>
    tpu.wait_indirect_dma semaphore(%arg8 : memref<!tpu.dma_semaphore, #tpu.memory_space<semaphore_mem>>) src(%arg4 : memref<128x16xf32, #tpu.memory_space<vmem>>) dst(%dma_wait3A_454 : memref<10240x16xf32, #tpu.memory_space<vmem_shared>>)
    %dma_wait3A_455 = arith.constant 43 : i32
    %dma_wait3A_456 = arith.constant 0 : i32
    %dma_wait3A_457 = tpu.memref_slice %arg5[%dma_wait3A_455, %dma_wait3A_456] : memref<80x128xi32, #tpu.memory_space<vmem>> -> memref<1x128xi32, #tpu.memory_space<vmem>>
    %dma_wait3A_458 = tpu.memref_squeeze %dma_wait3A_457 : memref<1x128xi32, #tpu.memory_space<vmem>> -> memref<128xi32, #tpu.memory_space<vmem>>
    %dma_wait3A_459 = arith.constant 0 : i32
    %dma_wait3A_460 = arith.constant 0 : i32
    %dma_wait3A_461 = tpu.memref_slice %arg7[%dma_wait3A_459, %dma_wait3A_460] : memref<10240x16xf32, #tpu.memory_space<vmem_shared>> -> memref<10240x16xf32, #tpu.memory_space<vmem_shared>>
    tpu.wait_indirect_dma semaphore(%arg8 : memref<!tpu.dma_semaphore, #tpu.memory_space<semaphore_mem>>) src(%arg4 : memref<128x16xf32, #tpu.memory_space<vmem>>) dst(%dma_wait3A_461 : memref<10240x16xf32, #tpu.memory_space<vmem_shared>>)
    %dma_wait3A_462 = arith.constant 45 : i32
    %dma_wait3A_463 = arith.constant 0 : i32
    %dma_wait3A_464 = tpu.memref_slice %arg5[%dma_wait3A_462, %dma_wait3A_463] : memref<80x128xi32, #tpu.memory_space<vmem>> -> memref<1x128xi32, #tpu.memory_space<vmem>>
    %dma_wait3A_465 = tpu.memref_squeeze %dma_wait3A_464 : memref<1x128xi32, #tpu.memory_space<vmem>> -> memref<128xi32, #tpu.memory_space<vmem>>
    %dma_wait3A_466 = arith.constant 0 : i32
    %dma_wait3A_467 = arith.constant 0 : i32
    %dma_wait3A_468 = tpu.memref_slice %arg7[%dma_wait3A_466, %dma_wait3A_467] : memref<10240x16xf32, #tpu.memory_space<vmem_shared>> -> memref<10240x16xf32, #tpu.memory_space<vmem_shared>>
    tpu.wait_indirect_dma semaphore(%arg8 : memref<!tpu.dma_semaphore, #tpu.memory_space<semaphore_mem>>) src(%arg4 : memref<128x16xf32, #tpu.memory_space<vmem>>) dst(%dma_wait3A_468 : memref<10240x16xf32, #tpu.memory_space<vmem_shared>>)
    %dma_wait3A_469 = arith.constant 47 : i32
    %dma_wait3A_470 = arith.constant 0 : i32
    %dma_wait3A_471 = tpu.memref_slice %arg5[%dma_wait3A_469, %dma_wait3A_470] : memref<80x128xi32, #tpu.memory_space<vmem>> -> memref<1x128xi32, #tpu.memory_space<vmem>>
    %dma_wait3A_472 = tpu.memref_squeeze %dma_wait3A_471 : memref<1x128xi32, #tpu.memory_space<vmem>> -> memref<128xi32, #tpu.memory_space<vmem>>
    %dma_wait3A_473 = arith.constant 0 : i32
    %dma_wait3A_474 = arith.constant 0 : i32
    %dma_wait3A_475 = tpu.memref_slice %arg7[%dma_wait3A_473, %dma_wait3A_474] : memref<10240x16xf32, #tpu.memory_space<vmem_shared>> -> memref<10240x16xf32, #tpu.memory_space<vmem_shared>>
    tpu.wait_indirect_dma semaphore(%arg8 : memref<!tpu.dma_semaphore, #tpu.memory_space<semaphore_mem>>) src(%arg4 : memref<128x16xf32, #tpu.memory_space<vmem>>) dst(%dma_wait3A_475 : memref<10240x16xf32, #tpu.memory_space<vmem_shared>>)
    %dma_wait3A_476 = arith.constant 49 : i32
    %dma_wait3A_477 = arith.constant 0 : i32
    %dma_wait3A_478 = tpu.memref_slice %arg5[%dma_wait3A_476, %dma_wait3A_477] : memref<80x128xi32, #tpu.memory_space<vmem>> -> memref<1x128xi32, #tpu.memory_space<vmem>>
    %dma_wait3A_479 = tpu.memref_squeeze %dma_wait3A_478 : memref<1x128xi32, #tpu.memory_space<vmem>> -> memref<128xi32, #tpu.memory_space<vmem>>
    %dma_wait3A_480 = arith.constant 0 : i32
    %dma_wait3A_481 = arith.constant 0 : i32
    %dma_wait3A_482 = tpu.memref_slice %arg7[%dma_wait3A_480, %dma_wait3A_481] : memref<10240x16xf32, #tpu.memory_space<vmem_shared>> -> memref<10240x16xf32, #tpu.memory_space<vmem_shared>>
    tpu.wait_indirect_dma semaphore(%arg8 : memref<!tpu.dma_semaphore, #tpu.memory_space<semaphore_mem>>) src(%arg4 : memref<128x16xf32, #tpu.memory_space<vmem>>) dst(%dma_wait3A_482 : memref<10240x16xf32, #tpu.memory_space<vmem_shared>>)
    %dma_wait3A_483 = arith.constant 51 : i32
    %dma_wait3A_484 = arith.constant 0 : i32
    %dma_wait3A_485 = tpu.memref_slice %arg5[%dma_wait3A_483, %dma_wait3A_484] : memref<80x128xi32, #tpu.memory_space<vmem>> -> memref<1x128xi32, #tpu.memory_space<vmem>>
    %dma_wait3A_486 = tpu.memref_squeeze %dma_wait3A_485 : memref<1x128xi32, #tpu.memory_space<vmem>> -> memref<128xi32, #tpu.memory_space<vmem>>
    %dma_wait3A_487 = arith.constant 0 : i32
    %dma_wait3A_488 = arith.constant 0 : i32
    %dma_wait3A_489 = tpu.memref_slice %arg7[%dma_wait3A_487, %dma_wait3A_488] : memref<10240x16xf32, #tpu.memory_space<vmem_shared>> -> memref<10240x16xf32, #tpu.memory_space<vmem_shared>>
    tpu.wait_indirect_dma semaphore(%arg8 : memref<!tpu.dma_semaphore, #tpu.memory_space<semaphore_mem>>) src(%arg4 : memref<128x16xf32, #tpu.memory_space<vmem>>) dst(%dma_wait3A_489 : memref<10240x16xf32, #tpu.memory_space<vmem_shared>>)
    %dma_wait3A_490 = arith.constant 53 : i32
    %dma_wait3A_491 = arith.constant 0 : i32
    %dma_wait3A_492 = tpu.memref_slice %arg5[%dma_wait3A_490, %dma_wait3A_491] : memref<80x128xi32, #tpu.memory_space<vmem>> -> memref<1x128xi32, #tpu.memory_space<vmem>>
    %dma_wait3A_493 = tpu.memref_squeeze %dma_wait3A_492 : memref<1x128xi32, #tpu.memory_space<vmem>> -> memref<128xi32, #tpu.memory_space<vmem>>
    %dma_wait3A_494 = arith.constant 0 : i32
    %dma_wait3A_495 = arith.constant 0 : i32
    %dma_wait3A_496 = tpu.memref_slice %arg7[%dma_wait3A_494, %dma_wait3A_495] : memref<10240x16xf32, #tpu.memory_space<vmem_shared>> -> memref<10240x16xf32, #tpu.memory_space<vmem_shared>>
    tpu.wait_indirect_dma semaphore(%arg8 : memref<!tpu.dma_semaphore, #tpu.memory_space<semaphore_mem>>) src(%arg4 : memref<128x16xf32, #tpu.memory_space<vmem>>) dst(%dma_wait3A_496 : memref<10240x16xf32, #tpu.memory_space<vmem_shared>>)
    %dma_wait3A_497 = arith.constant 55 : i32
    %dma_wait3A_498 = arith.constant 0 : i32
    %dma_wait3A_499 = tpu.memref_slice %arg5[%dma_wait3A_497, %dma_wait3A_498] : memref<80x128xi32, #tpu.memory_space<vmem>> -> memref<1x128xi32, #tpu.memory_space<vmem>>
    %dma_wait3A_500 = tpu.memref_squeeze %dma_wait3A_499 : memref<1x128xi32, #tpu.memory_space<vmem>> -> memref<128xi32, #tpu.memory_space<vmem>>
    %dma_wait3A_501 = arith.constant 0 : i32
    %dma_wait3A_502 = arith.constant 0 : i32
    %dma_wait3A_503 = tpu.memref_slice %arg7[%dma_wait3A_501, %dma_wait3A_502] : memref<10240x16xf32, #tpu.memory_space<vmem_shared>> -> memref<10240x16xf32, #tpu.memory_space<vmem_shared>>
    tpu.wait_indirect_dma semaphore(%arg8 : memref<!tpu.dma_semaphore, #tpu.memory_space<semaphore_mem>>) src(%arg4 : memref<128x16xf32, #tpu.memory_space<vmem>>) dst(%dma_wait3A_503 : memref<10240x16xf32, #tpu.memory_space<vmem_shared>>)
    %dma_wait3A_504 = arith.constant 57 : i32
    %dma_wait3A_505 = arith.constant 0 : i32
    %dma_wait3A_506 = tpu.memref_slice %arg5[%dma_wait3A_504, %dma_wait3A_505] : memref<80x128xi32, #tpu.memory_space<vmem>> -> memref<1x128xi32, #tpu.memory_space<vmem>>
    %dma_wait3A_507 = tpu.memref_squeeze %dma_wait3A_506 : memref<1x128xi32, #tpu.memory_space<vmem>> -> memref<128xi32, #tpu.memory_space<vmem>>
    %dma_wait3A_508 = arith.constant 0 : i32
    %dma_wait3A_509 = arith.constant 0 : i32
    %dma_wait3A_510 = tpu.memref_slice %arg7[%dma_wait3A_508, %dma_wait3A_509] : memref<10240x16xf32, #tpu.memory_space<vmem_shared>> -> memref<10240x16xf32, #tpu.memory_space<vmem_shared>>
    tpu.wait_indirect_dma semaphore(%arg8 : memref<!tpu.dma_semaphore, #tpu.memory_space<semaphore_mem>>) src(%arg4 : memref<128x16xf32, #tpu.memory_space<vmem>>) dst(%dma_wait3A_510 : memref<10240x16xf32, #tpu.memory_space<vmem_shared>>)
    %dma_wait3A_511 = arith.constant 59 : i32
    %dma_wait3A_512 = arith.constant 0 : i32
    %dma_wait3A_513 = tpu.memref_slice %arg5[%dma_wait3A_511, %dma_wait3A_512] : memref<80x128xi32, #tpu.memory_space<vmem>> -> memref<1x128xi32, #tpu.memory_space<vmem>>
    %dma_wait3A_514 = tpu.memref_squeeze %dma_wait3A_513 : memref<1x128xi32, #tpu.memory_space<vmem>> -> memref<128xi32, #tpu.memory_space<vmem>>
    %dma_wait3A_515 = arith.constant 0 : i32
    %dma_wait3A_516 = arith.constant 0 : i32
    %dma_wait3A_517 = tpu.memref_slice %arg7[%dma_wait3A_515, %dma_wait3A_516] : memref<10240x16xf32, #tpu.memory_space<vmem_shared>> -> memref<10240x16xf32, #tpu.memory_space<vmem_shared>>
    tpu.wait_indirect_dma semaphore(%arg8 : memref<!tpu.dma_semaphore, #tpu.memory_space<semaphore_mem>>) src(%arg4 : memref<128x16xf32, #tpu.memory_space<vmem>>) dst(%dma_wait3A_517 : memref<10240x16xf32, #tpu.memory_space<vmem_shared>>)
    %dma_wait3A_518 = arith.constant 61 : i32
    %dma_wait3A_519 = arith.constant 0 : i32
    %dma_wait3A_520 = tpu.memref_slice %arg5[%dma_wait3A_518, %dma_wait3A_519] : memref<80x128xi32, #tpu.memory_space<vmem>> -> memref<1x128xi32, #tpu.memory_space<vmem>>
    %dma_wait3A_521 = tpu.memref_squeeze %dma_wait3A_520 : memref<1x128xi32, #tpu.memory_space<vmem>> -> memref<128xi32, #tpu.memory_space<vmem>>
    %dma_wait3A_522 = arith.constant 0 : i32
    %dma_wait3A_523 = arith.constant 0 : i32
    %dma_wait3A_524 = tpu.memref_slice %arg7[%dma_wait3A_522, %dma_wait3A_523] : memref<10240x16xf32, #tpu.memory_space<vmem_shared>> -> memref<10240x16xf32, #tpu.memory_space<vmem_shared>>
    tpu.wait_indirect_dma semaphore(%arg8 : memref<!tpu.dma_semaphore, #tpu.memory_space<semaphore_mem>>) src(%arg4 : memref<128x16xf32, #tpu.memory_space<vmem>>) dst(%dma_wait3A_524 : memref<10240x16xf32, #tpu.memory_space<vmem_shared>>)
    %dma_wait3A_525 = arith.constant 63 : i32
    %dma_wait3A_526 = arith.constant 0 : i32
    %dma_wait3A_527 = tpu.memref_slice %arg5[%dma_wait3A_525, %dma_wait3A_526] : memref<80x128xi32, #tpu.memory_space<vmem>> -> memref<1x128xi32, #tpu.memory_space<vmem>>
    %dma_wait3A_528 = tpu.memref_squeeze %dma_wait3A_527 : memref<1x128xi32, #tpu.memory_space<vmem>> -> memref<128xi32, #tpu.memory_space<vmem>>
    %dma_wait3A_529 = arith.constant 0 : i32
    %dma_wait3A_530 = arith.constant 0 : i32
    %dma_wait3A_531 = tpu.memref_slice %arg7[%dma_wait3A_529, %dma_wait3A_530] : memref<10240x16xf32, #tpu.memory_space<vmem_shared>> -> memref<10240x16xf32, #tpu.memory_space<vmem_shared>>
    tpu.wait_indirect_dma semaphore(%arg8 : memref<!tpu.dma_semaphore, #tpu.memory_space<semaphore_mem>>) src(%arg4 : memref<128x16xf32, #tpu.memory_space<vmem>>) dst(%dma_wait3A_531 : memref<10240x16xf32, #tpu.memory_space<vmem_shared>>)
    %dma_wait3A_532 = arith.constant 65 : i32
    %dma_wait3A_533 = arith.constant 0 : i32
    %dma_wait3A_534 = tpu.memref_slice %arg5[%dma_wait3A_532, %dma_wait3A_533] : memref<80x128xi32, #tpu.memory_space<vmem>> -> memref<1x128xi32, #tpu.memory_space<vmem>>
    %dma_wait3A_535 = tpu.memref_squeeze %dma_wait3A_534 : memref<1x128xi32, #tpu.memory_space<vmem>> -> memref<128xi32, #tpu.memory_space<vmem>>
    %dma_wait3A_536 = arith.constant 0 : i32
    %dma_wait3A_537 = arith.constant 0 : i32
    %dma_wait3A_538 = tpu.memref_slice %arg7[%dma_wait3A_536, %dma_wait3A_537] : memref<10240x16xf32, #tpu.memory_space<vmem_shared>> -> memref<10240x16xf32, #tpu.memory_space<vmem_shared>>
    tpu.wait_indirect_dma semaphore(%arg8 : memref<!tpu.dma_semaphore, #tpu.memory_space<semaphore_mem>>) src(%arg4 : memref<128x16xf32, #tpu.memory_space<vmem>>) dst(%dma_wait3A_538 : memref<10240x16xf32, #tpu.memory_space<vmem_shared>>)
    %dma_wait3A_539 = arith.constant 67 : i32
    %dma_wait3A_540 = arith.constant 0 : i32
    %dma_wait3A_541 = tpu.memref_slice %arg5[%dma_wait3A_539, %dma_wait3A_540] : memref<80x128xi32, #tpu.memory_space<vmem>> -> memref<1x128xi32, #tpu.memory_space<vmem>>
    %dma_wait3A_542 = tpu.memref_squeeze %dma_wait3A_541 : memref<1x128xi32, #tpu.memory_space<vmem>> -> memref<128xi32, #tpu.memory_space<vmem>>
    %dma_wait3A_543 = arith.constant 0 : i32
    %dma_wait3A_544 = arith.constant 0 : i32
    %dma_wait3A_545 = tpu.memref_slice %arg7[%dma_wait3A_543, %dma_wait3A_544] : memref<10240x16xf32, #tpu.memory_space<vmem_shared>> -> memref<10240x16xf32, #tpu.memory_space<vmem_shared>>
    tpu.wait_indirect_dma semaphore(%arg8 : memref<!tpu.dma_semaphore, #tpu.memory_space<semaphore_mem>>) src(%arg4 : memref<128x16xf32, #tpu.memory_space<vmem>>) dst(%dma_wait3A_545 : memref<10240x16xf32, #tpu.memory_space<vmem_shared>>)
    %dma_wait3A_546 = arith.constant 69 : i32
    %dma_wait3A_547 = arith.constant 0 : i32
    %dma_wait3A_548 = tpu.memref_slice %arg5[%dma_wait3A_546, %dma_wait3A_547] : memref<80x128xi32, #tpu.memory_space<vmem>> -> memref<1x128xi32, #tpu.memory_space<vmem>>
    %dma_wait3A_549 = tpu.memref_squeeze %dma_wait3A_548 : memref<1x128xi32, #tpu.memory_space<vmem>> -> memref<128xi32, #tpu.memory_space<vmem>>
    %dma_wait3A_550 = arith.constant 0 : i32
    %dma_wait3A_551 = arith.constant 0 : i32
    %dma_wait3A_552 = tpu.memref_slice %arg7[%dma_wait3A_550, %dma_wait3A_551] : memref<10240x16xf32, #tpu.memory_space<vmem_shared>> -> memref<10240x16xf32, #tpu.memory_space<vmem_shared>>
    tpu.wait_indirect_dma semaphore(%arg8 : memref<!tpu.dma_semaphore, #tpu.memory_space<semaphore_mem>>) src(%arg4 : memref<128x16xf32, #tpu.memory_space<vmem>>) dst(%dma_wait3A_552 : memref<10240x16xf32, #tpu.memory_space<vmem_shared>>)
    %dma_wait3A_553 = arith.constant 71 : i32
    %dma_wait3A_554 = arith.constant 0 : i32
    %dma_wait3A_555 = tpu.memref_slice %arg5[%dma_wait3A_553, %dma_wait3A_554] : memref<80x128xi32, #tpu.memory_space<vmem>> -> memref<1x128xi32, #tpu.memory_space<vmem>>
    %dma_wait3A_556 = tpu.memref_squeeze %dma_wait3A_555 : memref<1x128xi32, #tpu.memory_space<vmem>> -> memref<128xi32, #tpu.memory_space<vmem>>
    %dma_wait3A_557 = arith.constant 0 : i32
    %dma_wait3A_558 = arith.constant 0 : i32
    %dma_wait3A_559 = tpu.memref_slice %arg7[%dma_wait3A_557, %dma_wait3A_558] : memref<10240x16xf32, #tpu.memory_space<vmem_shared>> -> memref<10240x16xf32, #tpu.memory_space<vmem_shared>>
    tpu.wait_indirect_dma semaphore(%arg8 : memref<!tpu.dma_semaphore, #tpu.memory_space<semaphore_mem>>) src(%arg4 : memref<128x16xf32, #tpu.memory_space<vmem>>) dst(%dma_wait3A_559 : memref<10240x16xf32, #tpu.memory_space<vmem_shared>>)
    %dma_wait3A_560 = arith.constant 73 : i32
    %dma_wait3A_561 = arith.constant 0 : i32
    %dma_wait3A_562 = tpu.memref_slice %arg5[%dma_wait3A_560, %dma_wait3A_561] : memref<80x128xi32, #tpu.memory_space<vmem>> -> memref<1x128xi32, #tpu.memory_space<vmem>>
    %dma_wait3A_563 = tpu.memref_squeeze %dma_wait3A_562 : memref<1x128xi32, #tpu.memory_space<vmem>> -> memref<128xi32, #tpu.memory_space<vmem>>
    %dma_wait3A_564 = arith.constant 0 : i32
    %dma_wait3A_565 = arith.constant 0 : i32
    %dma_wait3A_566 = tpu.memref_slice %arg7[%dma_wait3A_564, %dma_wait3A_565] : memref<10240x16xf32, #tpu.memory_space<vmem_shared>> -> memref<10240x16xf32, #tpu.memory_space<vmem_shared>>
    tpu.wait_indirect_dma semaphore(%arg8 : memref<!tpu.dma_semaphore, #tpu.memory_space<semaphore_mem>>) src(%arg4 : memref<128x16xf32, #tpu.memory_space<vmem>>) dst(%dma_wait3A_566 : memref<10240x16xf32, #tpu.memory_space<vmem_shared>>)
    %dma_wait3A_567 = arith.constant 75 : i32
    %dma_wait3A_568 = arith.constant 0 : i32
    %dma_wait3A_569 = tpu.memref_slice %arg5[%dma_wait3A_567, %dma_wait3A_568] : memref<80x128xi32, #tpu.memory_space<vmem>> -> memref<1x128xi32, #tpu.memory_space<vmem>>
    %dma_wait3A_570 = tpu.memref_squeeze %dma_wait3A_569 : memref<1x128xi32, #tpu.memory_space<vmem>> -> memref<128xi32, #tpu.memory_space<vmem>>
    %dma_wait3A_571 = arith.constant 0 : i32
    %dma_wait3A_572 = arith.constant 0 : i32
    %dma_wait3A_573 = tpu.memref_slice %arg7[%dma_wait3A_571, %dma_wait3A_572] : memref<10240x16xf32, #tpu.memory_space<vmem_shared>> -> memref<10240x16xf32, #tpu.memory_space<vmem_shared>>
    tpu.wait_indirect_dma semaphore(%arg8 : memref<!tpu.dma_semaphore, #tpu.memory_space<semaphore_mem>>) src(%arg4 : memref<128x16xf32, #tpu.memory_space<vmem>>) dst(%dma_wait3A_573 : memref<10240x16xf32, #tpu.memory_space<vmem_shared>>)
    %dma_wait3A_574 = arith.constant 77 : i32
    %dma_wait3A_575 = arith.constant 0 : i32
    %dma_wait3A_576 = tpu.memref_slice %arg5[%dma_wait3A_574, %dma_wait3A_575] : memref<80x128xi32, #tpu.memory_space<vmem>> -> memref<1x128xi32, #tpu.memory_space<vmem>>
    %dma_wait3A_577 = tpu.memref_squeeze %dma_wait3A_576 : memref<1x128xi32, #tpu.memory_space<vmem>> -> memref<128xi32, #tpu.memory_space<vmem>>
    %dma_wait3A_578 = arith.constant 0 : i32
    %dma_wait3A_579 = arith.constant 0 : i32
    %dma_wait3A_580 = tpu.memref_slice %arg7[%dma_wait3A_578, %dma_wait3A_579] : memref<10240x16xf32, #tpu.memory_space<vmem_shared>> -> memref<10240x16xf32, #tpu.memory_space<vmem_shared>>
    tpu.wait_indirect_dma semaphore(%arg8 : memref<!tpu.dma_semaphore, #tpu.memory_space<semaphore_mem>>) src(%arg4 : memref<128x16xf32, #tpu.memory_space<vmem>>) dst(%dma_wait3A_580 : memref<10240x16xf32, #tpu.memory_space<vmem_shared>>)
    %dma_wait3A_581 = arith.constant 79 : i32
    %dma_wait3A_582 = arith.constant 0 : i32
    %dma_wait3A_583 = tpu.memref_slice %arg5[%dma_wait3A_581, %dma_wait3A_582] : memref<80x128xi32, #tpu.memory_space<vmem>> -> memref<1x128xi32, #tpu.memory_space<vmem>>
    %dma_wait3A_584 = tpu.memref_squeeze %dma_wait3A_583 : memref<1x128xi32, #tpu.memory_space<vmem>> -> memref<128xi32, #tpu.memory_space<vmem>>
    %dma_wait3A_585 = arith.constant 0 : i32
    %dma_wait3A_586 = arith.constant 0 : i32
    %dma_wait3A_587 = tpu.memref_slice %arg7[%dma_wait3A_585, %dma_wait3A_586] : memref<10240x16xf32, #tpu.memory_space<vmem_shared>> -> memref<10240x16xf32, #tpu.memory_space<vmem_shared>>
    tpu.wait_indirect_dma semaphore(%arg8 : memref<!tpu.dma_semaphore, #tpu.memory_space<semaphore_mem>>) src(%arg4 : memref<128x16xf32, #tpu.memory_space<vmem>>) dst(%dma_wait3A_587 : memref<10240x16xf32, #tpu.memory_space<vmem_shared>>)
    %barrier3A_588 = arith.constant 0 : index
    tpu.barrier barrier_id(%barrier3A_588)
    %mul3A_589 = arith.constant 640 : i32
    %mul3A_590 = arith.muli %arg1, %mul3A_589 : i32
    %mul3A_591 = arith.constant 640 : i32
    %mul3A_592 = arith.muli %arg1, %mul3A_591 : i32
    "tpu.region"() ({
      %run_scoped3A = tpu.sem_alloc : memref<!tpu.dma_semaphore, #tpu.memory_space<semaphore_mem>>
      %dma_start3A_593 = arith.constant 0 : i32
      %dma_start3A_594 = tpu.memref_slice %arg3[%arg0, %mul3A_592, %dma_start3A_593] : memref<2x10240x16xf32, #tpu.memory_space<hbm>> -> memref<1x640x16xf32, #tpu.memory_space<hbm>>
      %dma_start3A_595 = tpu.memref_squeeze %dma_start3A_594 : memref<1x640x16xf32, #tpu.memory_space<hbm>> -> memref<640x16xf32, #tpu.memory_space<hbm>>
      %dma_start3A_596 = arith.constant 0 : i32
      %dma_start3A_597 = tpu.memref_slice %arg7[%mul3A_590, %dma_start3A_596] : memref<10240x16xf32, #tpu.memory_space<vmem_shared>> -> memref<640x16xf32, #tpu.memory_space<vmem_shared>>
      tpu.enqueue_dma source(%dma_start3A_597 : memref<640x16xf32, #tpu.memory_space<vmem_shared>>) target(%dma_start3A_595 : memref<640x16xf32, #tpu.memory_space<hbm>>) target_semaphore(%run_scoped3A : memref<!tpu.dma_semaphore, #tpu.memory_space<semaphore_mem>>)
      %dma_wait3A_598 = arith.constant 0 : i32
      %dma_wait3A_599 = tpu.memref_slice %arg3[%arg0, %mul3A_592, %dma_wait3A_598] : memref<2x10240x16xf32, #tpu.memory_space<hbm>> -> memref<1x640x16xf32, #tpu.memory_space<hbm>>
      %dma_wait3A_600 = tpu.memref_squeeze %dma_wait3A_599 : memref<1x640x16xf32, #tpu.memory_space<hbm>> -> memref<640x16xf32, #tpu.memory_space<hbm>>
      %dma_wait3A_601 = arith.constant 0 : i32
      %dma_wait3A_602 = tpu.memref_slice %arg7[%mul3A_590, %dma_wait3A_601] : memref<10240x16xf32, #tpu.memory_space<vmem_shared>> -> memref<640x16xf32, #tpu.memory_space<vmem_shared>>
      tpu.wait_dma2 semaphore(%run_scoped3A : memref<!tpu.dma_semaphore, #tpu.memory_space<semaphore_mem>>) src(%dma_wait3A_602 : memref<640x16xf32, #tpu.memory_space<vmem_shared>>) dst(%dma_wait3A_600 : memref<640x16xf32, #tpu.memory_space<hbm>>)
      tpu.yield
    }) : () -> ()
    return
  }
}

#map = affine_map<(d0, d1) -> (0, 0)>
#map1 = affine_map<(d0, d1) -> (0, 0, 0)>
#map2 = affine_map<(d0, d1) -> (0, 0, 0, 0)>
module attributes {stable_mosaic.version = 14 : i64} {
  func.func @_agg_body(%arg0: i32, %arg1: i32, %arg2: memref<10000x128xf32, #tpu.memory_space<hbm>>, %arg3: memref<10000x128xf32, #tpu.memory_space<hbm>>, %arg4: memref<32x80x128xi32, #tpu.memory_space<hbm>>, %arg5: memref<128x128xf32, #tpu.memory_space<hbm>>, %arg6: memref<2x2x10240x128xf32, #tpu.memory_space<hbm>>, %arg7: memref<80x128xi32, #tpu.memory_space<vmem>>, %arg8: memref<128x128xf32, #tpu.memory_space<vmem>>, %arg9: memref<128x128xf32, #tpu.memory_space<vmem>>, %arg10: memref<10240x128xf32, #tpu.memory_space<vmem_shared>>, %arg11: memref<!tpu.dma_semaphore, #tpu.memory_space<semaphore_mem>>, %arg12: memref<!tpu.dma_semaphore, #tpu.memory_space<semaphore_mem>>, %arg13: memref<!tpu.dma_semaphore, #tpu.memory_space<semaphore_mem>>, %arg14: memref<!tpu.dma_semaphore, #tpu.memory_space<semaphore_mem>>) attributes {dimension_semantics = [#tpu.dimension_semantics<core_parallel>, #tpu.dimension_semantics<subcore_parallel>], iteration_bounds = array<i64: 2, 16>, scalar_prefetch = 0 : i64, scratch_operands = 8 : i64, tpu.core_type = #tpu.core_type<sc_vector_subcore>, window_params = [{transform_indices = #map}, {transform_indices = #map}, {transform_indices = #map1}, {transform_indices = #map}, {transform_indices = #map2}]} {
    %mul3A = arith.constant 16 : i32
    %mul3A_0 = arith.muli %arg0, %mul3A : i32
    %add3A = arith.addi %mul3A_0, %arg1 : i32
    "tpu.region"() ({
      %run_scoped3A_173 = tpu.sem_alloc : memref<!tpu.dma_semaphore, #tpu.memory_space<semaphore_mem>>
      %dma_start3A_174 = arith.constant 0 : i32
      %dma_start3A_175 = arith.constant 0 : i32
      %dma_start3A_176 = tpu.memref_slice %arg4[%add3A, %dma_start3A_174, %dma_start3A_175] : memref<32x80x128xi32, #tpu.memory_space<hbm>> -> memref<1x80x128xi32, #tpu.memory_space<hbm>>
      %dma_start3A_177 = tpu.memref_squeeze %dma_start3A_176 : memref<1x80x128xi32, #tpu.memory_space<hbm>> -> memref<80x128xi32, #tpu.memory_space<hbm>>
      %dma_start3A_178 = arith.constant 0 : i32
      %dma_start3A_179 = arith.constant 0 : i32
      %dma_start3A_180 = tpu.memref_slice %arg4[%add3A, %dma_start3A_178, %dma_start3A_179] : memref<32x80x128xi32, #tpu.memory_space<hbm>> -> memref<1x80x128xi32, #tpu.memory_space<hbm>>
      %dma_start3A_181 = tpu.memref_squeeze %dma_start3A_180 : memref<1x80x128xi32, #tpu.memory_space<hbm>> -> memref<80x128xi32, #tpu.memory_space<hbm>>
      tpu.enqueue_dma source(%dma_start3A_181 : memref<80x128xi32, #tpu.memory_space<hbm>>) target(%arg7 : memref<80x128xi32, #tpu.memory_space<vmem>>) target_semaphore(%run_scoped3A_173 : memref<!tpu.dma_semaphore, #tpu.memory_space<semaphore_mem>>)
      %dma_wait3A_182 = arith.constant 0 : i32
      %dma_wait3A_183 = arith.constant 0 : i32
      %dma_wait3A_184 = tpu.memref_slice %arg4[%add3A, %dma_wait3A_182, %dma_wait3A_183] : memref<32x80x128xi32, #tpu.memory_space<hbm>> -> memref<1x80x128xi32, #tpu.memory_space<hbm>>
      %dma_wait3A_185 = tpu.memref_squeeze %dma_wait3A_184 : memref<1x80x128xi32, #tpu.memory_space<hbm>> -> memref<80x128xi32, #tpu.memory_space<hbm>>
      %dma_wait3A_186 = arith.constant 0 : i32
      %dma_wait3A_187 = arith.constant 0 : i32
      %dma_wait3A_188 = tpu.memref_slice %arg4[%add3A, %dma_wait3A_186, %dma_wait3A_187] : memref<32x80x128xi32, #tpu.memory_space<hbm>> -> memref<1x80x128xi32, #tpu.memory_space<hbm>>
      %dma_wait3A_189 = tpu.memref_squeeze %dma_wait3A_188 : memref<1x80x128xi32, #tpu.memory_space<hbm>> -> memref<80x128xi32, #tpu.memory_space<hbm>>
      tpu.wait_dma2 semaphore(%run_scoped3A_173 : memref<!tpu.dma_semaphore, #tpu.memory_space<semaphore_mem>>) src(%dma_wait3A_189 : memref<80x128xi32, #tpu.memory_space<hbm>>) dst(%arg7 : memref<80x128xi32, #tpu.memory_space<vmem>>)
      tpu.yield
    }) : () -> ()
    "tpu.region"() ({
      %run_scoped3A_173 = tpu.sem_alloc : memref<!tpu.dma_semaphore, #tpu.memory_space<semaphore_mem>>
      tpu.enqueue_dma source(%arg5 : memref<128x128xf32, #tpu.memory_space<hbm>>) target(%arg8 : memref<128x128xf32, #tpu.memory_space<vmem>>) target_semaphore(%run_scoped3A_173 : memref<!tpu.dma_semaphore, #tpu.memory_space<semaphore_mem>>)
      tpu.wait_dma2 semaphore(%run_scoped3A_173 : memref<!tpu.dma_semaphore, #tpu.memory_space<semaphore_mem>>) src(%arg5 : memref<128x128xf32, #tpu.memory_space<hbm>>) dst(%arg8 : memref<128x128xf32, #tpu.memory_space<vmem>>)
      tpu.yield
    }) : () -> ()
    %mul3A_1 = arith.constant 640 : i32
    %mul3A_2 = arith.muli %arg1, %mul3A_1 : i32
    %add3A_3 = arith.constant 0 : i32
    %add3A_4 = arith.addi %mul3A_2, %add3A_3 : i32
    "tpu.region"() ({
      %run_scoped3A_173 = tpu.sem_alloc : memref<!tpu.dma_semaphore, #tpu.memory_space<semaphore_mem>>
      %dma_start3A_174 = arith.constant 0 : i32
      %dma_start3A_175 = tpu.memref_slice %arg10[%add3A_4, %dma_start3A_174] : memref<10240x128xf32, #tpu.memory_space<vmem_shared>> -> memref<128x128xf32, #tpu.memory_space<vmem_shared>>
      %dma_start3A_176 = arith.constant 0 : i32
      %dma_start3A_177 = tpu.memref_slice %arg10[%add3A_4, %dma_start3A_176] : memref<10240x128xf32, #tpu.memory_space<vmem_shared>> -> memref<128x128xf32, #tpu.memory_space<vmem_shared>>
      tpu.enqueue_dma source(%arg8 : memref<128x128xf32, #tpu.memory_space<vmem>>) target(%dma_start3A_177 : memref<128x128xf32, #tpu.memory_space<vmem_shared>>) target_semaphore(%run_scoped3A_173 : memref<!tpu.dma_semaphore, #tpu.memory_space<semaphore_mem>>)
      %dma_wait3A_178 = arith.constant 0 : i32
      %dma_wait3A_179 = tpu.memref_slice %arg10[%add3A_4, %dma_wait3A_178] : memref<10240x128xf32, #tpu.memory_space<vmem_shared>> -> memref<128x128xf32, #tpu.memory_space<vmem_shared>>
      %dma_wait3A_180 = arith.constant 0 : i32
      %dma_wait3A_181 = tpu.memref_slice %arg10[%add3A_4, %dma_wait3A_180] : memref<10240x128xf32, #tpu.memory_space<vmem_shared>> -> memref<128x128xf32, #tpu.memory_space<vmem_shared>>
      tpu.wait_dma2 semaphore(%run_scoped3A_173 : memref<!tpu.dma_semaphore, #tpu.memory_space<semaphore_mem>>) src(%arg8 : memref<128x128xf32, #tpu.memory_space<vmem>>) dst(%dma_wait3A_181 : memref<128x128xf32, #tpu.memory_space<vmem_shared>>)
      tpu.yield
    }) : () -> ()
    %mul3A_5 = arith.constant 640 : i32
    %mul3A_6 = arith.muli %arg1, %mul3A_5 : i32
    %add3A_7 = arith.constant 128 : i32
    %add3A_8 = arith.addi %mul3A_6, %add3A_7 : i32
    "tpu.region"() ({
      %run_scoped3A_173 = tpu.sem_alloc : memref<!tpu.dma_semaphore, #tpu.memory_space<semaphore_mem>>
      %dma_start3A_174 = arith.constant 0 : i32
      %dma_start3A_175 = tpu.memref_slice %arg10[%add3A_8, %dma_start3A_174] : memref<10240x128xf32, #tpu.memory_space<vmem_shared>> -> memref<128x128xf32, #tpu.memory_space<vmem_shared>>
      %dma_start3A_176 = arith.constant 0 : i32
      %dma_start3A_177 = tpu.memref_slice %arg10[%add3A_8, %dma_start3A_176] : memref<10240x128xf32, #tpu.memory_space<vmem_shared>> -> memref<128x128xf32, #tpu.memory_space<vmem_shared>>
      tpu.enqueue_dma source(%arg8 : memref<128x128xf32, #tpu.memory_space<vmem>>) target(%dma_start3A_177 : memref<128x128xf32, #tpu.memory_space<vmem_shared>>) target_semaphore(%run_scoped3A_173 : memref<!tpu.dma_semaphore, #tpu.memory_space<semaphore_mem>>)
      %dma_wait3A_178 = arith.constant 0 : i32
      %dma_wait3A_179 = tpu.memref_slice %arg10[%add3A_8, %dma_wait3A_178] : memref<10240x128xf32, #tpu.memory_space<vmem_shared>> -> memref<128x128xf32, #tpu.memory_space<vmem_shared>>
      %dma_wait3A_180 = arith.constant 0 : i32
      %dma_wait3A_181 = tpu.memref_slice %arg10[%add3A_8, %dma_wait3A_180] : memref<10240x128xf32, #tpu.memory_space<vmem_shared>> -> memref<128x128xf32, #tpu.memory_space<vmem_shared>>
      tpu.wait_dma2 semaphore(%run_scoped3A_173 : memref<!tpu.dma_semaphore, #tpu.memory_space<semaphore_mem>>) src(%arg8 : memref<128x128xf32, #tpu.memory_space<vmem>>) dst(%dma_wait3A_181 : memref<128x128xf32, #tpu.memory_space<vmem_shared>>)
      tpu.yield
    }) : () -> ()
    %mul3A_9 = arith.constant 640 : i32
    %mul3A_10 = arith.muli %arg1, %mul3A_9 : i32
    %add3A_11 = arith.constant 256 : i32
    %add3A_12 = arith.addi %mul3A_10, %add3A_11 : i32
    "tpu.region"() ({
      %run_scoped3A_173 = tpu.sem_alloc : memref<!tpu.dma_semaphore, #tpu.memory_space<semaphore_mem>>
      %dma_start3A_174 = arith.constant 0 : i32
      %dma_start3A_175 = tpu.memref_slice %arg10[%add3A_12, %dma_start3A_174] : memref<10240x128xf32, #tpu.memory_space<vmem_shared>> -> memref<128x128xf32, #tpu.memory_space<vmem_shared>>
      %dma_start3A_176 = arith.constant 0 : i32
      %dma_start3A_177 = tpu.memref_slice %arg10[%add3A_12, %dma_start3A_176] : memref<10240x128xf32, #tpu.memory_space<vmem_shared>> -> memref<128x128xf32, #tpu.memory_space<vmem_shared>>
      tpu.enqueue_dma source(%arg8 : memref<128x128xf32, #tpu.memory_space<vmem>>) target(%dma_start3A_177 : memref<128x128xf32, #tpu.memory_space<vmem_shared>>) target_semaphore(%run_scoped3A_173 : memref<!tpu.dma_semaphore, #tpu.memory_space<semaphore_mem>>)
      %dma_wait3A_178 = arith.constant 0 : i32
      %dma_wait3A_179 = tpu.memref_slice %arg10[%add3A_12, %dma_wait3A_178] : memref<10240x128xf32, #tpu.memory_space<vmem_shared>> -> memref<128x128xf32, #tpu.memory_space<vmem_shared>>
      %dma_wait3A_180 = arith.constant 0 : i32
      %dma_wait3A_181 = tpu.memref_slice %arg10[%add3A_12, %dma_wait3A_180] : memref<10240x128xf32, #tpu.memory_space<vmem_shared>> -> memref<128x128xf32, #tpu.memory_space<vmem_shared>>
      tpu.wait_dma2 semaphore(%run_scoped3A_173 : memref<!tpu.dma_semaphore, #tpu.memory_space<semaphore_mem>>) src(%arg8 : memref<128x128xf32, #tpu.memory_space<vmem>>) dst(%dma_wait3A_181 : memref<128x128xf32, #tpu.memory_space<vmem_shared>>)
      tpu.yield
    }) : () -> ()
    %mul3A_13 = arith.constant 640 : i32
    %mul3A_14 = arith.muli %arg1, %mul3A_13 : i32
    %add3A_15 = arith.constant 384 : i32
    %add3A_16 = arith.addi %mul3A_14, %add3A_15 : i32
    "tpu.region"() ({
      %run_scoped3A_173 = tpu.sem_alloc : memref<!tpu.dma_semaphore, #tpu.memory_space<semaphore_mem>>
      %dma_start3A_174 = arith.constant 0 : i32
      %dma_start3A_175 = tpu.memref_slice %arg10[%add3A_16, %dma_start3A_174] : memref<10240x128xf32, #tpu.memory_space<vmem_shared>> -> memref<128x128xf32, #tpu.memory_space<vmem_shared>>
      %dma_start3A_176 = arith.constant 0 : i32
      %dma_start3A_177 = tpu.memref_slice %arg10[%add3A_16, %dma_start3A_176] : memref<10240x128xf32, #tpu.memory_space<vmem_shared>> -> memref<128x128xf32, #tpu.memory_space<vmem_shared>>
      tpu.enqueue_dma source(%arg8 : memref<128x128xf32, #tpu.memory_space<vmem>>) target(%dma_start3A_177 : memref<128x128xf32, #tpu.memory_space<vmem_shared>>) target_semaphore(%run_scoped3A_173 : memref<!tpu.dma_semaphore, #tpu.memory_space<semaphore_mem>>)
      %dma_wait3A_178 = arith.constant 0 : i32
      %dma_wait3A_179 = tpu.memref_slice %arg10[%add3A_16, %dma_wait3A_178] : memref<10240x128xf32, #tpu.memory_space<vmem_shared>> -> memref<128x128xf32, #tpu.memory_space<vmem_shared>>
      %dma_wait3A_180 = arith.constant 0 : i32
      %dma_wait3A_181 = tpu.memref_slice %arg10[%add3A_16, %dma_wait3A_180] : memref<10240x128xf32, #tpu.memory_space<vmem_shared>> -> memref<128x128xf32, #tpu.memory_space<vmem_shared>>
      tpu.wait_dma2 semaphore(%run_scoped3A_173 : memref<!tpu.dma_semaphore, #tpu.memory_space<semaphore_mem>>) src(%arg8 : memref<128x128xf32, #tpu.memory_space<vmem>>) dst(%dma_wait3A_181 : memref<128x128xf32, #tpu.memory_space<vmem_shared>>)
      tpu.yield
    }) : () -> ()
    %mul3A_17 = arith.constant 640 : i32
    %mul3A_18 = arith.muli %arg1, %mul3A_17 : i32
    %add3A_19 = arith.constant 512 : i32
    %add3A_20 = arith.addi %mul3A_18, %add3A_19 : i32
    "tpu.region"() ({
      %run_scoped3A_173 = tpu.sem_alloc : memref<!tpu.dma_semaphore, #tpu.memory_space<semaphore_mem>>
      %dma_start3A_174 = arith.constant 0 : i32
      %dma_start3A_175 = tpu.memref_slice %arg10[%add3A_20, %dma_start3A_174] : memref<10240x128xf32, #tpu.memory_space<vmem_shared>> -> memref<128x128xf32, #tpu.memory_space<vmem_shared>>
      %dma_start3A_176 = arith.constant 0 : i32
      %dma_start3A_177 = tpu.memref_slice %arg10[%add3A_20, %dma_start3A_176] : memref<10240x128xf32, #tpu.memory_space<vmem_shared>> -> memref<128x128xf32, #tpu.memory_space<vmem_shared>>
      tpu.enqueue_dma source(%arg8 : memref<128x128xf32, #tpu.memory_space<vmem>>) target(%dma_start3A_177 : memref<128x128xf32, #tpu.memory_space<vmem_shared>>) target_semaphore(%run_scoped3A_173 : memref<!tpu.dma_semaphore, #tpu.memory_space<semaphore_mem>>)
      %dma_wait3A_178 = arith.constant 0 : i32
      %dma_wait3A_179 = tpu.memref_slice %arg10[%add3A_20, %dma_wait3A_178] : memref<10240x128xf32, #tpu.memory_space<vmem_shared>> -> memref<128x128xf32, #tpu.memory_space<vmem_shared>>
      %dma_wait3A_180 = arith.constant 0 : i32
      %dma_wait3A_181 = tpu.memref_slice %arg10[%add3A_20, %dma_wait3A_180] : memref<10240x128xf32, #tpu.memory_space<vmem_shared>> -> memref<128x128xf32, #tpu.memory_space<vmem_shared>>
      tpu.wait_dma2 semaphore(%run_scoped3A_173 : memref<!tpu.dma_semaphore, #tpu.memory_space<semaphore_mem>>) src(%arg8 : memref<128x128xf32, #tpu.memory_space<vmem>>) dst(%dma_wait3A_181 : memref<128x128xf32, #tpu.memory_space<vmem_shared>>)
      tpu.yield
    }) : () -> ()
    %barrier3A = arith.constant 0 : index
    tpu.barrier barrier_id(%barrier3A)
    %dma_start3A = arith.constant 0 : i32
    %dma_start3A_21 = arith.constant 0 : i32
    %dma_start3A_22 = tpu.memref_slice %arg7[%dma_start3A, %dma_start3A_21] : memref<80x128xi32, #tpu.memory_space<vmem>> -> memref<1x128xi32, #tpu.memory_space<vmem>>
    %dma_start3A_23 = tpu.memref_squeeze %dma_start3A_22 : memref<1x128xi32, #tpu.memory_space<vmem>> -> memref<128xi32, #tpu.memory_space<vmem>>
    %dma_start3A_24 = arith.constant 0 : i32
    %dma_start3A_25 = arith.constant 0 : i32
    %dma_start3A_26 = tpu.memref_slice %arg2[%dma_start3A_24, %dma_start3A_25] : memref<10000x128xf32, #tpu.memory_space<hbm>> -> memref<10000x128xf32, #tpu.memory_space<hbm>>
    tpu.enqueue_indirect_dma source(%dma_start3A_26 : memref<10000x128xf32, #tpu.memory_space<hbm>>) target(%arg8 : memref<128x128xf32, #tpu.memory_space<vmem>>) offsets(%dma_start3A_23 : memref<128xi32, #tpu.memory_space<vmem>>) semaphore(%arg11 : memref<!tpu.dma_semaphore, #tpu.memory_space<semaphore_mem>>)
    %dma_wait3A = arith.constant 0 : i32
    %dma_wait3A_27 = arith.constant 0 : i32
    %dma_wait3A_28 = tpu.memref_slice %arg7[%dma_wait3A, %dma_wait3A_27] : memref<80x128xi32, #tpu.memory_space<vmem>> -> memref<1x128xi32, #tpu.memory_space<vmem>>
    %dma_wait3A_29 = tpu.memref_squeeze %dma_wait3A_28 : memref<1x128xi32, #tpu.memory_space<vmem>> -> memref<128xi32, #tpu.memory_space<vmem>>
    %dma_wait3A_30 = arith.constant 0 : i32
    %dma_wait3A_31 = arith.constant 0 : i32
    %dma_wait3A_32 = tpu.memref_slice %arg2[%dma_wait3A_30, %dma_wait3A_31] : memref<10000x128xf32, #tpu.memory_space<hbm>> -> memref<10000x128xf32, #tpu.memory_space<hbm>>
    tpu.wait_indirect_dma semaphore(%arg11 : memref<!tpu.dma_semaphore, #tpu.memory_space<semaphore_mem>>) src(%dma_wait3A_32 : memref<10000x128xf32, #tpu.memory_space<hbm>>) dst(%arg8 : memref<128x128xf32, #tpu.memory_space<vmem>>)
    %dma_start3A_33 = arith.constant 1 : i32
    %dma_start3A_34 = arith.constant 0 : i32
    %dma_start3A_35 = tpu.memref_slice %arg7[%dma_start3A_33, %dma_start3A_34] : memref<80x128xi32, #tpu.memory_space<vmem>> -> memref<1x128xi32, #tpu.memory_space<vmem>>
    %dma_start3A_36 = tpu.memref_squeeze %dma_start3A_35 : memref<1x128xi32, #tpu.memory_space<vmem>> -> memref<128xi32, #tpu.memory_space<vmem>>
    %dma_start3A_37 = arith.constant 0 : i32
    %dma_start3A_38 = arith.constant 0 : i32
    %dma_start3A_39 = tpu.memref_slice %arg10[%dma_start3A_37, %dma_start3A_38] : memref<10240x128xf32, #tpu.memory_space<vmem_shared>> -> memref<10240x128xf32, #tpu.memory_space<vmem_shared>>
    tpu.enqueue_indirect_dma source(%arg8 : memref<128x128xf32, #tpu.memory_space<vmem>>) target(%dma_start3A_39 : memref<10240x128xf32, #tpu.memory_space<vmem_shared>>) offsets(%dma_start3A_36 : memref<128xi32, #tpu.memory_space<vmem>>) semaphore(%arg13 : memref<!tpu.dma_semaphore, #tpu.memory_space<semaphore_mem>>) {add = true}
    %dma_start3A_40 = arith.constant 2 : i32
    %dma_start3A_41 = arith.constant 0 : i32
    %dma_start3A_42 = tpu.memref_slice %arg7[%dma_start3A_40, %dma_start3A_41] : memref<80x128xi32, #tpu.memory_space<vmem>> -> memref<1x128xi32, #tpu.memory_space<vmem>>
    %dma_start3A_43 = tpu.memref_squeeze %dma_start3A_42 : memref<1x128xi32, #tpu.memory_space<vmem>> -> memref<128xi32, #tpu.memory_space<vmem>>
    %dma_start3A_44 = arith.constant 0 : i32
    %dma_start3A_45 = arith.constant 0 : i32
    %dma_start3A_46 = tpu.memref_slice %arg2[%dma_start3A_44, %dma_start3A_45] : memref<10000x128xf32, #tpu.memory_space<hbm>> -> memref<10000x128xf32, #tpu.memory_space<hbm>>
    tpu.enqueue_indirect_dma source(%dma_start3A_46 : memref<10000x128xf32, #tpu.memory_space<hbm>>) target(%arg9 : memref<128x128xf32, #tpu.memory_space<vmem>>) offsets(%dma_start3A_43 : memref<128xi32, #tpu.memory_space<vmem>>) semaphore(%arg12 : memref<!tpu.dma_semaphore, #tpu.memory_space<semaphore_mem>>)
    %scan3A = arith.constant 0 : i32
    %scan3A_47 = arith.constant 19 : i32
    %scan3A_48 = arith.addi %scan3A, %scan3A_47 : i32
    %scan3A_49 = arith.constant 1 : i32
    scf.for %scan3A_173 = %scan3A to %scan3A_48 step %scan3A_49  : i32 {
      %mul3A_174 = arith.constant 1 : i32
      %mul3A_175 = arith.muli %scan3A_173, %mul3A_174 : i32
      %add3A_176 = arith.constant 0 : i32
      %add3A_177 = arith.addi %add3A_176, %mul3A_175 : i32
      %mul3A_178 = arith.constant 2 : i32
      %mul3A_179 = arith.muli %mul3A_178, %add3A_177 : i32
      %add3A_180 = arith.constant 1 : i32
      %add3A_181 = arith.addi %mul3A_179, %add3A_180 : i32
      %mul3A_182 = arith.constant 2 : i32
      %mul3A_183 = arith.muli %mul3A_182, %add3A_181 : i32
      %dma_wait3A_184 = arith.constant 0 : i32
      %dma_wait3A_185 = tpu.memref_slice %arg7[%mul3A_183, %dma_wait3A_184] : memref<80x128xi32, #tpu.memory_space<vmem>> -> memref<1x128xi32, #tpu.memory_space<vmem>>
      %dma_wait3A_186 = tpu.memref_squeeze %dma_wait3A_185 : memref<1x128xi32, #tpu.memory_space<vmem>> -> memref<128xi32, #tpu.memory_space<vmem>>
      %dma_wait3A_187 = arith.constant 0 : i32
      %dma_wait3A_188 = arith.constant 0 : i32
      %dma_wait3A_189 = tpu.memref_slice %arg2[%dma_wait3A_187, %dma_wait3A_188] : memref<10000x128xf32, #tpu.memory_space<hbm>> -> memref<10000x128xf32, #tpu.memory_space<hbm>>
      tpu.wait_indirect_dma semaphore(%arg12 : memref<!tpu.dma_semaphore, #tpu.memory_space<semaphore_mem>>) src(%dma_wait3A_189 : memref<10000x128xf32, #tpu.memory_space<hbm>>) dst(%arg9 : memref<128x128xf32, #tpu.memory_space<vmem>>)
      %mul3A_190 = arith.constant 2 : i32
      %mul3A_191 = arith.muli %mul3A_190, %add3A_181 : i32
      %add3A_192 = arith.constant 1 : i32
      %add3A_193 = arith.addi %mul3A_191, %add3A_192 : i32
      %dma_start3A_194 = arith.constant 0 : i32
      %dma_start3A_195 = tpu.memref_slice %arg7[%add3A_193, %dma_start3A_194] : memref<80x128xi32, #tpu.memory_space<vmem>> -> memref<1x128xi32, #tpu.memory_space<vmem>>
      %dma_start3A_196 = tpu.memref_squeeze %dma_start3A_195 : memref<1x128xi32, #tpu.memory_space<vmem>> -> memref<128xi32, #tpu.memory_space<vmem>>
      %dma_start3A_197 = arith.constant 0 : i32
      %dma_start3A_198 = arith.constant 0 : i32
      %dma_start3A_199 = tpu.memref_slice %arg10[%dma_start3A_197, %dma_start3A_198] : memref<10240x128xf32, #tpu.memory_space<vmem_shared>> -> memref<10240x128xf32, #tpu.memory_space<vmem_shared>>
      tpu.enqueue_indirect_dma source(%arg9 : memref<128x128xf32, #tpu.memory_space<vmem>>) target(%dma_start3A_199 : memref<10240x128xf32, #tpu.memory_space<vmem_shared>>) offsets(%dma_start3A_196 : memref<128xi32, #tpu.memory_space<vmem>>) semaphore(%arg14 : memref<!tpu.dma_semaphore, #tpu.memory_space<semaphore_mem>>) {add = true}
      %sub3A = arith.constant 1 : i32
      %sub3A_200 = arith.subi %add3A_181, %sub3A : i32
      %mul3A_201 = arith.constant 2 : i32
      %mul3A_202 = arith.muli %mul3A_201, %sub3A_200 : i32
      %add3A_203 = arith.constant 1 : i32
      %add3A_204 = arith.addi %mul3A_202, %add3A_203 : i32
      %dma_wait3A_205 = arith.constant 0 : i32
      %dma_wait3A_206 = tpu.memref_slice %arg7[%add3A_204, %dma_wait3A_205] : memref<80x128xi32, #tpu.memory_space<vmem>> -> memref<1x128xi32, #tpu.memory_space<vmem>>
      %dma_wait3A_207 = tpu.memref_squeeze %dma_wait3A_206 : memref<1x128xi32, #tpu.memory_space<vmem>> -> memref<128xi32, #tpu.memory_space<vmem>>
      %dma_wait3A_208 = arith.constant 0 : i32
      %dma_wait3A_209 = arith.constant 0 : i32
      %dma_wait3A_210 = tpu.memref_slice %arg10[%dma_wait3A_208, %dma_wait3A_209] : memref<10240x128xf32, #tpu.memory_space<vmem_shared>> -> memref<10240x128xf32, #tpu.memory_space<vmem_shared>>
      tpu.wait_indirect_dma semaphore(%arg13 : memref<!tpu.dma_semaphore, #tpu.memory_space<semaphore_mem>>) src(%arg8 : memref<128x128xf32, #tpu.memory_space<vmem>>) dst(%dma_wait3A_210 : memref<10240x128xf32, #tpu.memory_space<vmem_shared>>)
      %add3A_211 = arith.constant 1 : i32
      %add3A_212 = arith.addi %add3A_181, %add3A_211 : i32
      %mul3A_213 = arith.constant 2 : i32
      %mul3A_214 = arith.muli %mul3A_213, %add3A_212 : i32
      %dma_start3A_215 = arith.constant 0 : i32
      %dma_start3A_216 = tpu.memref_slice %arg7[%mul3A_214, %dma_start3A_215] : memref<80x128xi32, #tpu.memory_space<vmem>> -> memref<1x128xi32, #tpu.memory_space<vmem>>
      %dma_start3A_217 = tpu.memref_squeeze %dma_start3A_216 : memref<1x128xi32, #tpu.memory_space<vmem>> -> memref<128xi32, #tpu.memory_space<vmem>>
      %dma_start3A_218 = arith.constant 0 : i32
      %dma_start3A_219 = arith.constant 0 : i32
      %dma_start3A_220 = tpu.memref_slice %arg2[%dma_start3A_218, %dma_start3A_219] : memref<10000x128xf32, #tpu.memory_space<hbm>> -> memref<10000x128xf32, #tpu.memory_space<hbm>>
      tpu.enqueue_indirect_dma source(%dma_start3A_220 : memref<10000x128xf32, #tpu.memory_space<hbm>>) target(%arg8 : memref<128x128xf32, #tpu.memory_space<vmem>>) offsets(%dma_start3A_217 : memref<128xi32, #tpu.memory_space<vmem>>) semaphore(%arg11 : memref<!tpu.dma_semaphore, #tpu.memory_space<semaphore_mem>>)
      %add3A_221 = arith.constant 1 : i32
      %add3A_222 = arith.addi %add3A_181, %add3A_221 : i32
      %mul3A_223 = arith.constant 2 : i32
      %mul3A_224 = arith.muli %mul3A_223, %add3A_222 : i32
      %dma_wait3A_225 = arith.constant 0 : i32
      %dma_wait3A_226 = tpu.memref_slice %arg7[%mul3A_224, %dma_wait3A_225] : memref<80x128xi32, #tpu.memory_space<vmem>> -> memref<1x128xi32, #tpu.memory_space<vmem>>
      %dma_wait3A_227 = tpu.memref_squeeze %dma_wait3A_226 : memref<1x128xi32, #tpu.memory_space<vmem>> -> memref<128xi32, #tpu.memory_space<vmem>>
      %dma_wait3A_228 = arith.constant 0 : i32
      %dma_wait3A_229 = arith.constant 0 : i32
      %dma_wait3A_230 = tpu.memref_slice %arg2[%dma_wait3A_228, %dma_wait3A_229] : memref<10000x128xf32, #tpu.memory_space<hbm>> -> memref<10000x128xf32, #tpu.memory_space<hbm>>
      tpu.wait_indirect_dma semaphore(%arg11 : memref<!tpu.dma_semaphore, #tpu.memory_space<semaphore_mem>>) src(%dma_wait3A_230 : memref<10000x128xf32, #tpu.memory_space<hbm>>) dst(%arg8 : memref<128x128xf32, #tpu.memory_space<vmem>>)
      %mul3A_231 = arith.constant 2 : i32
      %mul3A_232 = arith.muli %mul3A_231, %add3A_222 : i32
      %add3A_233 = arith.constant 1 : i32
      %add3A_234 = arith.addi %mul3A_232, %add3A_233 : i32
      %dma_start3A_235 = arith.constant 0 : i32
      %dma_start3A_236 = tpu.memref_slice %arg7[%add3A_234, %dma_start3A_235] : memref<80x128xi32, #tpu.memory_space<vmem>> -> memref<1x128xi32, #tpu.memory_space<vmem>>
      %dma_start3A_237 = tpu.memref_squeeze %dma_start3A_236 : memref<1x128xi32, #tpu.memory_space<vmem>> -> memref<128xi32, #tpu.memory_space<vmem>>
      %dma_start3A_238 = arith.constant 0 : i32
      %dma_start3A_239 = arith.constant 0 : i32
      %dma_start3A_240 = tpu.memref_slice %arg10[%dma_start3A_238, %dma_start3A_239] : memref<10240x128xf32, #tpu.memory_space<vmem_shared>> -> memref<10240x128xf32, #tpu.memory_space<vmem_shared>>
      tpu.enqueue_indirect_dma source(%arg8 : memref<128x128xf32, #tpu.memory_space<vmem>>) target(%dma_start3A_240 : memref<10240x128xf32, #tpu.memory_space<vmem_shared>>) offsets(%dma_start3A_237 : memref<128xi32, #tpu.memory_space<vmem>>) semaphore(%arg13 : memref<!tpu.dma_semaphore, #tpu.memory_space<semaphore_mem>>) {add = true}
      %sub3A_241 = arith.constant 1 : i32
      %sub3A_242 = arith.subi %add3A_222, %sub3A_241 : i32
      %mul3A_243 = arith.constant 2 : i32
      %mul3A_244 = arith.muli %mul3A_243, %sub3A_242 : i32
      %add3A_245 = arith.constant 1 : i32
      %add3A_246 = arith.addi %mul3A_244, %add3A_245 : i32
      %dma_wait3A_247 = arith.constant 0 : i32
      %dma_wait3A_248 = tpu.memref_slice %arg7[%add3A_246, %dma_wait3A_247] : memref<80x128xi32, #tpu.memory_space<vmem>> -> memref<1x128xi32, #tpu.memory_space<vmem>>
      %dma_wait3A_249 = tpu.memref_squeeze %dma_wait3A_248 : memref<1x128xi32, #tpu.memory_space<vmem>> -> memref<128xi32, #tpu.memory_space<vmem>>
      %dma_wait3A_250 = arith.constant 0 : i32
      %dma_wait3A_251 = arith.constant 0 : i32
      %dma_wait3A_252 = tpu.memref_slice %arg10[%dma_wait3A_250, %dma_wait3A_251] : memref<10240x128xf32, #tpu.memory_space<vmem_shared>> -> memref<10240x128xf32, #tpu.memory_space<vmem_shared>>
      tpu.wait_indirect_dma semaphore(%arg14 : memref<!tpu.dma_semaphore, #tpu.memory_space<semaphore_mem>>) src(%arg9 : memref<128x128xf32, #tpu.memory_space<vmem>>) dst(%dma_wait3A_252 : memref<10240x128xf32, #tpu.memory_space<vmem_shared>>)
      %add3A_253 = arith.constant 1 : i32
      %add3A_254 = arith.addi %add3A_222, %add3A_253 : i32
      %mul3A_255 = arith.constant 2 : i32
      %mul3A_256 = arith.muli %mul3A_255, %add3A_254 : i32
      %dma_start3A_257 = arith.constant 0 : i32
      %dma_start3A_258 = tpu.memref_slice %arg7[%mul3A_256, %dma_start3A_257] : memref<80x128xi32, #tpu.memory_space<vmem>> -> memref<1x128xi32, #tpu.memory_space<vmem>>
      %dma_start3A_259 = tpu.memref_squeeze %dma_start3A_258 : memref<1x128xi32, #tpu.memory_space<vmem>> -> memref<128xi32, #tpu.memory_space<vmem>>
      %dma_start3A_260 = arith.constant 0 : i32
      %dma_start3A_261 = arith.constant 0 : i32
      %dma_start3A_262 = tpu.memref_slice %arg2[%dma_start3A_260, %dma_start3A_261] : memref<10000x128xf32, #tpu.memory_space<hbm>> -> memref<10000x128xf32, #tpu.memory_space<hbm>>
      tpu.enqueue_indirect_dma source(%dma_start3A_262 : memref<10000x128xf32, #tpu.memory_space<hbm>>) target(%arg9 : memref<128x128xf32, #tpu.memory_space<vmem>>) offsets(%dma_start3A_259 : memref<128xi32, #tpu.memory_space<vmem>>) semaphore(%arg12 : memref<!tpu.dma_semaphore, #tpu.memory_space<semaphore_mem>>)
    }
    %scan3A_50 = arith.constant 19 : i32
    %dma_wait3A_51 = arith.constant 78 : i32
    %dma_wait3A_52 = arith.constant 0 : i32
    %dma_wait3A_53 = tpu.memref_slice %arg7[%dma_wait3A_51, %dma_wait3A_52] : memref<80x128xi32, #tpu.memory_space<vmem>> -> memref<1x128xi32, #tpu.memory_space<vmem>>
    %dma_wait3A_54 = tpu.memref_squeeze %dma_wait3A_53 : memref<1x128xi32, #tpu.memory_space<vmem>> -> memref<128xi32, #tpu.memory_space<vmem>>
    %dma_wait3A_55 = arith.constant 0 : i32
    %dma_wait3A_56 = arith.constant 0 : i32
    %dma_wait3A_57 = tpu.memref_slice %arg2[%dma_wait3A_55, %dma_wait3A_56] : memref<10000x128xf32, #tpu.memory_space<hbm>> -> memref<10000x128xf32, #tpu.memory_space<hbm>>
    tpu.wait_indirect_dma semaphore(%arg12 : memref<!tpu.dma_semaphore, #tpu.memory_space<semaphore_mem>>) src(%dma_wait3A_57 : memref<10000x128xf32, #tpu.memory_space<hbm>>) dst(%arg9 : memref<128x128xf32, #tpu.memory_space<vmem>>)
    %dma_start3A_58 = arith.constant 79 : i32
    %dma_start3A_59 = arith.constant 0 : i32
    %dma_start3A_60 = tpu.memref_slice %arg7[%dma_start3A_58, %dma_start3A_59] : memref<80x128xi32, #tpu.memory_space<vmem>> -> memref<1x128xi32, #tpu.memory_space<vmem>>
    %dma_start3A_61 = tpu.memref_squeeze %dma_start3A_60 : memref<1x128xi32, #tpu.memory_space<vmem>> -> memref<128xi32, #tpu.memory_space<vmem>>
    %dma_start3A_62 = arith.constant 0 : i32
    %dma_start3A_63 = arith.constant 0 : i32
    %dma_start3A_64 = tpu.memref_slice %arg10[%dma_start3A_62, %dma_start3A_63] : memref<10240x128xf32, #tpu.memory_space<vmem_shared>> -> memref<10240x128xf32, #tpu.memory_space<vmem_shared>>
    tpu.enqueue_indirect_dma source(%arg9 : memref<128x128xf32, #tpu.memory_space<vmem>>) target(%dma_start3A_64 : memref<10240x128xf32, #tpu.memory_space<vmem_shared>>) offsets(%dma_start3A_61 : memref<128xi32, #tpu.memory_space<vmem>>) semaphore(%arg14 : memref<!tpu.dma_semaphore, #tpu.memory_space<semaphore_mem>>) {add = true}
    %dma_wait3A_65 = arith.constant 77 : i32
    %dma_wait3A_66 = arith.constant 0 : i32
    %dma_wait3A_67 = tpu.memref_slice %arg7[%dma_wait3A_65, %dma_wait3A_66] : memref<80x128xi32, #tpu.memory_space<vmem>> -> memref<1x128xi32, #tpu.memory_space<vmem>>
    %dma_wait3A_68 = tpu.memref_squeeze %dma_wait3A_67 : memref<1x128xi32, #tpu.memory_space<vmem>> -> memref<128xi32, #tpu.memory_space<vmem>>
    %dma_wait3A_69 = arith.constant 0 : i32
    %dma_wait3A_70 = arith.constant 0 : i32
    %dma_wait3A_71 = tpu.memref_slice %arg10[%dma_wait3A_69, %dma_wait3A_70] : memref<10240x128xf32, #tpu.memory_space<vmem_shared>> -> memref<10240x128xf32, #tpu.memory_space<vmem_shared>>
    tpu.wait_indirect_dma semaphore(%arg13 : memref<!tpu.dma_semaphore, #tpu.memory_space<semaphore_mem>>) src(%arg8 : memref<128x128xf32, #tpu.memory_space<vmem>>) dst(%dma_wait3A_71 : memref<10240x128xf32, #tpu.memory_space<vmem_shared>>)
    %dma_wait3A_72 = arith.constant 79 : i32
    %dma_wait3A_73 = arith.constant 0 : i32
    %dma_wait3A_74 = tpu.memref_slice %arg7[%dma_wait3A_72, %dma_wait3A_73] : memref<80x128xi32, #tpu.memory_space<vmem>> -> memref<1x128xi32, #tpu.memory_space<vmem>>
    %dma_wait3A_75 = tpu.memref_squeeze %dma_wait3A_74 : memref<1x128xi32, #tpu.memory_space<vmem>> -> memref<128xi32, #tpu.memory_space<vmem>>
    %dma_wait3A_76 = arith.constant 0 : i32
    %dma_wait3A_77 = arith.constant 0 : i32
    %dma_wait3A_78 = tpu.memref_slice %arg10[%dma_wait3A_76, %dma_wait3A_77] : memref<10240x128xf32, #tpu.memory_space<vmem_shared>> -> memref<10240x128xf32, #tpu.memory_space<vmem_shared>>
    tpu.wait_indirect_dma semaphore(%arg14 : memref<!tpu.dma_semaphore, #tpu.memory_space<semaphore_mem>>) src(%arg9 : memref<128x128xf32, #tpu.memory_space<vmem>>) dst(%dma_wait3A_78 : memref<10240x128xf32, #tpu.memory_space<vmem_shared>>)
    %barrier3A_79 = arith.constant 0 : index
    tpu.barrier barrier_id(%barrier3A_79)
    %mul3A_80 = arith.constant 640 : i32
    %mul3A_81 = arith.muli %arg1, %mul3A_80 : i32
    %mul3A_82 = arith.constant 640 : i32
    %mul3A_83 = arith.muli %arg1, %mul3A_82 : i32
    %run_scoped3A = arith.constant 0 : i32
    "tpu.region"() ({
      %run_scoped3A_173 = tpu.sem_alloc : memref<!tpu.dma_semaphore, #tpu.memory_space<semaphore_mem>>
      %dma_start3A_174 = arith.constant 0 : i32
      %dma_start3A_175 = tpu.memref_slice %arg6[%run_scoped3A, %arg0, %mul3A_83, %dma_start3A_174] : memref<2x2x10240x128xf32, #tpu.memory_space<hbm>> -> memref<1x1x640x128xf32, #tpu.memory_space<hbm>>
      %dma_start3A_176 = tpu.memref_squeeze %dma_start3A_175 : memref<1x1x640x128xf32, #tpu.memory_space<hbm>> -> memref<640x128xf32, #tpu.memory_space<hbm>>
      %dma_start3A_177 = arith.constant 0 : i32
      %dma_start3A_178 = tpu.memref_slice %arg10[%mul3A_81, %dma_start3A_177] : memref<10240x128xf32, #tpu.memory_space<vmem_shared>> -> memref<640x128xf32, #tpu.memory_space<vmem_shared>>
      tpu.enqueue_dma source(%dma_start3A_178 : memref<640x128xf32, #tpu.memory_space<vmem_shared>>) target(%dma_start3A_176 : memref<640x128xf32, #tpu.memory_space<hbm>>) target_semaphore(%run_scoped3A_173 : memref<!tpu.dma_semaphore, #tpu.memory_space<semaphore_mem>>)
      %dma_wait3A_179 = arith.constant 0 : i32
      %dma_wait3A_180 = tpu.memref_slice %arg6[%run_scoped3A, %arg0, %mul3A_83, %dma_wait3A_179] : memref<2x2x10240x128xf32, #tpu.memory_space<hbm>> -> memref<1x1x640x128xf32, #tpu.memory_space<hbm>>
      %dma_wait3A_181 = tpu.memref_squeeze %dma_wait3A_180 : memref<1x1x640x128xf32, #tpu.memory_space<hbm>> -> memref<640x128xf32, #tpu.memory_space<hbm>>
      %dma_wait3A_182 = arith.constant 0 : i32
      %dma_wait3A_183 = tpu.memref_slice %arg10[%mul3A_81, %dma_wait3A_182] : memref<10240x128xf32, #tpu.memory_space<vmem_shared>> -> memref<640x128xf32, #tpu.memory_space<vmem_shared>>
      tpu.wait_dma2 semaphore(%run_scoped3A_173 : memref<!tpu.dma_semaphore, #tpu.memory_space<semaphore_mem>>) src(%dma_wait3A_183 : memref<640x128xf32, #tpu.memory_space<vmem_shared>>) dst(%dma_wait3A_181 : memref<640x128xf32, #tpu.memory_space<hbm>>)
      tpu.yield
    }) : () -> ()
    %barrier3A_84 = arith.constant 0 : index
    tpu.barrier barrier_id(%barrier3A_84)
    "tpu.region"() ({
      %run_scoped3A_173 = tpu.sem_alloc : memref<!tpu.dma_semaphore, #tpu.memory_space<semaphore_mem>>
      tpu.enqueue_dma source(%arg5 : memref<128x128xf32, #tpu.memory_space<hbm>>) target(%arg8 : memref<128x128xf32, #tpu.memory_space<vmem>>) target_semaphore(%run_scoped3A_173 : memref<!tpu.dma_semaphore, #tpu.memory_space<semaphore_mem>>)
      tpu.wait_dma2 semaphore(%run_scoped3A_173 : memref<!tpu.dma_semaphore, #tpu.memory_space<semaphore_mem>>) src(%arg5 : memref<128x128xf32, #tpu.memory_space<hbm>>) dst(%arg8 : memref<128x128xf32, #tpu.memory_space<vmem>>)
      tpu.yield
    }) : () -> ()
    %mul3A_85 = arith.constant 640 : i32
    %mul3A_86 = arith.muli %arg1, %mul3A_85 : i32
    %add3A_87 = arith.constant 0 : i32
    %add3A_88 = arith.addi %mul3A_86, %add3A_87 : i32
    "tpu.region"() ({
      %run_scoped3A_173 = tpu.sem_alloc : memref<!tpu.dma_semaphore, #tpu.memory_space<semaphore_mem>>
      %dma_start3A_174 = arith.constant 0 : i32
      %dma_start3A_175 = tpu.memref_slice %arg10[%add3A_88, %dma_start3A_174] : memref<10240x128xf32, #tpu.memory_space<vmem_shared>> -> memref<128x128xf32, #tpu.memory_space<vmem_shared>>
      %dma_start3A_176 = arith.constant 0 : i32
      %dma_start3A_177 = tpu.memref_slice %arg10[%add3A_88, %dma_start3A_176] : memref<10240x128xf32, #tpu.memory_space<vmem_shared>> -> memref<128x128xf32, #tpu.memory_space<vmem_shared>>
      tpu.enqueue_dma source(%arg8 : memref<128x128xf32, #tpu.memory_space<vmem>>) target(%dma_start3A_177 : memref<128x128xf32, #tpu.memory_space<vmem_shared>>) target_semaphore(%run_scoped3A_173 : memref<!tpu.dma_semaphore, #tpu.memory_space<semaphore_mem>>)
      %dma_wait3A_178 = arith.constant 0 : i32
      %dma_wait3A_179 = tpu.memref_slice %arg10[%add3A_88, %dma_wait3A_178] : memref<10240x128xf32, #tpu.memory_space<vmem_shared>> -> memref<128x128xf32, #tpu.memory_space<vmem_shared>>
      %dma_wait3A_180 = arith.constant 0 : i32
      %dma_wait3A_181 = tpu.memref_slice %arg10[%add3A_88, %dma_wait3A_180] : memref<10240x128xf32, #tpu.memory_space<vmem_shared>> -> memref<128x128xf32, #tpu.memory_space<vmem_shared>>
      tpu.wait_dma2 semaphore(%run_scoped3A_173 : memref<!tpu.dma_semaphore, #tpu.memory_space<semaphore_mem>>) src(%arg8 : memref<128x128xf32, #tpu.memory_space<vmem>>) dst(%dma_wait3A_181 : memref<128x128xf32, #tpu.memory_space<vmem_shared>>)
      tpu.yield
    }) : () -> ()
    %mul3A_89 = arith.constant 640 : i32
    %mul3A_90 = arith.muli %arg1, %mul3A_89 : i32
    %add3A_91 = arith.constant 128 : i32
    %add3A_92 = arith.addi %mul3A_90, %add3A_91 : i32
    "tpu.region"() ({
      %run_scoped3A_173 = tpu.sem_alloc : memref<!tpu.dma_semaphore, #tpu.memory_space<semaphore_mem>>
      %dma_start3A_174 = arith.constant 0 : i32
      %dma_start3A_175 = tpu.memref_slice %arg10[%add3A_92, %dma_start3A_174] : memref<10240x128xf32, #tpu.memory_space<vmem_shared>> -> memref<128x128xf32, #tpu.memory_space<vmem_shared>>
      %dma_start3A_176 = arith.constant 0 : i32
      %dma_start3A_177 = tpu.memref_slice %arg10[%add3A_92, %dma_start3A_176] : memref<10240x128xf32, #tpu.memory_space<vmem_shared>> -> memref<128x128xf32, #tpu.memory_space<vmem_shared>>
      tpu.enqueue_dma source(%arg8 : memref<128x128xf32, #tpu.memory_space<vmem>>) target(%dma_start3A_177 : memref<128x128xf32, #tpu.memory_space<vmem_shared>>) target_semaphore(%run_scoped3A_173 : memref<!tpu.dma_semaphore, #tpu.memory_space<semaphore_mem>>)
      %dma_wait3A_178 = arith.constant 0 : i32
      %dma_wait3A_179 = tpu.memref_slice %arg10[%add3A_92, %dma_wait3A_178] : memref<10240x128xf32, #tpu.memory_space<vmem_shared>> -> memref<128x128xf32, #tpu.memory_space<vmem_shared>>
      %dma_wait3A_180 = arith.constant 0 : i32
      %dma_wait3A_181 = tpu.memref_slice %arg10[%add3A_92, %dma_wait3A_180] : memref<10240x128xf32, #tpu.memory_space<vmem_shared>> -> memref<128x128xf32, #tpu.memory_space<vmem_shared>>
      tpu.wait_dma2 semaphore(%run_scoped3A_173 : memref<!tpu.dma_semaphore, #tpu.memory_space<semaphore_mem>>) src(%arg8 : memref<128x128xf32, #tpu.memory_space<vmem>>) dst(%dma_wait3A_181 : memref<128x128xf32, #tpu.memory_space<vmem_shared>>)
      tpu.yield
    }) : () -> ()
    %mul3A_93 = arith.constant 640 : i32
    %mul3A_94 = arith.muli %arg1, %mul3A_93 : i32
    %add3A_95 = arith.constant 256 : i32
    %add3A_96 = arith.addi %mul3A_94, %add3A_95 : i32
    "tpu.region"() ({
      %run_scoped3A_173 = tpu.sem_alloc : memref<!tpu.dma_semaphore, #tpu.memory_space<semaphore_mem>>
      %dma_start3A_174 = arith.constant 0 : i32
      %dma_start3A_175 = tpu.memref_slice %arg10[%add3A_96, %dma_start3A_174] : memref<10240x128xf32, #tpu.memory_space<vmem_shared>> -> memref<128x128xf32, #tpu.memory_space<vmem_shared>>
      %dma_start3A_176 = arith.constant 0 : i32
      %dma_start3A_177 = tpu.memref_slice %arg10[%add3A_96, %dma_start3A_176] : memref<10240x128xf32, #tpu.memory_space<vmem_shared>> -> memref<128x128xf32, #tpu.memory_space<vmem_shared>>
      tpu.enqueue_dma source(%arg8 : memref<128x128xf32, #tpu.memory_space<vmem>>) target(%dma_start3A_177 : memref<128x128xf32, #tpu.memory_space<vmem_shared>>) target_semaphore(%run_scoped3A_173 : memref<!tpu.dma_semaphore, #tpu.memory_space<semaphore_mem>>)
      %dma_wait3A_178 = arith.constant 0 : i32
      %dma_wait3A_179 = tpu.memref_slice %arg10[%add3A_96, %dma_wait3A_178] : memref<10240x128xf32, #tpu.memory_space<vmem_shared>> -> memref<128x128xf32, #tpu.memory_space<vmem_shared>>
      %dma_wait3A_180 = arith.constant 0 : i32
      %dma_wait3A_181 = tpu.memref_slice %arg10[%add3A_96, %dma_wait3A_180] : memref<10240x128xf32, #tpu.memory_space<vmem_shared>> -> memref<128x128xf32, #tpu.memory_space<vmem_shared>>
      tpu.wait_dma2 semaphore(%run_scoped3A_173 : memref<!tpu.dma_semaphore, #tpu.memory_space<semaphore_mem>>) src(%arg8 : memref<128x128xf32, #tpu.memory_space<vmem>>) dst(%dma_wait3A_181 : memref<128x128xf32, #tpu.memory_space<vmem_shared>>)
      tpu.yield
    }) : () -> ()
    %mul3A_97 = arith.constant 640 : i32
    %mul3A_98 = arith.muli %arg1, %mul3A_97 : i32
    %add3A_99 = arith.constant 384 : i32
    %add3A_100 = arith.addi %mul3A_98, %add3A_99 : i32
    "tpu.region"() ({
      %run_scoped3A_173 = tpu.sem_alloc : memref<!tpu.dma_semaphore, #tpu.memory_space<semaphore_mem>>
      %dma_start3A_174 = arith.constant 0 : i32
      %dma_start3A_175 = tpu.memref_slice %arg10[%add3A_100, %dma_start3A_174] : memref<10240x128xf32, #tpu.memory_space<vmem_shared>> -> memref<128x128xf32, #tpu.memory_space<vmem_shared>>
      %dma_start3A_176 = arith.constant 0 : i32
      %dma_start3A_177 = tpu.memref_slice %arg10[%add3A_100, %dma_start3A_176] : memref<10240x128xf32, #tpu.memory_space<vmem_shared>> -> memref<128x128xf32, #tpu.memory_space<vmem_shared>>
      tpu.enqueue_dma source(%arg8 : memref<128x128xf32, #tpu.memory_space<vmem>>) target(%dma_start3A_177 : memref<128x128xf32, #tpu.memory_space<vmem_shared>>) target_semaphore(%run_scoped3A_173 : memref<!tpu.dma_semaphore, #tpu.memory_space<semaphore_mem>>)
      %dma_wait3A_178 = arith.constant 0 : i32
      %dma_wait3A_179 = tpu.memref_slice %arg10[%add3A_100, %dma_wait3A_178] : memref<10240x128xf32, #tpu.memory_space<vmem_shared>> -> memref<128x128xf32, #tpu.memory_space<vmem_shared>>
      %dma_wait3A_180 = arith.constant 0 : i32
      %dma_wait3A_181 = tpu.memref_slice %arg10[%add3A_100, %dma_wait3A_180] : memref<10240x128xf32, #tpu.memory_space<vmem_shared>> -> memref<128x128xf32, #tpu.memory_space<vmem_shared>>
      tpu.wait_dma2 semaphore(%run_scoped3A_173 : memref<!tpu.dma_semaphore, #tpu.memory_space<semaphore_mem>>) src(%arg8 : memref<128x128xf32, #tpu.memory_space<vmem>>) dst(%dma_wait3A_181 : memref<128x128xf32, #tpu.memory_space<vmem_shared>>)
      tpu.yield
    }) : () -> ()
    %mul3A_101 = arith.constant 640 : i32
    %mul3A_102 = arith.muli %arg1, %mul3A_101 : i32
    %add3A_103 = arith.constant 512 : i32
    %add3A_104 = arith.addi %mul3A_102, %add3A_103 : i32
    "tpu.region"() ({
      %run_scoped3A_173 = tpu.sem_alloc : memref<!tpu.dma_semaphore, #tpu.memory_space<semaphore_mem>>
      %dma_start3A_174 = arith.constant 0 : i32
      %dma_start3A_175 = tpu.memref_slice %arg10[%add3A_104, %dma_start3A_174] : memref<10240x128xf32, #tpu.memory_space<vmem_shared>> -> memref<128x128xf32, #tpu.memory_space<vmem_shared>>
      %dma_start3A_176 = arith.constant 0 : i32
      %dma_start3A_177 = tpu.memref_slice %arg10[%add3A_104, %dma_start3A_176] : memref<10240x128xf32, #tpu.memory_space<vmem_shared>> -> memref<128x128xf32, #tpu.memory_space<vmem_shared>>
      tpu.enqueue_dma source(%arg8 : memref<128x128xf32, #tpu.memory_space<vmem>>) target(%dma_start3A_177 : memref<128x128xf32, #tpu.memory_space<vmem_shared>>) target_semaphore(%run_scoped3A_173 : memref<!tpu.dma_semaphore, #tpu.memory_space<semaphore_mem>>)
      %dma_wait3A_178 = arith.constant 0 : i32
      %dma_wait3A_179 = tpu.memref_slice %arg10[%add3A_104, %dma_wait3A_178] : memref<10240x128xf32, #tpu.memory_space<vmem_shared>> -> memref<128x128xf32, #tpu.memory_space<vmem_shared>>
      %dma_wait3A_180 = arith.constant 0 : i32
      %dma_wait3A_181 = tpu.memref_slice %arg10[%add3A_104, %dma_wait3A_180] : memref<10240x128xf32, #tpu.memory_space<vmem_shared>> -> memref<128x128xf32, #tpu.memory_space<vmem_shared>>
      tpu.wait_dma2 semaphore(%run_scoped3A_173 : memref<!tpu.dma_semaphore, #tpu.memory_space<semaphore_mem>>) src(%arg8 : memref<128x128xf32, #tpu.memory_space<vmem>>) dst(%dma_wait3A_181 : memref<128x128xf32, #tpu.memory_space<vmem_shared>>)
      tpu.yield
    }) : () -> ()
    %barrier3A_105 = arith.constant 0 : index
    tpu.barrier barrier_id(%barrier3A_105)
    %dma_start3A_106 = arith.constant 0 : i32
    %dma_start3A_107 = arith.constant 0 : i32
    %dma_start3A_108 = tpu.memref_slice %arg7[%dma_start3A_106, %dma_start3A_107] : memref<80x128xi32, #tpu.memory_space<vmem>> -> memref<1x128xi32, #tpu.memory_space<vmem>>
    %dma_start3A_109 = tpu.memref_squeeze %dma_start3A_108 : memref<1x128xi32, #tpu.memory_space<vmem>> -> memref<128xi32, #tpu.memory_space<vmem>>
    %dma_start3A_110 = arith.constant 0 : i32
    %dma_start3A_111 = arith.constant 0 : i32
    %dma_start3A_112 = tpu.memref_slice %arg3[%dma_start3A_110, %dma_start3A_111] : memref<10000x128xf32, #tpu.memory_space<hbm>> -> memref<10000x128xf32, #tpu.memory_space<hbm>>
    tpu.enqueue_indirect_dma source(%dma_start3A_112 : memref<10000x128xf32, #tpu.memory_space<hbm>>) target(%arg8 : memref<128x128xf32, #tpu.memory_space<vmem>>) offsets(%dma_start3A_109 : memref<128xi32, #tpu.memory_space<vmem>>) semaphore(%arg11 : memref<!tpu.dma_semaphore, #tpu.memory_space<semaphore_mem>>)
    %dma_wait3A_113 = arith.constant 0 : i32
    %dma_wait3A_114 = arith.constant 0 : i32
    %dma_wait3A_115 = tpu.memref_slice %arg7[%dma_wait3A_113, %dma_wait3A_114] : memref<80x128xi32, #tpu.memory_space<vmem>> -> memref<1x128xi32, #tpu.memory_space<vmem>>
    %dma_wait3A_116 = tpu.memref_squeeze %dma_wait3A_115 : memref<1x128xi32, #tpu.memory_space<vmem>> -> memref<128xi32, #tpu.memory_space<vmem>>
    %dma_wait3A_117 = arith.constant 0 : i32
    %dma_wait3A_118 = arith.constant 0 : i32
    %dma_wait3A_119 = tpu.memref_slice %arg3[%dma_wait3A_117, %dma_wait3A_118] : memref<10000x128xf32, #tpu.memory_space<hbm>> -> memref<10000x128xf32, #tpu.memory_space<hbm>>
    tpu.wait_indirect_dma semaphore(%arg11 : memref<!tpu.dma_semaphore, #tpu.memory_space<semaphore_mem>>) src(%dma_wait3A_119 : memref<10000x128xf32, #tpu.memory_space<hbm>>) dst(%arg8 : memref<128x128xf32, #tpu.memory_space<vmem>>)
    %dma_start3A_120 = arith.constant 1 : i32
    %dma_start3A_121 = arith.constant 0 : i32
    %dma_start3A_122 = tpu.memref_slice %arg7[%dma_start3A_120, %dma_start3A_121] : memref<80x128xi32, #tpu.memory_space<vmem>> -> memref<1x128xi32, #tpu.memory_space<vmem>>
    %dma_start3A_123 = tpu.memref_squeeze %dma_start3A_122 : memref<1x128xi32, #tpu.memory_space<vmem>> -> memref<128xi32, #tpu.memory_space<vmem>>
    %dma_start3A_124 = arith.constant 0 : i32
    %dma_start3A_125 = arith.constant 0 : i32
    %dma_start3A_126 = tpu.memref_slice %arg10[%dma_start3A_124, %dma_start3A_125] : memref<10240x128xf32, #tpu.memory_space<vmem_shared>> -> memref<10240x128xf32, #tpu.memory_space<vmem_shared>>
    tpu.enqueue_indirect_dma source(%arg8 : memref<128x128xf32, #tpu.memory_space<vmem>>) target(%dma_start3A_126 : memref<10240x128xf32, #tpu.memory_space<vmem_shared>>) offsets(%dma_start3A_123 : memref<128xi32, #tpu.memory_space<vmem>>) semaphore(%arg13 : memref<!tpu.dma_semaphore, #tpu.memory_space<semaphore_mem>>) {add = true}
    %dma_start3A_127 = arith.constant 2 : i32
    %dma_start3A_128 = arith.constant 0 : i32
    %dma_start3A_129 = tpu.memref_slice %arg7[%dma_start3A_127, %dma_start3A_128] : memref<80x128xi32, #tpu.memory_space<vmem>> -> memref<1x128xi32, #tpu.memory_space<vmem>>
    %dma_start3A_130 = tpu.memref_squeeze %dma_start3A_129 : memref<1x128xi32, #tpu.memory_space<vmem>> -> memref<128xi32, #tpu.memory_space<vmem>>
    %dma_start3A_131 = arith.constant 0 : i32
    %dma_start3A_132 = arith.constant 0 : i32
    %dma_start3A_133 = tpu.memref_slice %arg3[%dma_start3A_131, %dma_start3A_132] : memref<10000x128xf32, #tpu.memory_space<hbm>> -> memref<10000x128xf32, #tpu.memory_space<hbm>>
    tpu.enqueue_indirect_dma source(%dma_start3A_133 : memref<10000x128xf32, #tpu.memory_space<hbm>>) target(%arg9 : memref<128x128xf32, #tpu.memory_space<vmem>>) offsets(%dma_start3A_130 : memref<128xi32, #tpu.memory_space<vmem>>) semaphore(%arg12 : memref<!tpu.dma_semaphore, #tpu.memory_space<semaphore_mem>>)
    %scan3A_134 = arith.constant 0 : i32
    %scan3A_135 = arith.constant 19 : i32
    %scan3A_136 = arith.addi %scan3A_134, %scan3A_135 : i32
    %scan3A_137 = arith.constant 1 : i32
    scf.for %scan3A_173 = %scan3A_134 to %scan3A_136 step %scan3A_137  : i32 {
      %mul3A_174 = arith.constant 1 : i32
      %mul3A_175 = arith.muli %scan3A_173, %mul3A_174 : i32
      %add3A_176 = arith.constant 0 : i32
      %add3A_177 = arith.addi %add3A_176, %mul3A_175 : i32
      %mul3A_178 = arith.constant 2 : i32
      %mul3A_179 = arith.muli %mul3A_178, %add3A_177 : i32
      %add3A_180 = arith.constant 1 : i32
      %add3A_181 = arith.addi %mul3A_179, %add3A_180 : i32
      %mul3A_182 = arith.constant 2 : i32
      %mul3A_183 = arith.muli %mul3A_182, %add3A_181 : i32
      %dma_wait3A_184 = arith.constant 0 : i32
      %dma_wait3A_185 = tpu.memref_slice %arg7[%mul3A_183, %dma_wait3A_184] : memref<80x128xi32, #tpu.memory_space<vmem>> -> memref<1x128xi32, #tpu.memory_space<vmem>>
      %dma_wait3A_186 = tpu.memref_squeeze %dma_wait3A_185 : memref<1x128xi32, #tpu.memory_space<vmem>> -> memref<128xi32, #tpu.memory_space<vmem>>
      %dma_wait3A_187 = arith.constant 0 : i32
      %dma_wait3A_188 = arith.constant 0 : i32
      %dma_wait3A_189 = tpu.memref_slice %arg3[%dma_wait3A_187, %dma_wait3A_188] : memref<10000x128xf32, #tpu.memory_space<hbm>> -> memref<10000x128xf32, #tpu.memory_space<hbm>>
      tpu.wait_indirect_dma semaphore(%arg12 : memref<!tpu.dma_semaphore, #tpu.memory_space<semaphore_mem>>) src(%dma_wait3A_189 : memref<10000x128xf32, #tpu.memory_space<hbm>>) dst(%arg9 : memref<128x128xf32, #tpu.memory_space<vmem>>)
      %mul3A_190 = arith.constant 2 : i32
      %mul3A_191 = arith.muli %mul3A_190, %add3A_181 : i32
      %add3A_192 = arith.constant 1 : i32
      %add3A_193 = arith.addi %mul3A_191, %add3A_192 : i32
      %dma_start3A_194 = arith.constant 0 : i32
      %dma_start3A_195 = tpu.memref_slice %arg7[%add3A_193, %dma_start3A_194] : memref<80x128xi32, #tpu.memory_space<vmem>> -> memref<1x128xi32, #tpu.memory_space<vmem>>
      %dma_start3A_196 = tpu.memref_squeeze %dma_start3A_195 : memref<1x128xi32, #tpu.memory_space<vmem>> -> memref<128xi32, #tpu.memory_space<vmem>>
      %dma_start3A_197 = arith.constant 0 : i32
      %dma_start3A_198 = arith.constant 0 : i32
      %dma_start3A_199 = tpu.memref_slice %arg10[%dma_start3A_197, %dma_start3A_198] : memref<10240x128xf32, #tpu.memory_space<vmem_shared>> -> memref<10240x128xf32, #tpu.memory_space<vmem_shared>>
      tpu.enqueue_indirect_dma source(%arg9 : memref<128x128xf32, #tpu.memory_space<vmem>>) target(%dma_start3A_199 : memref<10240x128xf32, #tpu.memory_space<vmem_shared>>) offsets(%dma_start3A_196 : memref<128xi32, #tpu.memory_space<vmem>>) semaphore(%arg14 : memref<!tpu.dma_semaphore, #tpu.memory_space<semaphore_mem>>) {add = true}
      %sub3A = arith.constant 1 : i32
      %sub3A_200 = arith.subi %add3A_181, %sub3A : i32
      %mul3A_201 = arith.constant 2 : i32
      %mul3A_202 = arith.muli %mul3A_201, %sub3A_200 : i32
      %add3A_203 = arith.constant 1 : i32
      %add3A_204 = arith.addi %mul3A_202, %add3A_203 : i32
      %dma_wait3A_205 = arith.constant 0 : i32
      %dma_wait3A_206 = tpu.memref_slice %arg7[%add3A_204, %dma_wait3A_205] : memref<80x128xi32, #tpu.memory_space<vmem>> -> memref<1x128xi32, #tpu.memory_space<vmem>>
      %dma_wait3A_207 = tpu.memref_squeeze %dma_wait3A_206 : memref<1x128xi32, #tpu.memory_space<vmem>> -> memref<128xi32, #tpu.memory_space<vmem>>
      %dma_wait3A_208 = arith.constant 0 : i32
      %dma_wait3A_209 = arith.constant 0 : i32
      %dma_wait3A_210 = tpu.memref_slice %arg10[%dma_wait3A_208, %dma_wait3A_209] : memref<10240x128xf32, #tpu.memory_space<vmem_shared>> -> memref<10240x128xf32, #tpu.memory_space<vmem_shared>>
      tpu.wait_indirect_dma semaphore(%arg13 : memref<!tpu.dma_semaphore, #tpu.memory_space<semaphore_mem>>) src(%arg8 : memref<128x128xf32, #tpu.memory_space<vmem>>) dst(%dma_wait3A_210 : memref<10240x128xf32, #tpu.memory_space<vmem_shared>>)
      %add3A_211 = arith.constant 1 : i32
      %add3A_212 = arith.addi %add3A_181, %add3A_211 : i32
      %mul3A_213 = arith.constant 2 : i32
      %mul3A_214 = arith.muli %mul3A_213, %add3A_212 : i32
      %dma_start3A_215 = arith.constant 0 : i32
      %dma_start3A_216 = tpu.memref_slice %arg7[%mul3A_214, %dma_start3A_215] : memref<80x128xi32, #tpu.memory_space<vmem>> -> memref<1x128xi32, #tpu.memory_space<vmem>>
      %dma_start3A_217 = tpu.memref_squeeze %dma_start3A_216 : memref<1x128xi32, #tpu.memory_space<vmem>> -> memref<128xi32, #tpu.memory_space<vmem>>
      %dma_start3A_218 = arith.constant 0 : i32
      %dma_start3A_219 = arith.constant 0 : i32
      %dma_start3A_220 = tpu.memref_slice %arg3[%dma_start3A_218, %dma_start3A_219] : memref<10000x128xf32, #tpu.memory_space<hbm>> -> memref<10000x128xf32, #tpu.memory_space<hbm>>
      tpu.enqueue_indirect_dma source(%dma_start3A_220 : memref<10000x128xf32, #tpu.memory_space<hbm>>) target(%arg8 : memref<128x128xf32, #tpu.memory_space<vmem>>) offsets(%dma_start3A_217 : memref<128xi32, #tpu.memory_space<vmem>>) semaphore(%arg11 : memref<!tpu.dma_semaphore, #tpu.memory_space<semaphore_mem>>)
      %add3A_221 = arith.constant 1 : i32
      %add3A_222 = arith.addi %add3A_181, %add3A_221 : i32
      %mul3A_223 = arith.constant 2 : i32
      %mul3A_224 = arith.muli %mul3A_223, %add3A_222 : i32
      %dma_wait3A_225 = arith.constant 0 : i32
      %dma_wait3A_226 = tpu.memref_slice %arg7[%mul3A_224, %dma_wait3A_225] : memref<80x128xi32, #tpu.memory_space<vmem>> -> memref<1x128xi32, #tpu.memory_space<vmem>>
      %dma_wait3A_227 = tpu.memref_squeeze %dma_wait3A_226 : memref<1x128xi32, #tpu.memory_space<vmem>> -> memref<128xi32, #tpu.memory_space<vmem>>
      %dma_wait3A_228 = arith.constant 0 : i32
      %dma_wait3A_229 = arith.constant 0 : i32
      %dma_wait3A_230 = tpu.memref_slice %arg3[%dma_wait3A_228, %dma_wait3A_229] : memref<10000x128xf32, #tpu.memory_space<hbm>> -> memref<10000x128xf32, #tpu.memory_space<hbm>>
      tpu.wait_indirect_dma semaphore(%arg11 : memref<!tpu.dma_semaphore, #tpu.memory_space<semaphore_mem>>) src(%dma_wait3A_230 : memref<10000x128xf32, #tpu.memory_space<hbm>>) dst(%arg8 : memref<128x128xf32, #tpu.memory_space<vmem>>)
      %mul3A_231 = arith.constant 2 : i32
      %mul3A_232 = arith.muli %mul3A_231, %add3A_222 : i32
      %add3A_233 = arith.constant 1 : i32
      %add3A_234 = arith.addi %mul3A_232, %add3A_233 : i32
      %dma_start3A_235 = arith.constant 0 : i32
      %dma_start3A_236 = tpu.memref_slice %arg7[%add3A_234, %dma_start3A_235] : memref<80x128xi32, #tpu.memory_space<vmem>> -> memref<1x128xi32, #tpu.memory_space<vmem>>
      %dma_start3A_237 = tpu.memref_squeeze %dma_start3A_236 : memref<1x128xi32, #tpu.memory_space<vmem>> -> memref<128xi32, #tpu.memory_space<vmem>>
      %dma_start3A_238 = arith.constant 0 : i32
      %dma_start3A_239 = arith.constant 0 : i32
      %dma_start3A_240 = tpu.memref_slice %arg10[%dma_start3A_238, %dma_start3A_239] : memref<10240x128xf32, #tpu.memory_space<vmem_shared>> -> memref<10240x128xf32, #tpu.memory_space<vmem_shared>>
      tpu.enqueue_indirect_dma source(%arg8 : memref<128x128xf32, #tpu.memory_space<vmem>>) target(%dma_start3A_240 : memref<10240x128xf32, #tpu.memory_space<vmem_shared>>) offsets(%dma_start3A_237 : memref<128xi32, #tpu.memory_space<vmem>>) semaphore(%arg13 : memref<!tpu.dma_semaphore, #tpu.memory_space<semaphore_mem>>) {add = true}
      %sub3A_241 = arith.constant 1 : i32
      %sub3A_242 = arith.subi %add3A_222, %sub3A_241 : i32
      %mul3A_243 = arith.constant 2 : i32
      %mul3A_244 = arith.muli %mul3A_243, %sub3A_242 : i32
      %add3A_245 = arith.constant 1 : i32
      %add3A_246 = arith.addi %mul3A_244, %add3A_245 : i32
      %dma_wait3A_247 = arith.constant 0 : i32
      %dma_wait3A_248 = tpu.memref_slice %arg7[%add3A_246, %dma_wait3A_247] : memref<80x128xi32, #tpu.memory_space<vmem>> -> memref<1x128xi32, #tpu.memory_space<vmem>>
      %dma_wait3A_249 = tpu.memref_squeeze %dma_wait3A_248 : memref<1x128xi32, #tpu.memory_space<vmem>> -> memref<128xi32, #tpu.memory_space<vmem>>
      %dma_wait3A_250 = arith.constant 0 : i32
      %dma_wait3A_251 = arith.constant 0 : i32
      %dma_wait3A_252 = tpu.memref_slice %arg10[%dma_wait3A_250, %dma_wait3A_251] : memref<10240x128xf32, #tpu.memory_space<vmem_shared>> -> memref<10240x128xf32, #tpu.memory_space<vmem_shared>>
      tpu.wait_indirect_dma semaphore(%arg14 : memref<!tpu.dma_semaphore, #tpu.memory_space<semaphore_mem>>) src(%arg9 : memref<128x128xf32, #tpu.memory_space<vmem>>) dst(%dma_wait3A_252 : memref<10240x128xf32, #tpu.memory_space<vmem_shared>>)
      %add3A_253 = arith.constant 1 : i32
      %add3A_254 = arith.addi %add3A_222, %add3A_253 : i32
      %mul3A_255 = arith.constant 2 : i32
      %mul3A_256 = arith.muli %mul3A_255, %add3A_254 : i32
      %dma_start3A_257 = arith.constant 0 : i32
      %dma_start3A_258 = tpu.memref_slice %arg7[%mul3A_256, %dma_start3A_257] : memref<80x128xi32, #tpu.memory_space<vmem>> -> memref<1x128xi32, #tpu.memory_space<vmem>>
      %dma_start3A_259 = tpu.memref_squeeze %dma_start3A_258 : memref<1x128xi32, #tpu.memory_space<vmem>> -> memref<128xi32, #tpu.memory_space<vmem>>
      %dma_start3A_260 = arith.constant 0 : i32
      %dma_start3A_261 = arith.constant 0 : i32
      %dma_start3A_262 = tpu.memref_slice %arg3[%dma_start3A_260, %dma_start3A_261] : memref<10000x128xf32, #tpu.memory_space<hbm>> -> memref<10000x128xf32, #tpu.memory_space<hbm>>
      tpu.enqueue_indirect_dma source(%dma_start3A_262 : memref<10000x128xf32, #tpu.memory_space<hbm>>) target(%arg9 : memref<128x128xf32, #tpu.memory_space<vmem>>) offsets(%dma_start3A_259 : memref<128xi32, #tpu.memory_space<vmem>>) semaphore(%arg12 : memref<!tpu.dma_semaphore, #tpu.memory_space<semaphore_mem>>)
    }
    %scan3A_138 = arith.constant 19 : i32
    %dma_wait3A_139 = arith.constant 78 : i32
    %dma_wait3A_140 = arith.constant 0 : i32
    %dma_wait3A_141 = tpu.memref_slice %arg7[%dma_wait3A_139, %dma_wait3A_140] : memref<80x128xi32, #tpu.memory_space<vmem>> -> memref<1x128xi32, #tpu.memory_space<vmem>>
    %dma_wait3A_142 = tpu.memref_squeeze %dma_wait3A_141 : memref<1x128xi32, #tpu.memory_space<vmem>> -> memref<128xi32, #tpu.memory_space<vmem>>
    %dma_wait3A_143 = arith.constant 0 : i32
    %dma_wait3A_144 = arith.constant 0 : i32
    %dma_wait3A_145 = tpu.memref_slice %arg3[%dma_wait3A_143, %dma_wait3A_144] : memref<10000x128xf32, #tpu.memory_space<hbm>> -> memref<10000x128xf32, #tpu.memory_space<hbm>>
    tpu.wait_indirect_dma semaphore(%arg12 : memref<!tpu.dma_semaphore, #tpu.memory_space<semaphore_mem>>) src(%dma_wait3A_145 : memref<10000x128xf32, #tpu.memory_space<hbm>>) dst(%arg9 : memref<128x128xf32, #tpu.memory_space<vmem>>)
    %dma_start3A_146 = arith.constant 79 : i32
    %dma_start3A_147 = arith.constant 0 : i32
    %dma_start3A_148 = tpu.memref_slice %arg7[%dma_start3A_146, %dma_start3A_147] : memref<80x128xi32, #tpu.memory_space<vmem>> -> memref<1x128xi32, #tpu.memory_space<vmem>>
    %dma_start3A_149 = tpu.memref_squeeze %dma_start3A_148 : memref<1x128xi32, #tpu.memory_space<vmem>> -> memref<128xi32, #tpu.memory_space<vmem>>
    %dma_start3A_150 = arith.constant 0 : i32
    %dma_start3A_151 = arith.constant 0 : i32
    %dma_start3A_152 = tpu.memref_slice %arg10[%dma_start3A_150, %dma_start3A_151] : memref<10240x128xf32, #tpu.memory_space<vmem_shared>> -> memref<10240x128xf32, #tpu.memory_space<vmem_shared>>
    tpu.enqueue_indirect_dma source(%arg9 : memref<128x128xf32, #tpu.memory_space<vmem>>) target(%dma_start3A_152 : memref<10240x128xf32, #tpu.memory_space<vmem_shared>>) offsets(%dma_start3A_149 : memref<128xi32, #tpu.memory_space<vmem>>) semaphore(%arg14 : memref<!tpu.dma_semaphore, #tpu.memory_space<semaphore_mem>>) {add = true}
    %dma_wait3A_153 = arith.constant 77 : i32
    %dma_wait3A_154 = arith.constant 0 : i32
    %dma_wait3A_155 = tpu.memref_slice %arg7[%dma_wait3A_153, %dma_wait3A_154] : memref<80x128xi32, #tpu.memory_space<vmem>> -> memref<1x128xi32, #tpu.memory_space<vmem>>
    %dma_wait3A_156 = tpu.memref_squeeze %dma_wait3A_155 : memref<1x128xi32, #tpu.memory_space<vmem>> -> memref<128xi32, #tpu.memory_space<vmem>>
    %dma_wait3A_157 = arith.constant 0 : i32
    %dma_wait3A_158 = arith.constant 0 : i32
    %dma_wait3A_159 = tpu.memref_slice %arg10[%dma_wait3A_157, %dma_wait3A_158] : memref<10240x128xf32, #tpu.memory_space<vmem_shared>> -> memref<10240x128xf32, #tpu.memory_space<vmem_shared>>
    tpu.wait_indirect_dma semaphore(%arg13 : memref<!tpu.dma_semaphore, #tpu.memory_space<semaphore_mem>>) src(%arg8 : memref<128x128xf32, #tpu.memory_space<vmem>>) dst(%dma_wait3A_159 : memref<10240x128xf32, #tpu.memory_space<vmem_shared>>)
    %dma_wait3A_160 = arith.constant 79 : i32
    %dma_wait3A_161 = arith.constant 0 : i32
    %dma_wait3A_162 = tpu.memref_slice %arg7[%dma_wait3A_160, %dma_wait3A_161] : memref<80x128xi32, #tpu.memory_space<vmem>> -> memref<1x128xi32, #tpu.memory_space<vmem>>
    %dma_wait3A_163 = tpu.memref_squeeze %dma_wait3A_162 : memref<1x128xi32, #tpu.memory_space<vmem>> -> memref<128xi32, #tpu.memory_space<vmem>>
    %dma_wait3A_164 = arith.constant 0 : i32
    %dma_wait3A_165 = arith.constant 0 : i32
    %dma_wait3A_166 = tpu.memref_slice %arg10[%dma_wait3A_164, %dma_wait3A_165] : memref<10240x128xf32, #tpu.memory_space<vmem_shared>> -> memref<10240x128xf32, #tpu.memory_space<vmem_shared>>
    tpu.wait_indirect_dma semaphore(%arg14 : memref<!tpu.dma_semaphore, #tpu.memory_space<semaphore_mem>>) src(%arg9 : memref<128x128xf32, #tpu.memory_space<vmem>>) dst(%dma_wait3A_166 : memref<10240x128xf32, #tpu.memory_space<vmem_shared>>)
    %barrier3A_167 = arith.constant 0 : index
    tpu.barrier barrier_id(%barrier3A_167)
    %mul3A_168 = arith.constant 640 : i32
    %mul3A_169 = arith.muli %arg1, %mul3A_168 : i32
    %mul3A_170 = arith.constant 640 : i32
    %mul3A_171 = arith.muli %arg1, %mul3A_170 : i32
    %run_scoped3A_172 = arith.constant 1 : i32
    "tpu.region"() ({
      %run_scoped3A_173 = tpu.sem_alloc : memref<!tpu.dma_semaphore, #tpu.memory_space<semaphore_mem>>
      %dma_start3A_174 = arith.constant 0 : i32
      %dma_start3A_175 = tpu.memref_slice %arg6[%run_scoped3A_172, %arg0, %mul3A_171, %dma_start3A_174] : memref<2x2x10240x128xf32, #tpu.memory_space<hbm>> -> memref<1x1x640x128xf32, #tpu.memory_space<hbm>>
      %dma_start3A_176 = tpu.memref_squeeze %dma_start3A_175 : memref<1x1x640x128xf32, #tpu.memory_space<hbm>> -> memref<640x128xf32, #tpu.memory_space<hbm>>
      %dma_start3A_177 = arith.constant 0 : i32
      %dma_start3A_178 = tpu.memref_slice %arg10[%mul3A_169, %dma_start3A_177] : memref<10240x128xf32, #tpu.memory_space<vmem_shared>> -> memref<640x128xf32, #tpu.memory_space<vmem_shared>>
      tpu.enqueue_dma source(%dma_start3A_178 : memref<640x128xf32, #tpu.memory_space<vmem_shared>>) target(%dma_start3A_176 : memref<640x128xf32, #tpu.memory_space<hbm>>) target_semaphore(%run_scoped3A_173 : memref<!tpu.dma_semaphore, #tpu.memory_space<semaphore_mem>>)
      %dma_wait3A_179 = arith.constant 0 : i32
      %dma_wait3A_180 = tpu.memref_slice %arg6[%run_scoped3A_172, %arg0, %mul3A_171, %dma_wait3A_179] : memref<2x2x10240x128xf32, #tpu.memory_space<hbm>> -> memref<1x1x640x128xf32, #tpu.memory_space<hbm>>
      %dma_wait3A_181 = tpu.memref_squeeze %dma_wait3A_180 : memref<1x1x640x128xf32, #tpu.memory_space<hbm>> -> memref<640x128xf32, #tpu.memory_space<hbm>>
      %dma_wait3A_182 = arith.constant 0 : i32
      %dma_wait3A_183 = tpu.memref_slice %arg10[%mul3A_169, %dma_wait3A_182] : memref<10240x128xf32, #tpu.memory_space<vmem_shared>> -> memref<640x128xf32, #tpu.memory_space<vmem_shared>>
      tpu.wait_dma2 semaphore(%run_scoped3A_173 : memref<!tpu.dma_semaphore, #tpu.memory_space<semaphore_mem>>) src(%dma_wait3A_183 : memref<640x128xf32, #tpu.memory_space<vmem_shared>>) dst(%dma_wait3A_181 : memref<640x128xf32, #tpu.memory_space<hbm>>)
      tpu.yield
    }) : () -> ()
    return
  }
}

module attributes {stable_mosaic.version = 14 : i64} {
  func.func @_mm_body(%arg0: i32, %arg1: memref<2x1000x16xf32, #tpu.memory_space<vmem>>, %arg2: memref<1000x256xf32, #tpu.memory_space<vmem>>, %arg3: memref<256x256xf32, #tpu.memory_space<vmem>>, %arg4: memref<1000x128xf32, #tpu.memory_space<vmem>>, %arg5: memref<1000x128xf32, #tpu.memory_space<vmem>>, %arg6: memref<1000x1xf32, #tpu.memory_space<vmem>>) attributes {dimension_semantics = [#tpu.dimension_semantics<arbitrary>], iteration_bounds = array<i64: 10>, scalar_prefetch = 0 : i64, scratch_operands = 0 : i64, tpu.core_type = #tpu.core_type<tc>, window_params = [{transform_indices = @transform_0, window_bounds = array<i64: 2, 1000, 16>}, {transform_indices = @transform_1, window_bounds = array<i64: 1000, 256>}, {pipeline_mode = #tpu.pipeline_mode<synchronous>, transform_indices = @transform_2, window_bounds = array<i64: 256, 256>}, {transform_indices = @transform_3, window_bounds = array<i64: 1000, 128>}, {transform_indices = @transform_4, window_bounds = array<i64: 1000, 128>}, {transform_indices = @transform_5, window_bounds = array<i64: 1000, 1>}]} {
    %get3A = arith.constant 0 : index
    %get3A_0 = arith.constant 0 : index
    %get3A_1 = arith.constant 0 : index
    %get3A_2 = vector.load %arg1[%get3A, %get3A_0, %get3A_1] : memref<2x1000x16xf32, #tpu.memory_space<vmem>>, vector<2x1000x16xf32>
    %slice3A = vector.extract_strided_slice %get3A_2 {offsets = [0, 0, 0], sizes = [1, 1000, 1], strides = [1, 1, 1]} : vector<2x1000x16xf32> to vector<1x1000x1xf32>
    %squeeze3A = vector.shape_cast %slice3A : vector<1x1000x1xf32> to vector<1000x1xf32>
    %slice3A_3 = vector.extract_strided_slice %get3A_2 {offsets = [1, 0, 0], sizes = [1, 1000, 1], strides = [1, 1, 1]} : vector<2x1000x16xf32> to vector<1x1000x1xf32>
    %squeeze3A_4 = vector.shape_cast %slice3A_3 : vector<1x1000x1xf32> to vector<1000x1xf32>
    %add3A = arith.addf %squeeze3A, %squeeze3A_4 : vector<1000x1xf32>
    %add3A_5 = arith.constant 1.000000e+00 : f32
    %add3A_6 = vector.broadcast %add3A_5 : f32 to vector<1000x1xf32>
    %add3A_7 = arith.addf %add3A, %add3A_6 : vector<1000x1xf32>
    %rsqrt3A = math.rsqrt %add3A_7 : vector<1000x1xf32>
    %get3A_8 = arith.constant 0 : index
    %get3A_9 = arith.constant 0 : index
    %get3A_10 = vector.load %arg2[%get3A_8, %get3A_9] : memref<1000x256xf32, #tpu.memory_space<vmem>>, vector<1000x256xf32>
    %get3A_11 = arith.constant 0 : index
    %get3A_12 = arith.constant 0 : index
    %get3A_13 = vector.load %arg3[%get3A_11, %get3A_12] : memref<256x256xf32, #tpu.memory_space<vmem>>, vector<256x256xf32>
    %dot_general3A = arith.constant dense<0.000000e+00> : vector<1000x256xf32>
    %dot_general3A_14 = tpu.matmul %get3A_10, %get3A_13, %dot_general3A {dimension_numbers = #tpu.dot_dimension_numbers<[1], [0], [0], [1], [0, 0, 1, 1], [], []>, transpose_lhs_hint = false} : vector<1000x256xf32>, vector<256x256xf32>, vector<1000x256xf32> -> vector<1000x256xf32>
    %mul3A = vector.broadcast %rsqrt3A : vector<1000x1xf32> to vector<1000x256xf32>
    %mul3A_15 = arith.mulf %dot_general3A_14, %mul3A : vector<1000x256xf32>
    %slice3A_16 = vector.extract_strided_slice %mul3A_15 {offsets = [0, 0], sizes = [1000, 128], strides = [1, 1]} : vector<1000x256xf32> to vector<1000x128xf32>
    %swap3A = arith.constant 0 : index
    %swap3A_17 = arith.constant 0 : index
    %swap3A_18 = vector.load %arg4[%swap3A, %swap3A_17] : memref<1000x128xf32, #tpu.memory_space<vmem>>, vector<1000x128xf32>
    tpu.vector_store %arg4[%swap3A, %swap3A_17], %slice3A_16 {strides = array<i32>} : memref<1000x128xf32, #tpu.memory_space<vmem>>, vector<1000x128xf32>,
    %slice3A_19 = vector.extract_strided_slice %mul3A_15 {offsets = [0, 128], sizes = [1000, 128], strides = [1, 1]} : vector<1000x256xf32> to vector<1000x128xf32>
    %swap3A_20 = arith.constant 0 : index
    %swap3A_21 = arith.constant 0 : index
    %swap3A_22 = vector.load %arg5[%swap3A_20, %swap3A_21] : memref<1000x128xf32, #tpu.memory_space<vmem>>, vector<1000x128xf32>
    tpu.vector_store %arg5[%swap3A_20, %swap3A_21], %slice3A_19 {strides = array<i32>} : memref<1000x128xf32, #tpu.memory_space<vmem>>, vector<1000x128xf32>,
    %swap3A_23 = arith.constant 0 : index
    %swap3A_24 = arith.constant 0 : index
    %swap3A_25 = vector.load %arg6[%swap3A_23, %swap3A_24] : memref<1000x1xf32, #tpu.memory_space<vmem>>, vector<1000x1xf32>
    tpu.vector_store %arg6[%swap3A_23, %swap3A_24], %rsqrt3A {strides = array<i32>} : memref<1000x1xf32, #tpu.memory_space<vmem>>, vector<1000x1xf32>,
    return
  }
  func.func @transform_0(%arg0: i32) -> (i32, i32, i32) {
    %c0_i32 = arith.constant 0 : i32
    %c0_i32_0 = arith.constant 0 : i32
    %c0_i32_1 = arith.constant 0 : i32
    return %c0_i32, %arg0, %c0_i32_0 : i32, i32, i32
  }
  func.func @transform_1(%arg0: i32) -> (i32, i32) {
    %c0_i32 = arith.constant 0 : i32
    %c0_i32_0 = arith.constant 0 : i32
    return %arg0, %c0_i32 : i32, i32
  }
  func.func @transform_2(%arg0: i32) -> (i32, i32) {
    %c0_i32 = arith.constant 0 : i32
    %c0_i32_0 = arith.constant 0 : i32
    %c0_i32_1 = arith.constant 0 : i32
    return %c0_i32, %c0_i32_0 : i32, i32
  }
  func.func @transform_3(%arg0: i32) -> (i32, i32) {
    %c0_i32 = arith.constant 0 : i32
    %c0_i32_0 = arith.constant 0 : i32
    return %arg0, %c0_i32 : i32, i32
  }
  func.func @transform_4(%arg0: i32) -> (i32, i32) {
    %c0_i32 = arith.constant 0 : i32
    %c0_i32_0 = arith.constant 0 : i32
    return %arg0, %c0_i32 : i32, i32
  }
  func.func @transform_5(%arg0: i32) -> (i32, i32) {
    %c0_i32 = arith.constant 0 : i32
    %c0_i32_0 = arith.constant 0 : i32
    return %arg0, %c0_i32 : i32, i32
  }
}

module attributes {stable_mosaic.version = 14 : i64} {
  func.func @_fin_body(%arg0: i32, %arg1: memref<2x2x1000x128xf32, #tpu.memory_space<vmem>>, %arg2: memref<1000x128xf32, #tpu.memory_space<vmem>>, %arg3: memref<1000x128xf32, #tpu.memory_space<vmem>>, %arg4: memref<1000x1xf32, #tpu.memory_space<vmem>>, %arg5: memref<1x256xf32, #tpu.memory_space<vmem>>, %arg6: memref<1000x256xf32, #tpu.memory_space<vmem>>) attributes {dimension_semantics = [#tpu.dimension_semantics<arbitrary>], iteration_bounds = array<i64: 10>, scalar_prefetch = 0 : i64, scratch_operands = 0 : i64, tpu.core_type = #tpu.core_type<tc>, window_params = [{transform_indices = @transform_0, window_bounds = array<i64: 2, 2, 1000, 128>}, {transform_indices = @transform_1, window_bounds = array<i64: 1000, 128>}, {transform_indices = @transform_2, window_bounds = array<i64: 1000, 128>}, {transform_indices = @transform_3, window_bounds = array<i64: 1000, 1>}, {pipeline_mode = #tpu.pipeline_mode<synchronous>, transform_indices = @transform_4, window_bounds = array<i64: 1, 256>}, {transform_indices = @transform_5, window_bounds = array<i64: 1000, 256>}]} {
    %get3A = arith.constant 0 : index
    %get3A_0 = arith.constant 0 : index
    %get3A_1 = arith.constant 0 : index
    %get3A_2 = arith.constant 0 : index
    %get3A_3 = vector.load %arg1[%get3A, %get3A_0, %get3A_1, %get3A_2] : memref<2x2x1000x128xf32, #tpu.memory_space<vmem>>, vector<2x2x1000x128xf32>
    %slice3A = vector.extract_strided_slice %get3A_3 {offsets = [0, 0, 0, 0], sizes = [1, 1, 1000, 128], strides = [1, 1, 1, 1]} : vector<2x2x1000x128xf32> to vector<1x1x1000x128xf32>
    %squeeze3A = vector.shape_cast %slice3A : vector<1x1x1000x128xf32> to vector<1000x128xf32>
    %slice3A_4 = vector.extract_strided_slice %get3A_3 {offsets = [0, 1, 0, 0], sizes = [1, 1, 1000, 128], strides = [1, 1, 1, 1]} : vector<2x2x1000x128xf32> to vector<1x1x1000x128xf32>
    %squeeze3A_5 = vector.shape_cast %slice3A_4 : vector<1x1x1000x128xf32> to vector<1000x128xf32>
    %add3A = arith.addf %squeeze3A, %squeeze3A_5 : vector<1000x128xf32>
    %get3A_6 = arith.constant 0 : index
    %get3A_7 = arith.constant 0 : index
    %get3A_8 = vector.load %arg2[%get3A_6, %get3A_7] : memref<1000x128xf32, #tpu.memory_space<vmem>>, vector<1000x128xf32>
    %add3A_9 = arith.addf %add3A, %get3A_8 : vector<1000x128xf32>
    %slice3A_10 = vector.extract_strided_slice %get3A_3 {offsets = [1, 0, 0, 0], sizes = [1, 1, 1000, 128], strides = [1, 1, 1, 1]} : vector<2x2x1000x128xf32> to vector<1x1x1000x128xf32>
    %squeeze3A_11 = vector.shape_cast %slice3A_10 : vector<1x1x1000x128xf32> to vector<1000x128xf32>
    %slice3A_12 = vector.extract_strided_slice %get3A_3 {offsets = [1, 1, 0, 0], sizes = [1, 1, 1000, 128], strides = [1, 1, 1, 1]} : vector<2x2x1000x128xf32> to vector<1x1x1000x128xf32>
    %squeeze3A_13 = vector.shape_cast %slice3A_12 : vector<1x1x1000x128xf32> to vector<1000x128xf32>
    %add3A_14 = arith.addf %squeeze3A_11, %squeeze3A_13 : vector<1000x128xf32>
    %get3A_15 = arith.constant 0 : index
    %get3A_16 = arith.constant 0 : index
    %get3A_17 = vector.load %arg3[%get3A_15, %get3A_16] : memref<1000x128xf32, #tpu.memory_space<vmem>>, vector<1000x128xf32>
    %add3A_18 = arith.addf %add3A_14, %get3A_17 : vector<1000x128xf32>
    %concatenate3A = tpu.concatenate %add3A_9, %add3A_18 in 1 : vector<1000x128xf32>, vector<1000x128xf32> -> vector<1000x256xf32>
    %get3A_19 = arith.constant 0 : index
    %get3A_20 = arith.constant 0 : index
    %get3A_21 = vector.load %arg4[%get3A_19, %get3A_20] : memref<1000x1xf32, #tpu.memory_space<vmem>>, vector<1000x1xf32>
    %mul3A = vector.broadcast %get3A_21 : vector<1000x1xf32> to vector<1000x256xf32>
    %mul3A_22 = arith.mulf %concatenate3A, %mul3A : vector<1000x256xf32>
    %get3A_23 = arith.constant 0 : index
    %get3A_24 = arith.constant 0 : index
    %get3A_25 = vector.load %arg5[%get3A_23, %get3A_24] : memref<1x256xf32, #tpu.memory_space<vmem>>, vector<1x256xf32>
    %add3A_26 = vector.broadcast %get3A_25 : vector<1x256xf32> to vector<1000x256xf32>
    %add3A_27 = arith.addf %mul3A_22, %add3A_26 : vector<1000x256xf32>
    %max3A = arith.constant 0.000000e+00 : f32
    %max3A_28 = vector.broadcast %max3A : f32 to vector<1000x256xf32>
    %max3A_29 = arith.maximumf %add3A_27, %max3A_28 : vector<1000x256xf32>
    %swap3A = arith.constant 0 : index
    %swap3A_30 = arith.constant 0 : index
    %swap3A_31 = vector.load %arg6[%swap3A, %swap3A_30] : memref<1000x256xf32, #tpu.memory_space<vmem>>, vector<1000x256xf32>
    tpu.vector_store %arg6[%swap3A, %swap3A_30], %max3A_29 {strides = array<i32>} : memref<1000x256xf32, #tpu.memory_space<vmem>>, vector<1000x256xf32>,
    return
  }
  func.func @transform_0(%arg0: i32) -> (i32, i32, i32, i32) {
    %c0_i32 = arith.constant 0 : i32
    %c0_i32_0 = arith.constant 0 : i32
    %c0_i32_1 = arith.constant 0 : i32
    %c0_i32_2 = arith.constant 0 : i32
    return %c0_i32, %c0_i32_0, %arg0, %c0_i32_1 : i32, i32, i32, i32
  }
  func.func @transform_1(%arg0: i32) -> (i32, i32) {
    %c0_i32 = arith.constant 0 : i32
    %c0_i32_0 = arith.constant 0 : i32
    return %arg0, %c0_i32 : i32, i32
  }
  func.func @transform_2(%arg0: i32) -> (i32, i32) {
    %c0_i32 = arith.constant 0 : i32
    %c0_i32_0 = arith.constant 0 : i32
    return %arg0, %c0_i32 : i32, i32
  }
  func.func @transform_3(%arg0: i32) -> (i32, i32) {
    %c0_i32 = arith.constant 0 : i32
    %c0_i32_0 = arith.constant 0 : i32
    return %arg0, %c0_i32 : i32, i32
  }
  func.func @transform_4(%arg0: i32) -> (i32, i32) {
    %c0_i32 = arith.constant 0 : i32
    %c0_i32_0 = arith.constant 0 : i32
    %c0_i32_1 = arith.constant 0 : i32
    return %c0_i32, %c0_i32_0 : i32, i32
  }
  func.func @transform_5(%arg0: i32) -> (i32, i32) {
    %c0_i32 = arith.constant 0 : i32
    %c0_i32_0 = arith.constant 0 : i32
    return %arg0, %c0_i32 : i32, i32
  }
}

</mosaic_0001>

<sc_bundles>
// kernel: kernel.6.cloned.1.call-start
scs
__scs_entry_jumppad:
0x0: {  	(pc) =	sbr.rel $0x88, $3  }
0x1: {  	(tag) =	ssettag $0x0;
	lr =	simm.s32 $0x1  }
0x2: {  	[smem:$0x3F9D] =	sst lr;
	_ =	strace $0xD0000000  }
0x3: {  	_ = 	snop  }
0x4: {  	_ = 	snop  }
0x5: {  	_ = 	snop  }
0x6: {  	_ = 	snop  }
0x7: {  	_ = 	snop  }
__scs_overlays_trampoline_lowered:
0x8: {  	[smem:$0x3FAC] =	sst s0  }
0x9: {  	[smem:$0x3FAD] =	sst s1  }
0xa: {  	[smem:$0x3FAE] =	sst s2  }
0xb: {  	[smem:$0x3FAF] =	sst s3  }
0xc: {  	[smem:$0x3FB0] =	sst s4  }
0xd: {  	[smem:$0x3FB1] =	sst s5  }
0xe: {  	[smem:$0x3FB2] =	sst s6  }
0xf: {  	[smem:$0x3FB3] =	sst s7  }
0x10: {  	[smem:$0x3FB4] =	sst s8  }
0x11: {  	[smem:$0x3FB5] =	sst s9;
	s0 =	simm.s32 @!p0 $0x0  }
0x12: {  	s1 =	sld [smem:$0x3F9B];
	s0 =	simm.s32 @p0 $0x1  }
0x13: {  	[smem:$0x3FB6] =	sst s0;
	s0 =	simm.s32 @!p1 $0x0  }
0x14: {  	s2 =	sld [smem:$0x3F9A];
	s0 =	simm.s32 @p1 $0x1  }
0x15: {  	[smem:$0x3FB7] =	sst s0;
	s0 =	simm.s32 @!p2 $0x0  }
0x16: {  	s3 =	sld [smem:$0x3FDB];
	s0 =	simm.s32 @p2 $0x1  }
0x17: {  	s4 =	simm.s32 $0x1BF5;
	[smem:$0x3FB9] =	sst s0  }
0x18: {  	s0 =	sld [smem:$0x3F9C];
	_ =	swait.ge [sflag:s4], $0x0  }
0x19: {  	s7 =	sld [smem:$0x3F9D]  }
0x1a: {  	s8 =	sadd.s32 $0xFFFFE003, lr  }
0x1b: {  	s9 =	sadd.s32 $0xFFFFFEF7, lr;
	s5 =	simm.s32 $0xFFFFFFFF;
	p2 =	slt.u32 s8, $0xFFFFF086  }
0x1c: {  	p1 =	slt.u32 s9, $0xF7A;
	s5 =	simm.s32 @!p2 $0x0  }
0x1d: {  	s5 =	simm.s32 @p1 $0x1;
	p0 =	seq.s32 s7, s2  }
0x1e: {  	s7 =	smul.u32 @!p0 $0xF7A, s2;
	p2 =	seq.s32 @!p0 s5, $0x0  }
0x1f: {  	s9 =	smul.u32 $0xF7A, s1;
	s8 =	simm.s32 @!p0 $0x1BF5;
	p2 =	por !p2, p0  }
0x20: {  	[sflag:s8] =	ssyncset.s32 @!p0 $0xFFFFF086;
	s6 =	sadd.s32 @!p0 s3, s7;
	s7 =	simm.s32 @!p0 $0x108  }
0x21: {  	s3 =	sadd.s32 s3, s9;
	s6 =	sadd.s32 @!p0 $0x88, s6;
	s7 =	simm.s32 @p2 $0x1082  }
0x22: {  	[simem:s7], [sflag:s8] =	dma.local @!p0 [hbm:s6], $0xF7A  }
0x23: {  	s9 =	sor.u32 $0xD0000000, s2;
	s6 =	simm.s32 $0x108;
	_ =	swait.ge @!p0 [sflag:s8], $0x0  }
0x24: {  	s3 =	sadd.s32 $0x88, s3;
	s6 =	simm.s32 @!p1 $0x1082;
	[sflag:s4] =	ssyncset.s32 $0xFFFFF086  }
0x25: {  	[simem:s6], [sflag:s4] =	dma.local [hbm:s3], $0xF7A  }
0x26: {  	[smem:$0x3F9D] =	sst s1;
	(tag) =	ssettag s2;
	_ =	strace s9  }
0x27: {  	s1 =	sld [smem:$0x3FAD]  }
0x28: {  	s2 =	sld [smem:$0x3FAE]  }
0x29: {  	s4 =	sld [smem:$0x3FB0]  }
0x2a: {  	p0 =	seq.s32 s5, $0x0;
	s5 =	sld [smem:$0x3FB1]  }
0x2b: {  	s6 =	sld [smem:$0x3FB2]  }
0x2c: {  	s7 =	sld [smem:$0x3FB3]  }
0x2d: {  	s3 =	simm.s32 $0x108;
	s8 =	sld [smem:$0x3FB4]  }
0x2e: {  	s3 =	simm.s32 @!p0 $0x1082;
	s9 =	sld [smem:$0x3FB5]  }
0x2f: {  	lr =	sadd.s32 s0, s3;
	s0 =	sld [smem:$0x3FAC]  }
0x30: {  	s3 =	sld [smem:$0x3FAF]  }
0x31: {  	[smem:$0x3FB8] =	sst s10  }
0x32: {  	s10 =	sld [smem:$0x3FB6];
	_ =	sdelay $0x3  }
0x33: {  	p0 =	seq.s32 s10, $0x1;
	s10 =	sld [smem:$0x3FB8];
	_ =	sdelay $0x3  }
0x34: {  	[smem:$0x3FB8] =	sst s10  }
0x35: {  	s10 =	sld [smem:$0x3FB7];
	_ =	sdelay $0x3  }
0x36: {  	p1 =	seq.s32 s10, $0x1;
	s10 =	sld [smem:$0x3FB8];
	_ =	sdelay $0x3  }
0x37: {  	[smem:$0x3FB8] =	sst s10  }
0x38: {  	s10 =	sld [smem:$0x3FB9]  }
0x39: {  	_ = 	snop;
	(pc) =	sbr.ind lr, $3  }
0x3a: {  	_ = 	snop  }
0x3b: {  	_ = 	snop  }
0x3c: {  	p2 =	seq.s32 s10, $0x1;
	s10 =	sld [smem:$0x3FB8]  }
0x3d: {  	_ =	shalt  }
0x3e: {  	_ =	shalt  }
0x3f: {  	_ =	shalt  }
0x40: {  	_ =	shalt  }
0x41: {  	_ =	shalt  }
0x42: {  	_ =	shalt  }
0x43: {  	_ =	shalt  }
0x44: {  	_ =	shalt  }
0x45: {  	_ =	shalt  }
0x46: {  	_ =	shalt  }
0x47: {  	_ =	shalt  }
0x48: {  	_ =	shalt  }
0x49: {  	_ =	shalt  }
0x4a: {  	_ =	shalt  }
0x4b: {  	_ =	shalt  }
0x4c: {  	_ =	shalt  }
0x4d: {  	_ =	shalt  }
0x4e: {  	_ =	shalt  }
0x4f: {  	_ =	shalt  }
0x50: {  	_ =	shalt  }
0x51: {  	_ =	shalt  }
0x52: {  	_ =	shalt  }
0x53: {  	_ =	shalt  }
0x54: {  	_ =	shalt  }
0x55: {  	_ =	shalt  }
0x56: {  	_ =	shalt  }
0x57: {  	_ =	shalt  }
0x58: {  	_ =	shalt  }
0x59: {  	_ =	shalt  }
0x5a: {  	_ =	shalt  }
0x5b: {  	_ =	shalt  }
0x5c: {  	_ =	shalt  }
0x5d: {  	_ =	shalt  }
0x5e: {  	_ =	shalt  }
0x5f: {  	_ =	shalt  }
0x60: {  	_ =	shalt  }
0x61: {  	_ =	shalt  }
0x62: {  	_ =	shalt  }
0x63: {  	_ =	shalt  }
0x64: {  	_ =	shalt  }
0x65: {  	_ =	shalt  }
0x66: {  	_ =	shalt  }
0x67: {  	_ =	shalt  }
0x68: {  	_ =	shalt  }
0x69: {  	_ =	shalt  }
0x6a: {  	_ =	shalt  }
0x6b: {  	_ =	shalt  }
0x6c: {  	_ =	shalt  }
0x6d: {  	_ =	shalt  }
0x6e: {  	_ =	shalt  }
0x6f: {  	_ =	shalt  }
0x70: {  	_ =	shalt  }
0x71: {  	_ =	shalt  }
0x72: {  	_ =	shalt  }
0x73: {  	_ =	shalt  }
0x74: {  	_ =	shalt  }
0x75: {  	_ =	shalt  }
0x76: {  	_ =	shalt  }
0x77: {  	_ =	shalt  }
0x78: {  	_ =	shalt  }
0x79: {  	_ =	shalt  }
0x7a: {  	_ =	shalt  }
0x7b: {  	_ =	shalt  }
0x7c: {  	_ =	shalt  }
0x7d: {  	_ =	shalt  }
0x7e: {  	_ =	shalt  }
0x7f: {  	_ =	shalt  }
0x80: {  	_ =	shalt  }
0x81: {  	_ =	shalt  }
0x82: {  	_ =	shalt  }
0x83: {  	_ =	shalt  }
0x84: {  	_ =	shalt  }
0x85: {  	_ =	shalt  }
0x86: {  	_ =	shalt  }
0x87: {  	_ =	shalt  }
.Lfunc_end0:
.L_simem_size_0:
called_computation_lowered:
.L_overlay_start_0:
0x88: {  	s2 =	sld [smem:$0x3FD9]  }
0x89: {  	s3 =	sld [smem:$0x3FFE];
	_ =	sdelay $0x1  }
0x8a: {  	s1 =	srdreg.scid  }
0x8b: {  	s0 =	sand.u32 $0x1, s1  }
0x8c: {  	s16 =	sshll.u32 s0, $0xA;
	s2 =	sadd.s32 s3, s2  }
0x8d: {  	s2 =	sadd.s32 s2, s16  }
0x8e: {  	[smem:$0x3FC4] =	sst s2  }
0x8f: {  	_ = 	snop  }
0x90: {  	(tm) =	ssettm $0x1  }
0x91: {  	s17 =	sld [smem:$0x3FFB];
	_ =	sdelay $0x3  }
0x92: {  	_ =	strace s17  }
0x93: {  	s2 =	sld [smem:$0x3FFC];
	_ =	sdelay $0x3  }
0x94: {  	_ =	strace s2  }
0x95: {  	s2 =	sld [smem:$0x3FFD];
	_ =	sdelay $0x3  }
0x96: {  	_ =	strace s2  }
0x97: {  	_ =	strace $0x8FFFFFFF  }
0x98: {  	s18 =	sld [smem:$0x3FDB];
	_ =	sdelay $0x1  }
0x99: {  	s19 =	simm.s32 $_scs_section_size  }
0x9a: {  	s4 =	simm.s32 $_size__tile_overlayer_lowered;
	s5 =	simm.s32 $_tile_overlayer_lowered  }
0x9b: {  	s22 =	simm.s32 $0x1BFF;
	s21 =	sshll.u32 s5, $0x1;
	s2 =	sadd.s32 s19, s18  }
0x9c: {  	s6 =	simm.s32 $0x0;
	s20 =	sshll.u32 s4, $0x1;
	s4 =	sadd.s32 s21, s2  }
0x9d: {  	[timem:s6], [sflag:s22] =	dma.local [hbm:s4], s20  }
0x9e: {  	_ =	swait.ge [sflag:s22], s20  }
0x9f: {  	s3 =	ssub.s32 $0x0, s20;
	[sflag:s22] =	ssyncset.done $0x0  }
0xa0: {  	[sflag:s22] =	ssyncadd.s32 s3;
	_ =	sdelay $0x1  }
0xa1: {  	s23 =	simm.s32 $0x1B8B  }
0xa2: {  	_ =	swait.ge [sflag:s23], $0x1  }
0xa3: {  	[sflag:s23] =	ssyncset.done $0x0  }
0xa4: {  	s25 =	simm.s32 $0x1B8E;
	s24 =	sld [smem:$0x3FFE];
	[sflag:s23] =	ssyncadd.s32 $0xFFFFFFFF  }
0xa5: {  	s26 =	simm.s32 $execute0_lowered;
	[smem:$0x3FD2] =	sst s25  }
0xa6: {  	s4 =	sshll.u32 s26, $0x1;
	_ =	strace $0x80000046;
	[dreg:$0x1] =	wrdreg $0xFFFFFFFF  }
0xa7: {  	s28 =	simm.s32 $_size_execute0_lowered;
	s2 =	sadd.s32 s2, s4;
	[dreg:$0x0] =	wrdreg $0x0  }
0xa8: {  	s4 =	sshll.u32 s28, $0x1;
	[dreg:$0x2] =	wrdreg s2  }
0xa9: {  	[dreg:$0x3] =	wrdreg s4  }
0xaa: {  	[dreg:$0x4] =	wrdreg $0xC0  }
0xab: {  	_ =	task [dreg:s6], $0x5FFFF  }
0xac: {  	[dreg:$0x1] =	wrdreg $0xFFFFFFFF  }
0xad: {  	[dreg:$0x0] =	wrdreg $0x60  }
0xae: {  	[dreg:$0x2] =	wrdreg s24  }
0xaf: {  	[dreg:$0x3] =	wrdreg $0xA8000  }
0xb0: {  	[dreg:$0x4] =	wrdreg $0x9  }
0xb1: {  	_ =	task.clear_ibuf [dreg:s6], $0x5FFFF;
	_ =	strace $0x90000046  }
0xb2: {  	s29 =	simm.s32 $0x9;
	_ =	strace $0x80000048  }
0xb3: {  	_ =	swait.ge [sflag:s29], $0x1  }
0xb4: {  	[sflag:s29] =	ssyncadd.s32 $0xFFFFFFFF  }
0xb5: {  	_ =	strace $0x90000048  }
0xb6: {  	_ =	sfence  }
0xb7: {  	s30 =	sld [smem:$0x0];
	_ =	sdelay $0x2  }
0xb8: {  	s31 =	sshll.u32 s1, $0xD;
	s1 =	sshrl.u32 s1, $0x2  }
0xb9: {  	s3 =	sand.u32 $0x4000, s31;
	s1 =	sadd.s32 s1, s30  }
0xba: {  	s0 =	sor.u32 s3, s0;
	s1 =	sshll.u32 s1, $0x11  }
0xbb: {  	s0 =	sor.u32 s1, s0  }
0xbc: {  	s0 =	sadd.s32 $0x8F2B, s0  }
0xbd: {  	[sflag:s0] =	ssyncadd.remote.s32 $0x1  }
0xbe: {  	_ =	sfence.sel $0xFFFF  }
0xbf: {  	[dreg:$0x0] =	wrdreg $0xFFFFFFFF;
	(pc) =	sbr.abs _section_cstart, $3  }
0xc0: {  	[dreg:$0x1] =	wrdreg $0xFFFFFFFF  }
0xc1: {  	_ =	task.clear_ibuf [dreg:s6], $0x2FFFF;
	_ =	strace $0x9FFFFFFF  }
0xc2: {  	(tm) =	ssettm $0x7FFFFFFF  }
0xc3: {  	_ =	shalt  }
tec
execute0_lowered:
.L_overlay_start_1:
0x0: {  	(tag) =	ssettag $0x1  }
0x1: {  	s0 =	srdreg.scid;
	s4 =	rddreg [dreg:$0x0]  }
0x2: {  	s7 =	stileid.u32;
	s2 =	rddreg [dreg:$0x1]  }
0x3: {  	s3 =	simm.s32 $0x0;
	s13 =	simm.s32 $0x2;
	s14 =	simm.s32 $0x6800  }
0x4: {  	s15 =	simm.s32 $0x80;
	s24 =	simm.s32 $0x5A80;
	s28 =	simm.s32 $0x5D80  }
0x5: {  	s29 =	simm.s32 $0x5E80;
	s30 =	simm.s32 $0x5F80;
	s31 =	simm.s32 $0x6080  }
0x6: {  	s12 =	simm.s32 $0x6280;
	s16 =	simm.s32 $0x6480;
	s17 =	simm.s32 $0x6580  }
0x7: {  	s18 =	simm.s32 $0x6680;
	s19 =	simm.s32 $0x6780;
	s20 =	simm.s32 $0x1  }
0x8: {  	s21 =	simm.s32 $0x0;
	s0 =	sand.u32 $0x1, s0;
	s6 =	smul.u32 $0x14000, s7  }
0x9: {  	[smem:$0x7FF] =	sst s3;
	s1 =	sshll.u32 s0, $0x4;
	s5 =	smul.u32 $0x140000, s0  }
0xa: {  	s0 =	ssub.s32 $0x2, s0;
	s1 =	sor.u32 s7, s1;
	s7 =	smul.u32 $0x50000, s7  }
0xb: {  	_ =	strace $0x80000047;
	s26 =	sshrl.u32 s0, $0x1;
	s1 =	smul.u32 $0x500, s1  }
0xc: {  	s5 =	sadd.s32 s6, s5;
	s0 =	ssub.s32 s0, s26;
	s26 =	simm.s32 $0x5C80  }
0xd: {  	s5 =	sshrl.u32 s5, $0x3;
	s25 =	sshrl.u32 s7, $0x2;
	s11 =	smax.u32 s0, $0x1  }
0xe: {  	s0 =	simm.s32 $0x6380;
	s1 =	sadd.s32 s1, s4;
	s10 =	sadd.s32 s5, s4  }
0xf: {  	s4 =	sadd.s32 s25, s2;
	s25 =	simm.s32 $0x5B80;
	s5 =	sadd.s32 $0xE00, s1  }
0x10: {  	s6 =	sadd.s32 $0x4000, s4;
	s7 =	sadd.s32 $0x8000, s4;
	s8 =	sadd.s32 $0xC000, s4  }
0x11: {  	v0 =	vimm.f32 $1.000000000e+00;
	v1 =	vimm.f32 $0.0e+00;
	s9 =	sadd.s32 $0x10000, s4;
	s10 =	sadd.s32 $0xAE00, s10;
	s1 =	simm.s32 $0x6180  }
.LBB2_1:
0x12: {  	s22 =	simm.s32 $0x0  }
.LBB2_2:
0x13: {  	p0 =	sne.s32 s22, $0xFE00  }
.Ltmp0:
0x14: {  	_ = 	snop;
	(pc) =	sbr.rel @p0 .LBB2_2-.Ltmp0, $3  }
0x15: {  	_ =	sdelay $0x1  }
0x16: {  	s23 =	sshra.s32 s22, $0x2  }
0x17: {  	s22 =	sadd.s32 $0x200, s22;
	[tilespmem:s23+$0x0] =	vst v0  }
0x18: {  	s22 =	simm.s32 $0x200;
	s23 =	simm.s32 $0x0  }
.LBB2_4:
0x19: {  	p0 =	sne.s32 s22, $0xFE00;
	[tilespmem:s23+$0x6800] =	vst v1;
	s23 =	smov.u32 s22;
	s22 =	sadd.s32 $0x200, s22  }
.Ltmp1:
0x1a: {  	(pc) =	sbr.rel @p0 .LBB2_4-.Ltmp1, $2  }
0x1b: {  	_ =	sdelay $0x2  }
0x1c: {  	s23 =	sshra.s32 s23, $0x2  }
0x1d: {  	[tilespmem:s23+$0x6800] =	vst v1;
	s22 =	simm.s32 $0x4000  }
0x1e: {  	[tilespmem:s22], [sflag:$0x2] =	stream.linear.gather [hbm4b:s5+s3], $0x2800, $0x38;
	[tilespmem:$0xD000] =	vst v63  }
0x1f: {  	_ =	swait.ge [sflag:s13], $0x2800  }
0x20: {  	[sflag:s13] =	ssyncset.done $0x0  }
0x21: {  	[sflag:s13] =	ssyncadd.s32 $0xFFFFD800  }
0x22: {  	[spmem:s4] =	stream.linear.scatter [tilespmem:s14], [sflag:$0x2], $0x4000, $0x38;
	[tilespmem:$0xD000] =	vst v63  }
0x23: {  	_ =	swait.ge [sflag:s13], $0x4000  }
0x24: {  	[sflag:s13] =	ssyncset.done $0x0  }
0x25: {  	[sflag:s13] =	ssyncadd.s32 $0xFFFFC000  }
0x26: {  	[spmem:s6] =	stream.linear.scatter [tilespmem:s14], [sflag:$0x2], $0x4000, $0x38;
	[tilespmem:$0xD000] =	vst v63  }
0x27: {  	_ =	swait.ge [sflag:s13], $0x4000  }
0x28: {  	[sflag:s13] =	ssyncset.done $0x0  }
0x29: {  	[sflag:s13] =	ssyncadd.s32 $0xFFFFC000  }
0x2a: {  	[spmem:s7] =	stream.linear.scatter [tilespmem:s14], [sflag:$0x2], $0x4000, $0x38;
	[tilespmem:$0xD000] =	vst v63  }
0x2b: {  	_ =	swait.ge [sflag:s13], $0x4000  }
0x2c: {  	[sflag:s13] =	ssyncset.done $0x0  }
0x2d: {  	[sflag:s13] =	ssyncadd.s32 $0xFFFFC000  }
0x2e: {  	[spmem:s8] =	stream.linear.scatter [tilespmem:s14], [sflag:$0x2], $0x4000, $0x38;
	[tilespmem:$0xD000] =	vst v63  }
0x2f: {  	_ =	swait.ge [sflag:s13], $0x4000  }
0x30: {  	[sflag:s13] =	ssyncset.done $0x0  }
0x31: {  	[sflag:s13] =	ssyncadd.s32 $0xFFFFC000  }
0x32: {  	[spmem:s9] =	stream.linear.scatter [tilespmem:s14], [sflag:$0x2], $0x4000, $0x38;
	[tilespmem:$0xD000] =	vst v63  }
0x33: {  	_ =	swait.ge [sflag:s13], $0x4000  }
0x34: {  	[sflag:s13] =	ssyncset.done $0x0  }
0x35: {  	[sflag:s13] =	ssyncadd.s32 $0xFFFFC000  }
0x36: {  	s23 =	simm.s32 $0x4080;
	[bflag:$0x0] =	sbarrier.arrive $0xFFFF  }
0x37: {  	[spmem:s2] =	stream.indirect.scatter.add.f32 [tilespmem:s3], [sflag:$0x1], $0x10, s23, s15, $0xb8;
	[tilespmem:$0xD000] =	vst v63  }
0x38: {  	s23 =	simm.s32 $0x4180  }
0x39: {  	[spmem:s2] =	stream.indirect.scatter.add.f32 [tilespmem:s3], [sflag:$0x1], $0x10, s23, s15, $0xb8;
	[tilespmem:$0xD000] =	vst v63  }
0x3a: {  	s23 =	simm.s32 $0x4280  }
0x3b: {  	[spmem:s2] =	stream.indirect.scatter.add.f32 [tilespmem:s3], [sflag:$0x1], $0x10, s23, s15, $0xb8;
	[tilespmem:$0xD000] =	vst v63  }
0x3c: {  	s23 =	simm.s32 $0x4380  }
0x3d: {  	[spmem:s2] =	stream.indirect.scatter.add.f32 [tilespmem:s3], [sflag:$0x1], $0x10, s23, s15, $0xb8;
	[tilespmem:$0xD000] =	vst v63  }
0x3e: {  	s23 =	simm.s32 $0x4480  }
0x3f: {  	[spmem:s2] =	stream.indirect.scatter.add.f32 [tilespmem:s3], [sflag:$0x1], $0x10, s23, s15, $0xb8;
	[tilespmem:$0xD000] =	vst v63  }
0x40: {  	s23 =	simm.s32 $0x4580  }
0x41: {  	[spmem:s2] =	stream.indirect.scatter.add.f32 [tilespmem:s3], [sflag:$0x1], $0x10, s23, s15, $0xb8;
	[tilespmem:$0xD000] =	vst v63  }
0x42: {  	s23 =	simm.s32 $0x4680  }
0x43: {  	[spmem:s2] =	stream.indirect.scatter.add.f32 [tilespmem:s3], [sflag:$0x1], $0x10, s23, s15, $0xb8;
	[tilespmem:$0xD000] =	vst v63  }
0x44: {  	s23 =	simm.s32 $0x4780  }
0x45: {  	[spmem:s2] =	stream.indirect.scatter.add.f32 [tilespmem:s3], [sflag:$0x1], $0x10, s23, s15, $0xb8;
	[tilespmem:$0xD000] =	vst v63  }
0x46: {  	s23 =	simm.s32 $0x4880  }
0x47: {  	[spmem:s2] =	stream.indirect.scatter.add.f32 [tilespmem:s3], [sflag:$0x1], $0x10, s23, s15, $0xb8;
	[tilespmem:$0xD000] =	vst v63  }
0x48: {  	s23 =	simm.s32 $0x4980  }
0x49: {  	[spmem:s2] =	stream.indirect.scatter.add.f32 [tilespmem:s3], [sflag:$0x1], $0x10, s23, s15, $0xb8;
	[tilespmem:$0xD000] =	vst v63  }
0x4a: {  	s23 =	simm.s32 $0x4A80  }
0x4b: {  	[spmem:s2] =	stream.indirect.scatter.add.f32 [tilespmem:s3], [sflag:$0x1], $0x10, s23, s15, $0xb8;
	[tilespmem:$0xD000] =	vst v63  }
0x4c: {  	s23 =	simm.s32 $0x4B80  }
0x4d: {  	[spmem:s2] =	stream.indirect.scatter.add.f32 [tilespmem:s3], [sflag:$0x1], $0x10, s23, s15, $0xb8;
	[tilespmem:$0xD000] =	vst v63  }
0x4e: {  	s23 =	simm.s32 $0x4C80  }
0x4f: {  	[spmem:s2] =	stream.indirect.scatter.add.f32 [tilespmem:s3], [sflag:$0x1], $0x10, s23, s15, $0xb8;
	[tilespmem:$0xD000] =	vst v63  }
0x50: {  	s23 =	simm.s32 $0x4D80  }
0x51: {  	[spmem:s2] =	stream.indirect.scatter.add.f32 [tilespmem:s3], [sflag:$0x1], $0x10, s23, s15, $0xb8;
	[tilespmem:$0xD000] =	vst v63  }
0x52: {  	s23 =	simm.s32 $0x4E80  }
0x53: {  	[spmem:s2] =	stream.indirect.scatter.add.f32 [tilespmem:s3], [sflag:$0x1], $0x10, s23, s15, $0xb8;
	[tilespmem:$0xD000] =	vst v63  }
0x54: {  	s23 =	simm.s32 $0x4F80  }
0x55: {  	[spmem:s2] =	stream.indirect.scatter.add.f32 [tilespmem:s3], [sflag:$0x1], $0x10, s23, s15, $0xb8;
	[tilespmem:$0xD000] =	vst v63  }
0x56: {  	s23 =	simm.s32 $0x5080  }
0x57: {  	[spmem:s2] =	stream.indirect.scatter.add.f32 [tilespmem:s3], [sflag:$0x1], $0x10, s23, s15, $0xb8;
	[tilespmem:$0xD000] =	vst v63  }
0x58: {  	s23 =	simm.s32 $0x5180  }
0x59: {  	[spmem:s2] =	stream.indirect.scatter.add.f32 [tilespmem:s3], [sflag:$0x1], $0x10, s23, s15, $0xb8;
	[tilespmem:$0xD000] =	vst v63  }
0x5a: {  	s23 =	simm.s32 $0x5280  }
0x5b: {  	[spmem:s2] =	stream.indirect.scatter.add.f32 [tilespmem:s3], [sflag:$0x1], $0x10, s23, s15, $0xb8;
	[tilespmem:$0xD000] =	vst v63  }
0x5c: {  	s23 =	simm.s32 $0x5380  }
0x5d: {  	[spmem:s2] =	stream.indirect.scatter.add.f32 [tilespmem:s3], [sflag:$0x1], $0x10, s23, s15, $0xb8;
	[tilespmem:$0xD000] =	vst v63  }
0x5e: {  	s23 =	simm.s32 $0x5480  }
0x5f: {  	[spmem:s2] =	stream.indirect.scatter.add.f32 [tilespmem:s3], [sflag:$0x1], $0x10, s23, s15, $0xb8;
	[tilespmem:$0xD000] =	vst v63  }
0x60: {  	s23 =	simm.s32 $0x5580  }
0x61: {  	[spmem:s2] =	stream.indirect.scatter.add.f32 [tilespmem:s3], [sflag:$0x1], $0x10, s23, s15, $0xb8;
	[tilespmem:$0xD000] =	vst v63  }
0x62: {  	s23 =	simm.s32 $0x5680  }
0x63: {  	[spmem:s2] =	stream.indirect.scatter.add.f32 [tilespmem:s3], [sflag:$0x1], $0x10, s23, s15, $0xb8;
	[tilespmem:$0xD000] =	vst v63  }
0x64: {  	s23 =	simm.s32 $0x5780  }
0x65: {  	[spmem:s2] =	stream.indirect.scatter.add.f32 [tilespmem:s3], [sflag:$0x1], $0x10, s23, s15, $0xb8;
	[tilespmem:$0xD000] =	vst v63  }
0x66: {  	s23 =	simm.s32 $0x5880  }
0x67: {  	[spmem:s2] =	stream.indirect.scatter.add.f32 [tilespmem:s3], [sflag:$0x1], $0x10, s23, s15, $0xb8;
	[tilespmem:$0xD000] =	vst v63  }
0x68: {  	s23 =	simm.s32 $0x5980  }
0x69: {  	[spmem:s2] =	stream.indirect.scatter.add.f32 [tilespmem:s3], [sflag:$0x1], $0x10, s23, s15, $0xb8;
	[tilespmem:$0xD000] =	vst v63  }
0x6a: {  	_ = 	snop  }
0x6b: {  	[spmem:s2] =	stream.indirect.scatter.add.f32 [tilespmem:s3], [sflag:$0x1], $0x10, s24, s15, $0xb8;
	[tilespmem:$0xD000] =	vst v63  }
0x6c: {  	_ = 	snop  }
0x6d: {  	[spmem:s2] =	stream.indirect.scatter.add.f32 [tilespmem:s3], [sflag:$0x1], $0x10, s25, s15, $0xb8;
	[tilespmem:$0xD000] =	vst v63  }
0x6e: {  	_ = 	snop  }
0x6f: {  	[spmem:s2] =	stream.indirect.scatter.add.f32 [tilespmem:s3], [sflag:$0x1], $0x10, s26, s15, $0xb8;
	[tilespmem:$0xD000] =	vst v63  }
0x70: {  	_ = 	snop  }
0x71: {  	[spmem:s2] =	stream.indirect.scatter.add.f32 [tilespmem:s3], [sflag:$0x1], $0x10, s28, s15, $0xb8;
	[tilespmem:$0xD000] =	vst v63  }
0x72: {  	_ = 	snop  }
0x73: {  	[spmem:s2] =	stream.indirect.scatter.add.f32 [tilespmem:s3], [sflag:$0x1], $0x10, s29, s15, $0xb8;
	[tilespmem:$0xD000] =	vst v63  }
0x74: {  	_ = 	snop  }
0x75: {  	[spmem:s2] =	stream.indirect.scatter.add.f32 [tilespmem:s3], [sflag:$0x1], $0x10, s30, s15, $0xb8;
	[tilespmem:$0xD000] =	vst v63  }
0x76: {  	_ = 	snop  }
0x77: {  	[spmem:s2] =	stream.indirect.scatter.add.f32 [tilespmem:s3], [sflag:$0x1], $0x10, s31, s15, $0xb8;
	[tilespmem:$0xD000] =	vst v63  }
0x78: {  	_ = 	snop  }
0x79: {  	[spmem:s2] =	stream.indirect.scatter.add.f32 [tilespmem:s3], [sflag:$0x1], $0x10, s1, s15, $0xb8;
	[tilespmem:$0xD000] =	vst v63  }
0x7a: {  	_ = 	snop  }
0x7b: {  	[spmem:s2] =	stream.indirect.scatter.add.f32 [tilespmem:s3], [sflag:$0x1], $0x10, s12, s15, $0xb8;
	[tilespmem:$0xD000] =	vst v63  }
0x7c: {  	_ = 	snop  }
0x7d: {  	[spmem:s2] =	stream.indirect.scatter.add.f32 [tilespmem:s3], [sflag:$0x1], $0x10, s0, s15, $0xb8;
	[tilespmem:$0xD000] =	vst v63  }
0x7e: {  	_ = 	snop  }
0x7f: {  	[spmem:s2] =	stream.indirect.scatter.add.f32 [tilespmem:s3], [sflag:$0x1], $0x10, s16, s15, $0xb8;
	[tilespmem:$0xD000] =	vst v63  }
0x80: {  	_ = 	snop  }
0x81: {  	[spmem:s2] =	stream.indirect.scatter.add.f32 [tilespmem:s3], [sflag:$0x1], $0x10, s17, s15, $0xb8;
	[tilespmem:$0xD000] =	vst v63  }
0x82: {  	_ = 	snop  }
0x83: {  	[spmem:s2] =	stream.indirect.scatter.add.f32 [tilespmem:s3], [sflag:$0x1], $0x10, s18, s15, $0xb8;
	[tilespmem:$0xD000] =	vst v63  }
0x84: {  	_ = 	snop  }
0x85: {  	[spmem:s2] =	stream.indirect.scatter.add.f32 [tilespmem:s3], [sflag:$0x1], $0x10, s19, s15, $0xb8;
	[tilespmem:$0xD000] =	vst v63  }
0x86: {  	_ =	swait.ge [sflag:s20], $0x800  }
0x87: {  	[sflag:s20] =	ssyncset.done $0x0  }
0x88: {  	[sflag:s20] =	ssyncadd.s32 $0xFFFFF800  }
0x89: {  	_ =	swait.ge [sflag:s20], $0x800  }
0x8a: {  	[sflag:s20] =	ssyncset.done $0x0  }
0x8b: {  	[sflag:s20] =	ssyncadd.s32 $0xFFFFF800  }
0x8c: {  	_ =	swait.ge [sflag:s20], $0x800  }
0x8d: {  	[sflag:s20] =	ssyncset.done $0x0  }
0x8e: {  	[sflag:s20] =	ssyncadd.s32 $0xFFFFF800  }
0x8f: {  	_ =	swait.ge [sflag:s20], $0x800  }
0x90: {  	[sflag:s20] =	ssyncset.done $0x0  }
0x91: {  	[sflag:s20] =	ssyncadd.s32 $0xFFFFF800  }
0x92: {  	_ =	swait.ge [sflag:s20], $0x800  }
0x93: {  	[sflag:s20] =	ssyncset.done $0x0  }
0x94: {  	[sflag:s20] =	ssyncadd.s32 $0xFFFFF800  }
0x95: {  	_ =	swait.ge [sflag:s20], $0x800  }
0x96: {  	[sflag:s20] =	ssyncset.done $0x0  }
0x97: {  	[sflag:s20] =	ssyncadd.s32 $0xFFFFF800  }
0x98: {  	_ =	swait.ge [sflag:s20], $0x800  }
0x99: {  	[sflag:s20] =	ssyncset.done $0x0  }
0x9a: {  	[sflag:s20] =	ssyncadd.s32 $0xFFFFF800  }
0x9b: {  	_ =	swait.ge [sflag:s20], $0x800  }
0x9c: {  	[sflag:s20] =	ssyncset.done $0x0  }
0x9d: {  	[sflag:s20] =	ssyncadd.s32 $0xFFFFF800  }
0x9e: {  	_ =	swait.ge [sflag:s20], $0x800  }
0x9f: {  	[sflag:s20] =	ssyncset.done $0x0  }
0xa0: {  	[sflag:s20] =	ssyncadd.s32 $0xFFFFF800  }
0xa1: {  	_ =	swait.ge [sflag:s20], $0x800  }
0xa2: {  	[sflag:s20] =	ssyncset.done $0x0  }
0xa3: {  	[sflag:s20] =	ssyncadd.s32 $0xFFFFF800  }
0xa4: {  	_ =	swait.ge [sflag:s20], $0x800  }
0xa5: {  	[sflag:s20] =	ssyncset.done $0x0  }
0xa6: {  	[sflag:s20] =	ssyncadd.s32 $0xFFFFF800  }
0xa7: {  	_ =	swait.ge [sflag:s20], $0x800  }
0xa8: {  	[sflag:s20] =	ssyncset.done $0x0  }
0xa9: {  	[sflag:s20] =	ssyncadd.s32 $0xFFFFF800  }
0xaa: {  	_ =	swait.ge [sflag:s20], $0x800  }
0xab: {  	[sflag:s20] =	ssyncset.done $0x0  }
0xac: {  	[sflag:s20] =	ssyncadd.s32 $0xFFFFF800  }
0xad: {  	_ =	swait.ge [sflag:s20], $0x800  }
0xae: {  	[sflag:s20] =	ssyncset.done $0x0  }
0xaf: {  	[sflag:s20] =	ssyncadd.s32 $0xFFFFF800  }
0xb0: {  	_ =	swait.ge [sflag:s20], $0x800  }
0xb1: {  	[sflag:s20] =	ssyncset.done $0x0  }
0xb2: {  	[sflag:s20] =	ssyncadd.s32 $0xFFFFF800  }
0xb3: {  	_ =	swait.ge [sflag:s20], $0x800  }
0xb4: {  	[sflag:s20] =	ssyncset.done $0x0  }
0xb5: {  	[sflag:s20] =	ssyncadd.s32 $0xFFFFF800  }
0xb6: {  	_ =	swait.ge [sflag:s20], $0x800  }
0xb7: {  	[sflag:s20] =	ssyncset.done $0x0  }
0xb8: {  	[sflag:s20] =	ssyncadd.s32 $0xFFFFF800  }
0xb9: {  	_ =	swait.ge [sflag:s20], $0x800  }
0xba: {  	[sflag:s20] =	ssyncset.done $0x0  }
0xbb: {  	[sflag:s20] =	ssyncadd.s32 $0xFFFFF800  }
0xbc: {  	_ =	swait.ge [sflag:s20], $0x800  }
0xbd: {  	[sflag:s20] =	ssyncset.done $0x0  }
0xbe: {  	[sflag:s20] =	ssyncadd.s32 $0xFFFFF800  }
0xbf: {  	_ =	swait.ge [sflag:s20], $0x800  }
0xc0: {  	[sflag:s20] =	ssyncset.done $0x0  }
0xc1: {  	[sflag:s20] =	ssyncadd.s32 $0xFFFFF800  }
0xc2: {  	_ =	swait.ge [sflag:s20], $0x800  }
0xc3: {  	[sflag:s20] =	ssyncset.done $0x0  }
0xc4: {  	[sflag:s20] =	ssyncadd.s32 $0xFFFFF800  }
0xc5: {  	_ =	swait.ge [sflag:s20], $0x800  }
0xc6: {  	[sflag:s20] =	ssyncset.done $0x0  }
0xc7: {  	[sflag:s20] =	ssyncadd.s32 $0xFFFFF800  }
0xc8: {  	_ =	swait.ge [sflag:s20], $0x800  }
0xc9: {  	[sflag:s20] =	ssyncset.done $0x0  }
0xca: {  	[sflag:s20] =	ssyncadd.s32 $0xFFFFF800  }
0xcb: {  	_ =	swait.ge [sflag:s20], $0x800  }
0xcc: {  	[sflag:s20] =	ssyncset.done $0x0  }
0xcd: {  	[sflag:s20] =	ssyncadd.s32 $0xFFFFF800  }
0xce: {  	_ =	swait.ge [sflag:s20], $0x800  }
0xcf: {  	[sflag:s20] =	ssyncset.done $0x0  }
0xd0: {  	[sflag:s20] =	ssyncadd.s32 $0xFFFFF800  }
0xd1: {  	_ =	swait.ge [sflag:s20], $0x800  }
0xd2: {  	[sflag:s20] =	ssyncset.done $0x0  }
0xd3: {  	[sflag:s20] =	ssyncadd.s32 $0xFFFFF800  }
0xd4: {  	_ =	swait.ge [sflag:s20], $0x800  }
0xd5: {  	[sflag:s20] =	ssyncset.done $0x0  }
0xd6: {  	[sflag:s20] =	ssyncadd.s32 $0xFFFFF800  }
0xd7: {  	_ =	swait.ge [sflag:s20], $0x800  }
0xd8: {  	[sflag:s20] =	ssyncset.done $0x0  }
0xd9: {  	[sflag:s20] =	ssyncadd.s32 $0xFFFFF800  }
0xda: {  	_ =	swait.ge [sflag:s20], $0x800  }
0xdb: {  	[sflag:s20] =	ssyncset.done $0x0  }
0xdc: {  	[sflag:s20] =	ssyncadd.s32 $0xFFFFF800  }
0xdd: {  	_ =	swait.ge [sflag:s20], $0x800  }
0xde: {  	[sflag:s20] =	ssyncset.done $0x0  }
0xdf: {  	[sflag:s20] =	ssyncadd.s32 $0xFFFFF800  }
0xe0: {  	_ =	swait.ge [sflag:s20], $0x800  }
0xe1: {  	[sflag:s20] =	ssyncset.done $0x0  }
0xe2: {  	[sflag:s20] =	ssyncadd.s32 $0xFFFFF800  }
0xe3: {  	_ =	swait.ge [sflag:s20], $0x800  }
0xe4: {  	[sflag:s20] =	ssyncset.done $0x0  }
0xe5: {  	[sflag:s20] =	ssyncadd.s32 $0xFFFFF800  }
0xe6: {  	_ =	swait.ge [sflag:s20], $0x800  }
0xe7: {  	[sflag:s20] =	ssyncset.done $0x0  }
0xe8: {  	[sflag:s20] =	ssyncadd.s32 $0xFFFFF800  }
0xe9: {  	_ =	swait.ge [sflag:s20], $0x800  }
0xea: {  	[sflag:s20] =	ssyncset.done $0x0  }
0xeb: {  	[sflag:s20] =	ssyncadd.s32 $0xFFFFF800  }
0xec: {  	_ =	swait.ge [sflag:s20], $0x800  }
0xed: {  	[sflag:s20] =	ssyncset.done $0x0  }
0xee: {  	[sflag:s20] =	ssyncadd.s32 $0xFFFFF800  }
0xef: {  	_ =	swait.ge [sflag:s20], $0x800  }
0xf0: {  	[sflag:s20] =	ssyncset.done $0x0  }
0xf1: {  	[sflag:s20] =	ssyncadd.s32 $0xFFFFF800  }
0xf2: {  	_ =	swait.ge [sflag:s20], $0x800  }
0xf3: {  	[sflag:s20] =	ssyncset.done $0x0  }
0xf4: {  	[sflag:s20] =	ssyncadd.s32 $0xFFFFF800  }
0xf5: {  	_ =	swait.ge [sflag:s20], $0x800  }
0xf6: {  	[sflag:s20] =	ssyncset.done $0x0  }
0xf7: {  	[sflag:s20] =	ssyncadd.s32 $0xFFFFF800  }
0xf8: {  	_ =	swait.ge [sflag:s20], $0x800  }
0xf9: {  	[sflag:s20] =	ssyncset.done $0x0  }
0xfa: {  	[sflag:s20] =	ssyncadd.s32 $0xFFFFF800  }
0xfb: {  	s21 =	sadd.s32 $0x1, s21;
	_ =	swait.ge [sflag:s20], $0x800  }
0xfc: {  	p0 =	sne.s32 s21, s11;
	s23 =	stileid.u32;
	[sflag:s20] =	ssyncset.done $0x0  }
0xfd: {  	s22 =	sshll.u32 s23, $0x6;
	s23 =	sshrl.u32 s4, $0x3;
	[sflag:s20] =	ssyncadd.s32 $0xFFFFF800  }
.Ltmp2:
0xfe: {  	s22 =	sor.u32 $0x1C02, s22;
	[bflag:$0x0] =	sbarrier.arrive $0xFFFF;
	(pc) =	sbr.rel @p0 .LBB2_1-.Ltmp2, $4  }
0xff: {  	[hbm:s10], [sflag:s22] =	dma.local [spmem:s23], $0x2800  }
0x100: {  	_ =	swait.ge [sflag:s13], $0x2800  }
0x101: {  	[sflag:s13] =	ssyncset.done $0x0  }
0x102: {  	[sflag:s13] =	ssyncadd.s32 $0xFFFFD800  }
0x103: {  	_ =	sfence.sel $0x180000  }
0x104: {  	[bflag:$0x0] =	sbarrier.arrive $0xFFFF  }
0x105: {  	_ =	strace $0x90000047  }
0x106: {  	s0 =	stileid.u32;
	[bflag:$0x2] =	sbarrier.arrive $0xFFFF  }
0x107: {  	p0 =	sne.s32 s0, $0x0;
	s0 =	rddreg [dreg:$0x2]  }
0x108: {  	s0 =	sadd.s32 @!p0 $0x100000, s0  }
0x109: {  	[sflag:s0] =	ssyncadd.tile.s32 @!p0 $0x1;
	_ =	shalt  }
.Lfunc_end2:
_tile_overlayer_lowered:
.L_overlay_start_2:
0x10a: {  	(tag) =	ssettag $0x2  }
0x10b: {  	s0 =	rddreg [dreg:$0x0];
	s2 =	stileid.u32  }
0x10c: {  	s1 =	rddreg [dreg:$0x1];
	p0 =	sne.s32 s2, $0x0  }
0x10d: {  	s3 =	rddreg [dreg:$0x2];
	[bflag:$0x3] =	sbarrier.arrive $0xFFFF;
	s2 =	simm.s32 @!p0 $0x1C02  }
0x10e: {  	[timem:s3], [sflag:s2] =	dma.local @!p0 [hbm:s0], s1  }
0x10f: {  	s0 =	simm.s32 @!p0 $0x2  }
0x110: {  	_ =	swait.ge @!p0 [sflag:s0], s1  }
0x111: {  	s1 =	ssub.s32 @!p0 $0x0, s1;
	[sflag:s0] =	ssyncset.done @!p0 $0x0  }
0x112: {  	[sflag:s0] =	ssyncadd.s32 @!p0 s1  }
0x113: {  	[bflag:$0x3] =	sbarrier.arrive $0xFFFF  }
0x114: {  	_ =	shalt  }

// kernel: kernel.9.cloned.1.call-start
scs
__scs_entry_jumppad:
0x0: {  	(pc) =	sbr.rel $0x88, $3  }
0x1: {  	(tag) =	ssettag $0x0;
	lr =	simm.s32 $0x1  }
0x2: {  	[smem:$0x3F9D] =	sst lr;
	_ =	strace $0xD0000000  }
0x3: {  	_ = 	snop  }
0x4: {  	_ = 	snop  }
0x5: {  	_ = 	snop  }
0x6: {  	_ = 	snop  }
0x7: {  	_ = 	snop  }
__scs_overlays_trampoline_lowered:
0x8: {  	[smem:$0x3FAC] =	sst s0  }
0x9: {  	[smem:$0x3FAD] =	sst s1  }
0xa: {  	[smem:$0x3FAE] =	sst s2  }
0xb: {  	[smem:$0x3FAF] =	sst s3  }
0xc: {  	[smem:$0x3FB0] =	sst s4  }
0xd: {  	[smem:$0x3FB1] =	sst s5  }
0xe: {  	[smem:$0x3FB2] =	sst s6  }
0xf: {  	[smem:$0x3FB3] =	sst s7  }
0x10: {  	[smem:$0x3FB4] =	sst s8  }
0x11: {  	[smem:$0x3FB5] =	sst s9;
	s0 =	simm.s32 @!p0 $0x0  }
0x12: {  	s1 =	sld [smem:$0x3F9B];
	s0 =	simm.s32 @p0 $0x1  }
0x13: {  	[smem:$0x3FB6] =	sst s0;
	s0 =	simm.s32 @!p1 $0x0  }
0x14: {  	s2 =	sld [smem:$0x3F9A];
	s0 =	simm.s32 @p1 $0x1  }
0x15: {  	[smem:$0x3FB7] =	sst s0;
	s0 =	simm.s32 @!p2 $0x0  }
0x16: {  	s3 =	sld [smem:$0x3FDB];
	s0 =	simm.s32 @p2 $0x1  }
0x17: {  	s4 =	simm.s32 $0x1BF5;
	[smem:$0x3FB9] =	sst s0  }
0x18: {  	s0 =	sld [smem:$0x3F9C];
	_ =	swait.ge [sflag:s4], $0x0  }
0x19: {  	s7 =	sld [smem:$0x3F9D]  }
0x1a: {  	s8 =	sadd.s32 $0xFFFFE003, lr  }
0x1b: {  	s9 =	sadd.s32 $0xFFFFFEF7, lr;
	s5 =	simm.s32 $0xFFFFFFFF;
	p2 =	slt.u32 s8, $0xFFFFF086  }
0x1c: {  	p1 =	slt.u32 s9, $0xF7A;
	s5 =	simm.s32 @!p2 $0x0  }
0x1d: {  	s5 =	simm.s32 @p1 $0x1;
	p0 =	seq.s32 s7, s2  }
0x1e: {  	s7 =	smul.u32 @!p0 $0xF7A, s2;
	p2 =	seq.s32 @!p0 s5, $0x0  }
0x1f: {  	s9 =	smul.u32 $0xF7A, s1;
	s8 =	simm.s32 @!p0 $0x1BF5;
	p2 =	por !p2, p0  }
0x20: {  	[sflag:s8] =	ssyncset.s32 @!p0 $0xFFFFF086;
	s6 =	sadd.s32 @!p0 s3, s7;
	s7 =	simm.s32 @!p0 $0x108  }
0x21: {  	s3 =	sadd.s32 s3, s9;
	s6 =	sadd.s32 @!p0 $0x88, s6;
	s7 =	simm.s32 @p2 $0x1082  }
0x22: {  	[simem:s7], [sflag:s8] =	dma.local @!p0 [hbm:s6], $0xF7A  }
0x23: {  	s9 =	sor.u32 $0xD0000000, s2;
	s6 =	simm.s32 $0x108;
	_ =	swait.ge @!p0 [sflag:s8], $0x0  }
0x24: {  	s3 =	sadd.s32 $0x88, s3;
	s6 =	simm.s32 @!p1 $0x1082;
	[sflag:s4] =	ssyncset.s32 $0xFFFFF086  }
0x25: {  	[simem:s6], [sflag:s4] =	dma.local [hbm:s3], $0xF7A  }
0x26: {  	[smem:$0x3F9D] =	sst s1;
	(tag) =	ssettag s2;
	_ =	strace s9  }
0x27: {  	s1 =	sld [smem:$0x3FAD]  }
0x28: {  	s2 =	sld [smem:$0x3FAE]  }
0x29: {  	s4 =	sld [smem:$0x3FB0]  }
0x2a: {  	p0 =	seq.s32 s5, $0x0;
	s5 =	sld [smem:$0x3FB1]  }
0x2b: {  	s6 =	sld [smem:$0x3FB2]  }
0x2c: {  	s7 =	sld [smem:$0x3FB3]  }
0x2d: {  	s3 =	simm.s32 $0x108;
	s8 =	sld [smem:$0x3FB4]  }
0x2e: {  	s3 =	simm.s32 @!p0 $0x1082;
	s9 =	sld [smem:$0x3FB5]  }
0x2f: {  	lr =	sadd.s32 s0, s3;
	s0 =	sld [smem:$0x3FAC]  }
0x30: {  	s3 =	sld [smem:$0x3FAF]  }
0x31: {  	[smem:$0x3FB8] =	sst s10  }
0x32: {  	s10 =	sld [smem:$0x3FB6];
	_ =	sdelay $0x3  }
0x33: {  	p0 =	seq.s32 s10, $0x1;
	s10 =	sld [smem:$0x3FB8];
	_ =	sdelay $0x3  }
0x34: {  	[smem:$0x3FB8] =	sst s10  }
0x35: {  	s10 =	sld [smem:$0x3FB7];
	_ =	sdelay $0x3  }
0x36: {  	p1 =	seq.s32 s10, $0x1;
	s10 =	sld [smem:$0x3FB8];
	_ =	sdelay $0x3  }
0x37: {  	[smem:$0x3FB8] =	sst s10  }
0x38: {  	s10 =	sld [smem:$0x3FB9]  }
0x39: {  	_ = 	snop;
	(pc) =	sbr.ind lr, $3  }
0x3a: {  	_ = 	snop  }
0x3b: {  	_ = 	snop  }
0x3c: {  	p2 =	seq.s32 s10, $0x1;
	s10 =	sld [smem:$0x3FB8]  }
0x3d: {  	_ =	shalt  }
0x3e: {  	_ =	shalt  }
0x3f: {  	_ =	shalt  }
0x40: {  	_ =	shalt  }
0x41: {  	_ =	shalt  }
0x42: {  	_ =	shalt  }
0x43: {  	_ =	shalt  }
0x44: {  	_ =	shalt  }
0x45: {  	_ =	shalt  }
0x46: {  	_ =	shalt  }
0x47: {  	_ =	shalt  }
0x48: {  	_ =	shalt  }
0x49: {  	_ =	shalt  }
0x4a: {  	_ =	shalt  }
0x4b: {  	_ =	shalt  }
0x4c: {  	_ =	shalt  }
0x4d: {  	_ =	shalt  }
0x4e: {  	_ =	shalt  }
0x4f: {  	_ =	shalt  }
0x50: {  	_ =	shalt  }
0x51: {  	_ =	shalt  }
0x52: {  	_ =	shalt  }
0x53: {  	_ =	shalt  }
0x54: {  	_ =	shalt  }
0x55: {  	_ =	shalt  }
0x56: {  	_ =	shalt  }
0x57: {  	_ =	shalt  }
0x58: {  	_ =	shalt  }
0x59: {  	_ =	shalt  }
0x5a: {  	_ =	shalt  }
0x5b: {  	_ =	shalt  }
0x5c: {  	_ =	shalt  }
0x5d: {  	_ =	shalt  }
0x5e: {  	_ =	shalt  }
0x5f: {  	_ =	shalt  }
0x60: {  	_ =	shalt  }
0x61: {  	_ =	shalt  }
0x62: {  	_ =	shalt  }
0x63: {  	_ =	shalt  }
0x64: {  	_ =	shalt  }
0x65: {  	_ =	shalt  }
0x66: {  	_ =	shalt  }
0x67: {  	_ =	shalt  }
0x68: {  	_ =	shalt  }
0x69: {  	_ =	shalt  }
0x6a: {  	_ =	shalt  }
0x6b: {  	_ =	shalt  }
0x6c: {  	_ =	shalt  }
0x6d: {  	_ =	shalt  }
0x6e: {  	_ =	shalt  }
0x6f: {  	_ =	shalt  }
0x70: {  	_ =	shalt  }
0x71: {  	_ =	shalt  }
0x72: {  	_ =	shalt  }
0x73: {  	_ =	shalt  }
0x74: {  	_ =	shalt  }
0x75: {  	_ =	shalt  }
0x76: {  	_ =	shalt  }
0x77: {  	_ =	shalt  }
0x78: {  	_ =	shalt  }
0x79: {  	_ =	shalt  }
0x7a: {  	_ =	shalt  }
0x7b: {  	_ =	shalt  }
0x7c: {  	_ =	shalt  }
0x7d: {  	_ =	shalt  }
0x7e: {  	_ =	shalt  }
0x7f: {  	_ =	shalt  }
0x80: {  	_ =	shalt  }
0x81: {  	_ =	shalt  }
0x82: {  	_ =	shalt  }
0x83: {  	_ =	shalt  }
0x84: {  	_ =	shalt  }
0x85: {  	_ =	shalt  }
0x86: {  	_ =	shalt  }
0x87: {  	_ =	shalt  }
.Lfunc_end0:
.L_simem_size_0:
called_computation.1_lowered:
.L_overlay_start_0:
0x88: {  	s2 =	sld [smem:$0x3FD9]  }
0x89: {  	s3 =	sld [smem:$0x3FFE];
	_ =	sdelay $0x1  }
0x8a: {  	s1 =	srdreg.scid  }
0x8b: {  	s0 =	sand.u32 $0x1, s1  }
0x8c: {  	s17 =	sshll.u32 s0, $0xA;
	s2 =	sadd.s32 s3, s2  }
0x8d: {  	s2 =	sadd.s32 s2, s17  }
0x8e: {  	[smem:$0x3FC4] =	sst s2  }
0x8f: {  	_ = 	snop  }
0x90: {  	s2 =	sld [smem:$0x3FD0];
	(tm) =	ssettm $0x1  }
0x91: {  	s18 =	sld [smem:$0x3FFB];
	_ =	sdelay $0x3  }
0x92: {  	_ =	strace s18  }
0x93: {  	s3 =	sld [smem:$0x3FFC];
	_ =	sdelay $0x3  }
0x94: {  	_ =	strace s3  }
0x95: {  	s3 =	sld [smem:$0x3FFD];
	_ =	sdelay $0x3  }
0x96: {  	_ =	strace s3  }
0x97: {  	_ =	strace $0x8FFFFFFF  }
0x98: {  	s19 =	sld [smem:$0x3FDB];
	_ =	sdelay $0x1  }
0x99: {  	s4 =	simm.s32 $_scs_section_size  }
0x9a: {  	s5 =	simm.s32 $_size__tile_overlayer_lowered;
	s6 =	simm.s32 $_tile_overlayer_lowered  }
0x9b: {  	s22 =	simm.s32 $0x1BFF;
	s21 =	sshll.u32 s6, $0x1;
	s3 =	sadd.s32 s4, s19  }
0x9c: {  	s7 =	simm.s32 $0x0;
	s20 =	sshll.u32 s5, $0x1;
	s5 =	sadd.s32 s21, s3  }
0x9d: {  	[timem:s7], [sflag:s22] =	dma.local [hbm:s5], s20  }
0x9e: {  	_ =	swait.ge [sflag:s22], s20  }
0x9f: {  	s4 =	ssub.s32 $0x0, s20;
	[sflag:s22] =	ssyncset.done $0x0  }
0xa0: {  	[sflag:s22] =	ssyncadd.s32 s4;
	_ =	sdelay $0x1  }
0xa1: {  	s23 =	simm.s32 $0x1B8B  }
0xa2: {  	_ =	swait.ge [sflag:s23], $0x1  }
0xa3: {  	[sflag:s23] =	ssyncset.done $0x0  }
0xa4: {  	s25 =	simm.s32 $0x1B8E;
	s24 =	sld [smem:$0x3FFE];
	[sflag:s23] =	ssyncadd.s32 $0xFFFFFFFF  }
0xa5: {  	s26 =	simm.s32 $execute0_lowered;
	[smem:$0x3FD2] =	sst s25  }
0xa6: {  	s5 =	sshll.u32 s26, $0x1;
	_ =	strace $0x80000049;
	[dreg:$0x1] =	wrdreg $0xFFFFFFFF  }
0xa7: {  	s28 =	simm.s32 $_size_execute0_lowered;
	s3 =	sadd.s32 s3, s5;
	[dreg:$0x0] =	wrdreg $0x0  }
0xa8: {  	s5 =	sshll.u32 s28, $0x1;
	[dreg:$0x2] =	wrdreg s3  }
0xa9: {  	[dreg:$0x3] =	wrdreg s5  }
0xaa: {  	[dreg:$0x4] =	wrdreg $0xC0  }
0xab: {  	_ =	task [dreg:s7], $0x5FFFF  }
0xac: {  	[dreg:$0x1] =	wrdreg $0xFFFFFFFF  }
0xad: {  	[dreg:$0x0] =	wrdreg $0x60  }
0xae: {  	[dreg:$0x2] =	wrdreg s2  }
0xaf: {  	[dreg:$0x3] =	wrdreg s24  }
0xb0: {  	[dreg:$0x4] =	wrdreg $0xA8000  }
0xb1: {  	[dreg:$0x5] =	wrdreg $0x9  }
0xb2: {  	_ =	task.clear_ibuf [dreg:s7], $0x6FFFF;
	_ =	strace $0x90000049  }
0xb3: {  	s29 =	simm.s32 $0x9;
	_ =	strace $0x8000004B  }
0xb4: {  	_ =	swait.ge [sflag:s29], $0x1  }
0xb5: {  	[sflag:s29] =	ssyncadd.s32 $0xFFFFFFFF  }
0xb6: {  	_ =	strace $0x9000004B  }
0xb7: {  	_ =	sfence  }
0xb8: {  	s30 =	sld [smem:$0x0];
	_ =	sdelay $0x2  }
0xb9: {  	s31 =	sshll.u32 s1, $0xD;
	s1 =	sshrl.u32 s1, $0x2  }
0xba: {  	s3 =	sand.u32 $0x4000, s31;
	s1 =	sadd.s32 s1, s30  }
0xbb: {  	s0 =	sor.u32 s3, s0;
	s1 =	sshll.u32 s1, $0x11  }
0xbc: {  	s0 =	sor.u32 s1, s0  }
0xbd: {  	s0 =	sadd.s32 $0x8F2B, s0  }
0xbe: {  	[sflag:s0] =	ssyncadd.remote.s32 $0x1  }
0xbf: {  	_ =	sfence.sel $0xFFFF  }
0xc0: {  	[dreg:$0x0] =	wrdreg $0xFFFFFFFF;
	(pc) =	sbr.abs _section_cstart, $3  }
0xc1: {  	[dreg:$0x1] =	wrdreg $0xFFFFFFFF  }
0xc2: {  	_ =	task.clear_ibuf [dreg:s7], $0x2FFFF;
	_ =	strace $0x9FFFFFFF  }
0xc3: {  	(tm) =	ssettm $0x7FFFFFFF  }
tec
execute0_lowered:
.L_overlay_start_1:
0x0: {  	(tag) =	ssettag $0x1  }
0x1: {  	s1 =	rddreg [dreg:$0x0]  }
0x2: {  	s0 =	srdreg.scid;
	s8 =	rddreg [dreg:$0x1]  }
0x3: {  	s3 =	rddreg [dreg:$0x2];
	s4 =	simm.s32 $0x0;
	s16 =	simm.s32 $0x5  }
0x4: {  	s17 =	simm.s32 $0x2800;
	s18 =	simm.s32 $0x80;
	s19 =	simm.s32 $0x1  }
0x5: {  	s20 =	simm.s32 $0x100;
	s21 =	simm.s32 $0x6800;
	s22 =	simm.s32 $0x2  }
0x6: {  	s23 =	simm.s32 $0x3;
	s24 =	simm.s32 $0x4;
	s25 =	simm.s32 $0x2780  }
0x7: {  	s26 =	simm.s32 $0x0;
	s7 =	sand.u32 $0x1, s0;
	s0 =	stileid.u32  }
0x8: {  	[smem:$0x7FF] =	sst s4;
	s5 =	sadd.s32 $0xAE00, s8;
	s9 =	smul.u32 $0x140000, s7  }
0x9: {  	s2 =	sshll.u32 s7, $0x4;
	s10 =	smul.u32 $0x14000, s0;
	_ =	strace $0x8000004A  }
0xa: {  	s29 =	smul.u32 $0x50000, s0;
	s7 =	ssub.s32 $0x2, s7;
	s2 =	sor.u32 s0, s2  }
0xb: {  	s30 =	sshrl.u32 s7, $0x1;
	s6 =	smul.u32 $0x500, s2;
	s9 =	sadd.s32 s10, s9  }
0xc: {  	s31 =	sshrl.u32 s29, $0x2;
	s15 =	ssub.s32 s7, s30;
	s9 =	sshrl.u32 s9, $0x3  }
0xd: {  	s15 =	smax.u32 s15, $0x1;
	s11 =	sadd.s32 s6, s8;
	s6 =	sadd.s32 $0x32000, s8  }
0xe: {  	s14 =	sadd.s32 s9, s8;
	s8 =	sadd.s32 s31, s3;
	s7 =	sadd.s32 $0xE00, s11  }
0xf: {  	s9 =	sadd.s32 $0x4000, s8;
	s10 =	sadd.s32 $0x8000, s8;
	s11 =	sadd.s32 $0xC000, s8  }
0x10: {  	s12 =	sadd.s32 $0x10000, s8;
	s13 =	sadd.s32 $0x32800, s14;
	s14 =	sadd.s32 $0x82800, s14  }
.LBB2_1:
0x11: {  	[tilespmem:s4], [sflag:$0x5] =	stream.linear.gather [hbm4b:s7+s4], $0x2800, $0x38;
	[tilespmem:$0x1E800] =	vst v63  }
0x12: {  	_ =	swait.ge [sflag:s16], $0x2800  }
0x13: {  	[sflag:s16] =	ssyncset.done $0x0  }
0x14: {  	[sflag:s16] =	ssyncadd.s32 $0xFFFFD800  }
0x15: {  	[tilespmem:s17], [sflag:$0x5] =	stream.linear.gather [hbm4b:s6+s4], $0x4000, $0x38;
	[tilespmem:$0x1E800] =	vst v63  }
0x16: {  	_ =	swait.ge [sflag:s16], $0x4000  }
0x17: {  	[sflag:s16] =	ssyncset.done $0x0  }
0x18: {  	[sflag:s16] =	ssyncadd.s32 $0xFFFFC000  }
0x19: {  	[spmem:s8] =	stream.linear.scatter [tilespmem:s17], [sflag:$0x5], $0x4000, $0x38;
	[tilespmem:$0x1E800] =	vst v63  }
0x1a: {  	_ =	swait.ge [sflag:s16], $0x4000  }
0x1b: {  	[sflag:s16] =	ssyncset.done $0x0  }
0x1c: {  	[sflag:s16] =	ssyncadd.s32 $0xFFFFC000  }
0x1d: {  	[spmem:s9] =	stream.linear.scatter [tilespmem:s17], [sflag:$0x5], $0x4000, $0x38;
	[tilespmem:$0x1E800] =	vst v63  }
0x1e: {  	_ =	swait.ge [sflag:s16], $0x4000  }
0x1f: {  	[sflag:s16] =	ssyncset.done $0x0  }
0x20: {  	[sflag:s16] =	ssyncadd.s32 $0xFFFFC000  }
0x21: {  	[spmem:s10] =	stream.linear.scatter [tilespmem:s17], [sflag:$0x5], $0x4000, $0x38;
	[tilespmem:$0x1E800] =	vst v63  }
0x22: {  	_ =	swait.ge [sflag:s16], $0x4000  }
0x23: {  	[sflag:s16] =	ssyncset.done $0x0  }
0x24: {  	[sflag:s16] =	ssyncadd.s32 $0xFFFFC000  }
0x25: {  	[spmem:s11] =	stream.linear.scatter [tilespmem:s17], [sflag:$0x5], $0x4000, $0x38;
	[tilespmem:$0x1E800] =	vst v63  }
0x26: {  	_ =	swait.ge [sflag:s16], $0x4000  }
0x27: {  	[sflag:s16] =	ssyncset.done $0x0  }
0x28: {  	[sflag:s16] =	ssyncadd.s32 $0xFFFFC000  }
0x29: {  	[spmem:s12] =	stream.linear.scatter [tilespmem:s17], [sflag:$0x5], $0x4000, $0x38;
	[tilespmem:$0x1E800] =	vst v63  }
0x2a: {  	_ =	swait.ge [sflag:s16], $0x4000  }
0x2b: {  	[sflag:s16] =	ssyncset.done $0x0  }
0x2c: {  	[sflag:s16] =	ssyncadd.s32 $0xFFFFC000  }
0x2d: {  	[bflag:$0x0] =	sbarrier.arrive $0xFFFF  }
0x2e: {  	[tilespmem:s17], [sflag:$0x1] =	stream.indirect.gather [hbm4b:s1+s18], $0x80, s4, s18, $0xb8;
	[tilespmem:$0x1E800] =	vst v63  }
0x2f: {  	_ =	swait.ge [sflag:s19], $0x4000  }
0x30: {  	[sflag:s19] =	ssyncset.done $0x0  }
0x31: {  	[sflag:s19] =	ssyncadd.s32 $0xFFFFC000  }
0x32: {  	[spmem:s3] =	stream.indirect.scatter.add.f32 [tilespmem:s17], [sflag:$0x3], $0x80, s18, s18, $0xb8;
	[tilespmem:$0x1E800] =	vst v63  }
0x33: {  	_ = 	snop  }
0x34: {  	[tilespmem:s21], [sflag:$0x2] =	stream.indirect.gather [hbm4b:s1+s18], $0x80, s20, s18, $0xb8;
	[tilespmem:$0x1E800] =	vst v63  }
0x35: {  	_ =	swait.ge [sflag:s22], $0x4000  }
0x36: {  	[sflag:s22] =	ssyncset.done $0x0  }
0x37: {  	s28 =	simm.s32 $0x180;
	[sflag:s22] =	ssyncadd.s32 $0xFFFFC000  }
0x38: {  	[spmem:s3] =	stream.indirect.scatter.add.f32 [tilespmem:s21], [sflag:$0x4], $0x80, s28, s18, $0xb8;
	[tilespmem:$0x1E800] =	vst v63  }
0x39: {  	_ =	swait.ge [sflag:s23], $0x4000  }
0x3a: {  	[sflag:s23] =	ssyncset.done $0x0  }
0x3b: {  	s28 =	simm.s32 $0x200;
	[sflag:s23] =	ssyncadd.s32 $0xFFFFC000  }
0x3c: {  	[tilespmem:s17], [sflag:$0x1] =	stream.indirect.gather [hbm4b:s1+s18], $0x80, s28, s18, $0xb8;
	[tilespmem:$0x1E800] =	vst v63  }
0x3d: {  	_ =	swait.ge [sflag:s19], $0x4000  }
0x3e: {  	[sflag:s19] =	ssyncset.done $0x0  }
0x3f: {  	s28 =	simm.s32 $0x280;
	[sflag:s19] =	ssyncadd.s32 $0xFFFFC000  }
0x40: {  	[spmem:s3] =	stream.indirect.scatter.add.f32 [tilespmem:s17], [sflag:$0x3], $0x80, s28, s18, $0xb8;
	[tilespmem:$0x1E800] =	vst v63  }
0x41: {  	_ =	swait.ge [sflag:s24], $0x4000  }
0x42: {  	[sflag:s24] =	ssyncset.done $0x0  }
0x43: {  	s29 =	simm.s32 $0x300;
	s28 =	simm.s32 $0xFFFF7000;
	[sflag:s24] =	ssyncadd.s32 $0xFFFFC000  }
.LBB2_2:
0x44: {  	[tilespmem:s21], [sflag:$0x2] =	stream.indirect.gather [hbm4b:s1+s18], $0x80, s29, s18, $0xb8;
	[tilespmem:$0x1E800] =	vst v63  }
0x45: {  	s29 =	smov.u32 s28  }
0x46: {  	p0 =	sne.s32 s28, $0xFFFFF800;
	s28 =	sadd.s32 $0x800, s28;
	_ =	swait.ge [sflag:s22], $0x4000  }
0x47: {  	s29 =	sshra.s32 s29, $0x2;
	[sflag:s22] =	ssyncset.done $0x0  }
0x48: {  	s30 =	sadd.s32 $0x2780, s29;
	[sflag:s22] =	ssyncadd.s32 $0xFFFFC000  }
0x49: {  	[spmem:s3] =	stream.indirect.scatter.add.f32 [tilespmem:s21], [sflag:$0x4], $0x80, s30, s18, $0xb8;
	[tilespmem:$0x1E800] =	vst v63  }
0x4a: {  	_ =	swait.ge [sflag:s23], $0x4000  }
0x4b: {  	[sflag:s23] =	ssyncset.done $0x0  }
0x4c: {  	s30 =	sadd.s32 $0x2800, s29;
	[sflag:s23] =	ssyncadd.s32 $0xFFFFC000  }
0x4d: {  	[tilespmem:s17], [sflag:$0x1] =	stream.indirect.gather [hbm4b:s1+s18], $0x80, s30, s18, $0xb8;
	[tilespmem:$0x1E800] =	vst v63  }
0x4e: {  	_ =	swait.ge [sflag:s19], $0x4000  }
0x4f: {  	[sflag:s19] =	ssyncset.done $0x0  }
.Ltmp0:
0x50: {  	s30 =	sadd.s32 $0x2880, s29;
	[sflag:s19] =	ssyncadd.s32 $0xFFFFC000;
	(pc) =	sbr.rel @p0 .LBB2_2-.Ltmp0, $4  }
0x51: {  	[spmem:s3] =	stream.indirect.scatter.add.f32 [tilespmem:s17], [sflag:$0x3], $0x80, s30, s18, $0xb8;
	[tilespmem:$0x1E800] =	vst v63  }
0x52: {  	_ =	swait.ge [sflag:s24], $0x4000  }
0x53: {  	[sflag:s24] =	ssyncset.done $0x0  }
0x54: {  	s29 =	sadd.s32 $0x2900, s29;
	[sflag:s24] =	ssyncadd.s32 $0xFFFFC000  }
0x55: {  	[tilespmem:s21], [sflag:$0x2] =	stream.indirect.gather [hbm4b:s1+s18], $0x80, s29, s18, $0xb8;
	[tilespmem:$0x1E800] =	vst v63  }
0x56: {  	_ =	swait.ge [sflag:s22], $0x4000  }
0x57: {  	[sflag:s22] =	ssyncset.done $0x0  }
0x58: {  	[sflag:s22] =	ssyncadd.s32 $0xFFFFC000  }
0x59: {  	[spmem:s3] =	stream.indirect.scatter.add.f32 [tilespmem:s21], [sflag:$0x4], $0x80, s25, s18, $0xb8;
	[tilespmem:$0x1E800] =	vst v63  }
0x5a: {  	_ =	swait.ge [sflag:s23], $0x4000  }
0x5b: {  	[sflag:s23] =	ssyncset.done $0x0  }
0x5c: {  	[sflag:s23] =	ssyncadd.s32 $0xFFFFC000  }
0x5d: {  	_ =	swait.ge [sflag:s24], $0x4000  }
0x5e: {  	[sflag:s24] =	ssyncset.done $0x0  }
0x5f: {  	s28 =	sshll.u32 s0, $0x6;
	[sflag:s24] =	ssyncadd.s32 $0xFFFFC000  }
0x60: {  	s29 =	sshrl.u32 s8, $0x3;
	s28 =	sor.u32 $0x1C05, s28;
	[bflag:$0x0] =	sbarrier.arrive $0xFFFF  }
0x61: {  	[hbm:s13], [sflag:s28] =	dma.local [spmem:s29], $0x2800  }
0x62: {  	_ =	swait.ge [sflag:s16], $0x2800  }
0x63: {  	[sflag:s16] =	ssyncset.done $0x0  }
0x64: {  	[sflag:s16] =	ssyncadd.s32 $0xFFFFD800  }
0x65: {  	[bflag:$0x0] =	sbarrier.arrive $0xFFFF  }
0x66: {  	[tilespmem:s17], [sflag:$0x5] =	stream.linear.gather [hbm4b:s6+s4], $0x4000, $0x38;
	[tilespmem:$0x1E800] =	vst v63  }
0x67: {  	_ =	swait.ge [sflag:s16], $0x4000  }
0x68: {  	[sflag:s16] =	ssyncset.done $0x0  }
0x69: {  	[sflag:s16] =	ssyncadd.s32 $0xFFFFC000  }
0x6a: {  	[spmem:s8] =	stream.linear.scatter [tilespmem:s17], [sflag:$0x5], $0x4000, $0x38;
	[tilespmem:$0x1E800] =	vst v63  }
0x6b: {  	_ =	swait.ge [sflag:s16], $0x4000  }
0x6c: {  	[sflag:s16] =	ssyncset.done $0x0  }
0x6d: {  	[sflag:s16] =	ssyncadd.s32 $0xFFFFC000  }
0x6e: {  	[spmem:s9] =	stream.linear.scatter [tilespmem:s17], [sflag:$0x5], $0x4000, $0x38;
	[tilespmem:$0x1E800] =	vst v63  }
0x6f: {  	_ =	swait.ge [sflag:s16], $0x4000  }
0x70: {  	[sflag:s16] =	ssyncset.done $0x0  }
0x71: {  	[sflag:s16] =	ssyncadd.s32 $0xFFFFC000  }
0x72: {  	[spmem:s10] =	stream.linear.scatter [tilespmem:s17], [sflag:$0x5], $0x4000, $0x38;
	[tilespmem:$0x1E800] =	vst v63  }
0x73: {  	_ =	swait.ge [sflag:s16], $0x4000  }
0x74: {  	[sflag:s16] =	ssyncset.done $0x0  }
0x75: {  	[sflag:s16] =	ssyncadd.s32 $0xFFFFC000  }
0x76: {  	[spmem:s11] =	stream.linear.scatter [tilespmem:s17], [sflag:$0x5], $0x4000, $0x38;
	[tilespmem:$0x1E800] =	vst v63  }
0x77: {  	_ =	swait.ge [sflag:s16], $0x4000  }
0x78: {  	[sflag:s16] =	ssyncset.done $0x0  }
0x79: {  	[sflag:s16] =	ssyncadd.s32 $0xFFFFC000  }
0x7a: {  	[spmem:s12] =	stream.linear.scatter [tilespmem:s17], [sflag:$0x5], $0x4000, $0x38;
	[tilespmem:$0x1E800] =	vst v63  }
0x7b: {  	_ =	swait.ge [sflag:s16], $0x4000  }
0x7c: {  	[sflag:s16] =	ssyncset.done $0x0  }
0x7d: {  	[sflag:s16] =	ssyncadd.s32 $0xFFFFC000  }
0x7e: {  	[bflag:$0x0] =	sbarrier.arrive $0xFFFF  }
0x7f: {  	[tilespmem:s17], [sflag:$0x1] =	stream.indirect.gather [hbm4b:s5+s18], $0x80, s4, s18, $0xb8;
	[tilespmem:$0x1E800] =	vst v63  }
0x80: {  	_ =	swait.ge [sflag:s19], $0x4000  }
0x81: {  	[sflag:s19] =	ssyncset.done $0x0  }
0x82: {  	[sflag:s19] =	ssyncadd.s32 $0xFFFFC000  }
0x83: {  	[spmem:s3] =	stream.indirect.scatter.add.f32 [tilespmem:s17], [sflag:$0x3], $0x80, s18, s18, $0xb8;
	[tilespmem:$0x1E800] =	vst v63  }
0x84: {  	_ = 	snop  }
0x85: {  	[tilespmem:s21], [sflag:$0x2] =	stream.indirect.gather [hbm4b:s5+s18], $0x80, s20, s18, $0xb8;
	[tilespmem:$0x1E800] =	vst v63  }
0x86: {  	_ =	swait.ge [sflag:s22], $0x4000  }
0x87: {  	[sflag:s22] =	ssyncset.done $0x0  }
0x88: {  	s30 =	simm.s32 $0x180;
	[sflag:s22] =	ssyncadd.s32 $0xFFFFC000  }
0x89: {  	[spmem:s3] =	stream.indirect.scatter.add.f32 [tilespmem:s21], [sflag:$0x4], $0x80, s30, s18, $0xb8;
	[tilespmem:$0x1E800] =	vst v63  }
0x8a: {  	_ =	swait.ge [sflag:s23], $0x4000  }
0x8b: {  	[sflag:s23] =	ssyncset.done $0x0  }
0x8c: {  	s30 =	simm.s32 $0x200;
	[sflag:s23] =	ssyncadd.s32 $0xFFFFC000  }
0x8d: {  	[tilespmem:s17], [sflag:$0x1] =	stream.indirect.gather [hbm4b:s5+s18], $0x80, s30, s18, $0xb8;
	[tilespmem:$0x1E800] =	vst v63  }
0x8e: {  	_ =	swait.ge [sflag:s19], $0x4000  }
0x8f: {  	[sflag:s19] =	ssyncset.done $0x0  }
0x90: {  	s30 =	simm.s32 $0x280;
	[sflag:s19] =	ssyncadd.s32 $0xFFFFC000  }
0x91: {  	[spmem:s3] =	stream.indirect.scatter.add.f32 [tilespmem:s17], [sflag:$0x3], $0x80, s30, s18, $0xb8;
	[tilespmem:$0x1E800] =	vst v63  }
0x92: {  	_ =	swait.ge [sflag:s24], $0x4000  }
0x93: {  	[sflag:s24] =	ssyncset.done $0x0  }
0x94: {  	s31 =	simm.s32 $0x300;
	s30 =	simm.s32 $0xFFFF7000;
	[sflag:s24] =	ssyncadd.s32 $0xFFFFC000  }
.LBB2_4:
0x95: {  	[tilespmem:s21], [sflag:$0x2] =	stream.indirect.gather [hbm4b:s5+s18], $0x80, s31, s18, $0xb8;
	[tilespmem:$0x1E800] =	vst v63  }
0x96: {  	s31 =	smov.u32 s30  }
0x97: {  	p0 =	sne.s32 s30, $0xFFFFF800;
	s30 =	sadd.s32 $0x800, s30;
	_ =	swait.ge [sflag:s22], $0x4000  }
0x98: {  	s31 =	sshra.s32 s31, $0x2;
	[sflag:s22] =	ssyncset.done $0x0  }
0x99: {  	s2 =	sadd.s32 $0x2780, s31;
	[sflag:s22] =	ssyncadd.s32 $0xFFFFC000  }
0x9a: {  	[spmem:s3] =	stream.indirect.scatter.add.f32 [tilespmem:s21], [sflag:$0x4], $0x80, s2, s18, $0xb8;
	[tilespmem:$0x1E800] =	vst v63  }
0x9b: {  	_ =	swait.ge [sflag:s23], $0x4000  }
0x9c: {  	[sflag:s23] =	ssyncset.done $0x0  }
0x9d: {  	s2 =	sadd.s32 $0x2800, s31;
	[sflag:s23] =	ssyncadd.s32 $0xFFFFC000  }
0x9e: {  	[tilespmem:s17], [sflag:$0x1] =	stream.indirect.gather [hbm4b:s5+s18], $0x80, s2, s18, $0xb8;
	[tilespmem:$0x1E800] =	vst v63  }
0x9f: {  	_ =	swait.ge [sflag:s19], $0x4000  }
0xa0: {  	[sflag:s19] =	ssyncset.done $0x0  }
.Ltmp1:
0xa1: {  	s2 =	sadd.s32 $0x2880, s31;
	[sflag:s19] =	ssyncadd.s32 $0xFFFFC000;
	(pc) =	sbr.rel @p0 .LBB2_4-.Ltmp1, $4  }
0xa2: {  	[spmem:s3] =	stream.indirect.scatter.add.f32 [tilespmem:s17], [sflag:$0x3], $0x80, s2, s18, $0xb8;
	[tilespmem:$0x1E800] =	vst v63  }
0xa3: {  	_ =	swait.ge [sflag:s24], $0x4000  }
0xa4: {  	[sflag:s24] =	ssyncset.done $0x0  }
0xa5: {  	s31 =	sadd.s32 $0x2900, s31;
	[sflag:s24] =	ssyncadd.s32 $0xFFFFC000  }
0xa6: {  	[tilespmem:s21], [sflag:$0x2] =	stream.indirect.gather [hbm4b:s5+s18], $0x80, s31, s18, $0xb8;
	[tilespmem:$0x1E800] =	vst v63  }
0xa7: {  	_ =	swait.ge [sflag:s22], $0x4000  }
0xa8: {  	[sflag:s22] =	ssyncset.done $0x0  }
0xa9: {  	[sflag:s22] =	ssyncadd.s32 $0xFFFFC000  }
0xaa: {  	[spmem:s3] =	stream.indirect.scatter.add.f32 [tilespmem:s21], [sflag:$0x4], $0x80, s25, s18, $0xb8;
	[tilespmem:$0x1E800] =	vst v63  }
0xab: {  	_ =	swait.ge [sflag:s23], $0x4000  }
0xac: {  	[sflag:s23] =	ssyncset.done $0x0  }
0xad: {  	[sflag:s23] =	ssyncadd.s32 $0xFFFFC000  }
0xae: {  	_ =	swait.ge [sflag:s24], $0x4000  }
0xaf: {  	s26 =	sadd.s32 $0x1, s26;
	[sflag:s24] =	ssyncset.done $0x0  }
0xb0: {  	p0 =	sne.s32 s26, s15;
	[sflag:s24] =	ssyncadd.s32 $0xFFFFC000  }
.Ltmp2:
0xb1: {  	[bflag:$0x0] =	sbarrier.arrive $0xFFFF;
	(pc) =	sbr.rel @p0 .LBB2_1-.Ltmp2, $4  }
0xb2: {  	[hbm:s14], [sflag:s28] =	dma.local [spmem:s29], $0x2800  }
0xb3: {  	_ =	swait.ge [sflag:s16], $0x2800  }
0xb4: {  	[sflag:s16] =	ssyncset.done $0x0  }
0xb5: {  	[sflag:s16] =	ssyncadd.s32 $0xFFFFD800  }
0xb6: {  	_ =	sfence.sel $0x180000  }
0xb7: {  	[bflag:$0x0] =	sbarrier.arrive $0xFFFF  }
0xb8: {  	_ =	strace $0x9000004A  }
0xb9: {  	[bflag:$0x2] =	sbarrier.arrive $0xFFFF  }
0xba: {  	p0 =	sne.s32 s0, $0x0;
	s0 =	rddreg [dreg:$0x3]  }
0xbb: {  	s0 =	sadd.s32 @!p0 $0x100000, s0  }
0xbc: {  	[sflag:s0] =	ssyncadd.tile.s32 @!p0 $0x1;
	_ =	shalt  }
.Lfunc_end2:
_tile_overlayer_lowered:
.L_overlay_start_2:
0xbd: {  	(tag) =	ssettag $0x2  }
0xbe: {  	s0 =	rddreg [dreg:$0x0];
	s2 =	stileid.u32  }
0xbf: {  	s1 =	rddreg [dreg:$0x1];
	p0 =	sne.s32 s2, $0x0  }
0xc0: {  	s3 =	rddreg [dreg:$0x2];
	[bflag:$0x3] =	sbarrier.arrive $0xFFFF;
	s2 =	simm.s32 @!p0 $0x1C05  }
0xc1: {  	[timem:s3], [sflag:s2] =	dma.local @!p0 [hbm:s0], s1  }
0xc2: {  	s0 =	simm.s32 @!p0 $0x5  }
0xc3: {  	_ =	swait.ge @!p0 [sflag:s0], s1  }
0xc4: {  	s1 =	ssub.s32 @!p0 $0x0, s1;
	[sflag:s0] =	ssyncset.done @!p0 $0x0  }
0xc5: {  	[sflag:s0] =	ssyncadd.s32 @!p0 s1  }
0xc6: {  	[bflag:$0x3] =	sbarrier.arrive $0xFFFF  }
0xc7: {  	_ =	shalt  }

</sc_bundles>
